<compile_context>
chip_gen: v7x
topology: tpu7x:2x2x1
jax: 0.10.2.dev20260603
libtpu: 0.0.44.dev20260713+nightly
codegen_flags: <defaults>
</compile_context>

<pallas_src>
import functools

import jax
import jax.numpy as jnp
from jax import lax
from jax.experimental import pallas as pl
from jax.experimental.pallas import tpu as pltpu

from jax.experimental.pallas import tpu_sc as plsc

_N = 10000
_E = 320000
_G = 64
_IN = 128
_HID = 64
_NC2 = 2

_NCORES = 2
_NSUB = 16
_NW = _NCORES * _NSUB
_B = 128
_NBLK = _E // _B
_MS = _NBLK // _NW
_XTRA = _NBLK - _MS * _NW
_R = 10112
_ZR = _R // _NSUB



@functools.lru_cache(maxsize=None)
def _build_sc_kernels():
    mesh = plsc.VectorSubcoreMesh(core_axis_name="c", subcore_axis_name="s",
                                  num_cores=_NCORES, num_subcores=_NSUB)
    params = pltpu.CompilerParams(use_tc_tiling_on_sc=False)

    @functools.partial(
        pl.kernel,
        out_type=(
            jax.ShapeDtypeStruct((_R, 16), jnp.float32),
            jax.ShapeDtypeStruct((_R, 16), jnp.float32),
        ),
        mesh=mesh,
        scratch_types=[
            pltpu.VMEM((_MS + 1, _B), jnp.int32),
            pltpu.VMEM((_B, 16), jnp.float32),
            pltpu.VMEM_SHARED((_R, 16), jnp.float32),
            pltpu.SemaphoreType.DMA,
        ],
        compiler_params=params,
    )
    def deg_kernel(ei_hbm, zeros_hbm, ones_hbm, out0, out1,
                   idx_v, ones_v, acc_sh, sem):
        c = lax.axis_index("c")
        s = lax.axis_index("s")
        wid = s * _NCORES + c

        pltpu.sync_copy(ones_hbm, ones_v)
        pltpu.sync_copy(zeros_hbm, acc_sh.at[pl.ds(s * _ZR, _ZR)])
        plsc.subcore_barrier()

        dst_hbm = ei_hbm.at[1]
        pltpu.sync_copy(dst_hbm.at[pl.ds(wid * _MS, _MS)],
                        idx_v.at[pl.ds(0, _MS)])

        @pl.when(wid < _XTRA)
        def _():
            pltpu.sync_copy(dst_hbm.at[pl.ds(_NW * _MS + wid, 1)],
                            idx_v.at[pl.ds(_MS, 1)])

        def body(j, _):
            pltpu.async_copy(ones_v, acc_sh.at[idx_v.at[j]], sem, add=True)

            @pl.when(j >= 16)
            def _():
                pltpu.make_async_copy(ones_v, acc_sh.at[idx_v.at[0]],
                                      sem).wait()

            return 0

        lax.fori_loop(0, _MS, body, 0)

        @pl.when(wid < _XTRA)
        def _():
            pltpu.async_copy(ones_v, acc_sh.at[idx_v.at[_MS]], sem, add=True)
            pltpu.make_async_copy(ones_v, acc_sh.at[idx_v.at[0]], sem).wait()

        def drain(j, _):
            pltpu.make_async_copy(ones_v, acc_sh.at[idx_v.at[0]], sem).wait()
            return 0

        lax.fori_loop(0, 16, drain, 0)
        plsc.subcore_barrier()

        @pl.when(c == 0)
        def _():
            pltpu.sync_copy(acc_sh.at[pl.ds(s * _ZR, _ZR)],
                            out0.at[pl.ds(s * _ZR, _ZR)])

        @pl.when(c == 1)
        def _():
            pltpu.sync_copy(acc_sh.at[pl.ds(s * _ZR, _ZR)],
                            out1.at[pl.ds(s * _ZR, _ZR)])

    @functools.partial(
        pl.kernel,
        out_type=(
            jax.ShapeDtypeStruct((_R, _HID), jnp.float32),
            jax.ShapeDtypeStruct((_R, _HID), jnp.float32),
        ),
        mesh=mesh,
        scratch_types=[
            pltpu.VMEM((_MS + 1, _B), jnp.int32),
            pltpu.VMEM((_MS + 1, _B), jnp.int32),
            pltpu.VMEM((_B, _HID), jnp.float32),
            pltpu.VMEM((_B, _HID), jnp.float32),
            pltpu.VMEM((_B, _HID), jnp.float32),
            pltpu.VMEM_SHARED((_R, _HID), jnp.float32),
            pltpu.VMEM_SHARED((_R, _HID), jnp.float32),
            pltpu.SemaphoreType.DMA,
            pltpu.SemaphoreType.DMA,
            pltpu.SemaphoreType.DMA,
            pltpu.SemaphoreType.DMA,
            pltpu.SemaphoreType.DMA,
            pltpu.SemaphoreType.DMA,
        ],
        compiler_params=params,
    )
    def edge_kernel(hs_hbm, ei_hbm, zeros_hbm, out0, out1,
                    src_v, dst_v, r0, r1, r2, stage_sh, acc_sh,
                    g0, g1, g2, s0, s1, s2):
        c = lax.axis_index("c")
        s = lax.axis_index("s")
        wid = s * _NCORES + c
        sl = pl.ds(s * _ZR, _ZR)
        rows = (r0, r1, r2)
        gsems = (g0, g1, g2)
        ssems = (s0, s1, s2)

        pltpu.sync_copy(hs_hbm.at[sl], stage_sh.at[sl])

        @pl.when(c == 0)
        def _():
            pltpu.sync_copy(hs_hbm.at[sl], acc_sh.at[sl])

        @pl.when(c == 1)
        def _():
            pltpu.sync_copy(zeros_hbm, acc_sh.at[sl])

        src_hbm = ei_hbm.at[0]
        dst_hbm = ei_hbm.at[1]
        pltpu.sync_copy(src_hbm.at[pl.ds(wid * _MS, _MS)],
                        src_v.at[pl.ds(0, _MS)])
        pltpu.sync_copy(dst_hbm.at[pl.ds(wid * _MS, _MS)],
                        dst_v.at[pl.ds(0, _MS)])

        @pl.when(wid < _XTRA)
        def _():
            pltpu.sync_copy(src_hbm.at[pl.ds(_NW * _MS + wid, 1)],
                            src_v.at[pl.ds(_MS, 1)])
            pltpu.sync_copy(dst_hbm.at[pl.ds(_NW * _MS + wid, 1)],
                            dst_v.at[pl.ds(_MS, 1)])

        plsc.subcore_barrier()

        pltpu.async_copy(stage_sh.at[src_v.at[0]], rows[0], gsems[0])
        pltpu.async_copy(stage_sh.at[src_v.at[1]], rows[1], gsems[1])

        def body(i, _):
            for k in range(3):
                j = 3 * i + k
                kp = (k + 2) % 3
                pltpu.make_async_copy(stage_sh.at[src_v.at[0]], rows[k],
                                      gsems[k]).wait()
                pltpu.async_copy(rows[k], acc_sh.at[dst_v.at[j]],
                                 ssems[k], add=True)

                @pl.when(j + 2 < _MS)
                def _(j=j, kp=kp):
                    @pl.when(j >= 1)
                    def _():
                        pltpu.make_async_copy(rows[kp],
                                              acc_sh.at[dst_v.at[0]],
                                              ssems[kp]).wait()

                    pltpu.async_copy(stage_sh.at[src_v.at[j + 2]], rows[kp],
                                     gsems[kp])

            return 0

        lax.fori_loop(0, _MS // 3, body, 0)
        for k in range(3):
            pltpu.make_async_copy(rows[k], acc_sh.at[dst_v.at[0]],
                                  ssems[k]).wait()

        @pl.when(wid < _XTRA)
        def _():
            pltpu.async_copy(stage_sh.at[src_v.at[_MS]], rows[0], gsems[0])
            pltpu.make_async_copy(stage_sh.at[src_v.at[0]], rows[0],
                                  gsems[0]).wait()
            pltpu.sync_copy(rows[0], acc_sh.at[dst_v.at[_MS]], add=True)

        plsc.subcore_barrier()

        @pl.when(c == 0)
        def _():
            pltpu.sync_copy(acc_sh.at[pl.ds(s * _ZR, _ZR)],
                            out0.at[pl.ds(s * _ZR, _ZR)])

        @pl.when(c == 1)
        def _():
            pltpu.sync_copy(acc_sh.at[pl.ds(s * _ZR, _ZR)],
                            out1.at[pl.ds(s * _ZR, _ZR)])

    return deg_kernel, edge_kernel



def _mm_scale_body(x_ref, w_ref, d0_ref, d1_ref, hs_ref, dinv_ref):
    h = jnp.dot(x_ref[...], w_ref[...], preferred_element_type=jnp.float32)
    deg = d0_ref[0:_N, 0:1] + d1_ref[0:_N, 0:1] + 1.0
    dinv = lax.rsqrt(deg)
    dinv_ref[...] = dinv
    hs_ref[0:_N, :] = h * dinv
    hs_ref[_N:_R, :] = jnp.zeros((_R - _N, _HID), jnp.float32)


def _mid_body(a0_ref, a1_ref, dinv_ref, b_ref, w_ref, o_ref):
    z = (a0_ref[0:_N, :] + a1_ref[0:_N, :]) * dinv_ref[...] + b_ref[...]
    h = jnp.maximum(z, 0.0)
    o_ref[0:_N, :] = jnp.dot(h, w_ref[...],
                             preferred_element_type=jnp.float32) * dinv_ref[...]
    o_ref[_N:_R, :] = jnp.zeros((_R - _N, _HID), jnp.float32)


def _final_body(a0_ref, a1_ref, dinv_ref, b_ref, batch_ref,
                wc_ref, bc_ref, o_ref):
    z = (a0_ref[0:_N, :] + a1_ref[0:_N, :]) * dinv_ref[...] + b_ref[...]
    h = jnp.maximum(z, 0.0)
    gid = lax.broadcasted_iota(jnp.int32, (_N, _G), 1)
    mask = jnp.where(batch_ref[...] == gid, 1.0, 0.0)
    sums = lax.dot_general(mask, h, (((0,), (0,)), ((), ())),
                           preferred_element_type=jnp.float32)
    cnt = lax.dot_general(mask, jnp.ones((_N, 1), jnp.float32),
                          (((0,), (0,)), ((), ())),
                          preferred_element_type=jnp.float32)
    g = sums / jnp.maximum(cnt, 1.0)
    logits = jnp.dot(g, wc_ref[...],
                     preferred_element_type=jnp.float32) + bc_ref[...]
    m = jnp.max(logits, axis=1, keepdims=True)
    sh = logits - m
    lse = jnp.log(jnp.sum(jnp.exp(sh), axis=1, keepdims=True))
    o_ref[...] = sh - lse


def _tc_call(body, out_shape, *args):
    return pl.pallas_call(
        body,
        out_shape=out_shape,
    )(*args)



def kernel(x, edge_index, batch, W1, b1, W2, b2, Wc, bc):
    f32 = jnp.float32
    ei3 = edge_index.reshape(2, _NBLK, _B)
    batch2 = batch.reshape(_N, 1)
    b1r = b1.reshape(1, _HID)
    b2r = b2.reshape(1, _HID)
    bcr = bc.reshape(1, _NC2)

    deg_kernel, edge_kernel = _build_sc_kernels()
    zeros16 = jnp.zeros((_ZR, 16), f32)
    ones16 = jnp.ones((_B, 16), f32)
    zeros64 = jnp.zeros((_ZR, _HID), f32)

    deg0, deg1 = deg_kernel(ei3, zeros16, ones16)

    hs1, dinv = _tc_call(
        _mm_scale_body,
        (jax.ShapeDtypeStruct((_R, _HID), f32),
         jax.ShapeDtypeStruct((_N, 1), f32)),
        x, W1, deg0, deg1)

    a10, a11 = edge_kernel(hs1, ei3, zeros64)

    hs2 = _tc_call(_mid_body, jax.ShapeDtypeStruct((_R, _HID), f32),
                   a10, a11, dinv, b1r, W2)

    a20, a21 = edge_kernel(hs2, ei3, zeros64)

    out = _tc_call(_final_body, jax.ShapeDtypeStruct((_G, _NC2), f32),
                   a20, a21, dinv, b2r, batch2, Wc, bcr)
    return out

# --- scband reference (transcript-rebuilt; emitter-appended) ---
"""Pipeline reference for scband-simple-gnnclassifier-55027120996504 (READ-ONLY COPY).

The authoritative reference and input builder live on the scoring server;
editing this copy changes nothing except your own understanding.
"""

import jax, jax.numpy as jnp
import numpy as np

N = 10000
E = 320000
NUM_GRAPHS = 64
IN_DIM = 128
HID = 64
NUM_CLASSES = 2


def gcn_conv(x, edge_index, W, b):
    n = x.shape[0]
    loop = jnp.arange(n, dtype=edge_index.dtype)
    src = jnp.concatenate([edge_index[0], loop])
    dst = jnp.concatenate([edge_index[1], loop])
    h = x @ W
    ones = jnp.ones(src.shape[0], dtype=x.dtype)
    deg = jax.ops.segment_sum(ones, dst, num_segments=n)
    dinv = jnp.where(deg > 0, deg ** -0.5, 0.0)
    norm = dinv[src] * dinv[dst]
    msg = h[src] * norm[:, None]
    out = jax.ops.segment_sum(msg, dst, num_segments=n)
    return out + b


def global_mean_pool(x, batch, num_graphs):
    sums = jax.ops.segment_sum(x, batch, num_segments=num_graphs)
    cnts = jax.ops.segment_sum(jnp.ones(x.shape[0], dtype=x.dtype), batch, num_segments=num_graphs)
    return sums / jnp.maximum(cnts, 1.0)[:, None]


def setup_inputs(seed: int = 0):
    key = jax.random.key(seed)
    ks = jax.random.split(key, 10)
    x = jax.random.normal(ks[0], (N, IN_DIM), dtype=jnp.float32)
    edge_index = jax.random.randint(ks[1], (2, E), 0, N, dtype=jnp.int32)
    batch = jnp.sort(jax.random.randint(ks[2], (N,), 0, NUM_GRAPHS, dtype=jnp.int32))
    s1 = 1.0 / np.sqrt(IN_DIM)
    s2 = 1.0 / np.sqrt(HID)
    W1 = jax.random.uniform(ks[3], (IN_DIM, HID), dtype=jnp.float32, minval=-s1, maxval=s1)
    b1 = jnp.zeros((HID,), dtype=jnp.float32)
    W2 = jax.random.uniform(ks[4], (HID, HID), dtype=jnp.float32, minval=-s2, maxval=s2)
    b2 = jnp.zeros((HID,), dtype=jnp.float32)
    Wc = jax.random.uniform(ks[5], (HID, NUM_CLASSES), dtype=jnp.float32, minval=-s2, maxval=s2)
    bc = jnp.zeros((NUM_CLASSES,), dtype=jnp.float32)
    return {"x": x, "edge_index": edge_index, "batch": batch, "W1": W1, "b1": b1, "W2": W2, "b2": b2, "Wc": Wc, "bc": bc}


def reference(x, edge_index, batch, W1, b1, W2, b2, Wc, bc):
    h = gcn_conv(x, edge_index, W1, b1)
    h = jax.nn.relu(h)
    # dropout is identity in eval mode
    h = gcn_conv(h, edge_index, W2, b2)
    h = jax.nn.relu(h)
    g = global_mean_pool(h, batch, NUM_GRAPHS)
    logits = g @ Wc + bc
    return jax.nn.log_softmax(logits, axis=1)

if __name__ == "__main__":
    import jax
    _d = setup_inputs()
    print(jax.jit(kernel)(*tuple(_d.values())))

</pallas_src>

<mosaic_0001>
#map = affine_map<(d0, d1) -> (0, 0)>
#map1 = affine_map<(d0, d1) -> (0, 0, 0)>
module attributes {stable_mosaic.version = 14 : i64} {
  func.func @edge_kernel(%arg0: i32, %arg1: i32, %arg2: memref<10112x64xf32, #tpu.memory_space<hbm>>, %arg3: memref<2x2500x128xi32, #tpu.memory_space<hbm>>, %arg4: memref<632x64xf32, #tpu.memory_space<hbm>>, %arg5: memref<10112x64xf32, #tpu.memory_space<hbm>>, %arg6: memref<10112x64xf32, #tpu.memory_space<hbm>>, %arg7: memref<79x128xi32, #tpu.memory_space<vmem>>, %arg8: memref<79x128xi32, #tpu.memory_space<vmem>>, %arg9: memref<128x64xf32, #tpu.memory_space<vmem>>, %arg10: memref<128x64xf32, #tpu.memory_space<vmem>>, %arg11: memref<128x64xf32, #tpu.memory_space<vmem>>, %arg12: memref<10112x64xf32, #tpu.memory_space<vmem_shared>>, %arg13: memref<10112x64xf32, #tpu.memory_space<vmem_shared>>, %arg14: memref<!tpu.dma_semaphore, #tpu.memory_space<semaphore_mem>>, %arg15: memref<!tpu.dma_semaphore, #tpu.memory_space<semaphore_mem>>, %arg16: memref<!tpu.dma_semaphore, #tpu.memory_space<semaphore_mem>>, %arg17: memref<!tpu.dma_semaphore, #tpu.memory_space<semaphore_mem>>, %arg18: memref<!tpu.dma_semaphore, #tpu.memory_space<semaphore_mem>>, %arg19: memref<!tpu.dma_semaphore, #tpu.memory_space<semaphore_mem>>) attributes {dimension_semantics = [#tpu.dimension_semantics<core_parallel>, #tpu.dimension_semantics<subcore_parallel>], iteration_bounds = array<i64: 2, 16>, scalar_prefetch = 0 : i64, scratch_operands = 13 : i64, tpu.core_type = #tpu.core_type<sc_vector_subcore>, window_params = [{transform_indices = #map}, {transform_indices = #map1}, {transform_indices = #map}, {transform_indices = #map}, {transform_indices = #map}]} {
    %mul3A = arith.constant 2 : i32
    %mul3A_0 = arith.muli %arg1, %mul3A : i32
    %add3A = arith.addi %mul3A_0, %arg0 : i32
    %mul3A_1 = arith.constant 632 : i32
    %mul3A_2 = arith.muli %arg1, %mul3A_1 : i32
    "tpu.region"() ({
      %run_scoped3A_76 = tpu.sem_alloc : memref<!tpu.dma_semaphore, #tpu.memory_space<semaphore_mem>>
      %dma_start3A_77 = arith.constant 0 : i32
      %dma_start3A_78 = tpu.memref_slice %arg12[%mul3A_2, %dma_start3A_77] : memref<10112x64xf32, #tpu.memory_space<vmem_shared>> -> memref<632x64xf32, #tpu.memory_space<vmem_shared>>
      %dma_start3A_79 = arith.constant 0 : i32
      %dma_start3A_80 = tpu.memref_slice %arg2[%mul3A_2, %dma_start3A_79] : memref<10112x64xf32, #tpu.memory_space<hbm>> -> memref<632x64xf32, #tpu.memory_space<hbm>>
      tpu.enqueue_dma source(%dma_start3A_80 : memref<632x64xf32, #tpu.memory_space<hbm>>) target(%dma_start3A_78 : memref<632x64xf32, #tpu.memory_space<vmem_shared>>) target_semaphore(%run_scoped3A_76 : memref<!tpu.dma_semaphore, #tpu.memory_space<semaphore_mem>>)
      %dma_wait3A_81 = arith.constant 0 : i32
      %dma_wait3A_82 = tpu.memref_slice %arg12[%mul3A_2, %dma_wait3A_81] : memref<10112x64xf32, #tpu.memory_space<vmem_shared>> -> memref<632x64xf32, #tpu.memory_space<vmem_shared>>
      %dma_wait3A_83 = arith.constant 0 : i32
      %dma_wait3A_84 = tpu.memref_slice %arg2[%mul3A_2, %dma_wait3A_83] : memref<10112x64xf32, #tpu.memory_space<hbm>> -> memref<632x64xf32, #tpu.memory_space<hbm>>
      tpu.wait_dma2 semaphore(%run_scoped3A_76 : memref<!tpu.dma_semaphore, #tpu.memory_space<semaphore_mem>>) src(%dma_wait3A_84 : memref<632x64xf32, #tpu.memory_space<hbm>>) dst(%dma_wait3A_82 : memref<632x64xf32, #tpu.memory_space<vmem_shared>>)
      tpu.yield
    }) : () -> ()
    %eq3A = arith.constant 0 : i32
    %eq3A_3 = arith.cmpi eq, %arg0, %eq3A : i32
    %convert_element_type3A = arith.extui %eq3A_3 : i1 to i32
    %cond3A = arith.constant 0 : i32
    %cond3A_4 = arith.cmpi ne, %convert_element_type3A, %cond3A : i32
    scf.if %cond3A_4 {
      "tpu.region"() ({
        %run_scoped3A_76 = tpu.sem_alloc : memref<!tpu.dma_semaphore, #tpu.memory_space<semaphore_mem>>
        %dma_start3A_77 = arith.constant 0 : i32
        %dma_start3A_78 = tpu.memref_slice %arg13[%mul3A_2, %dma_start3A_77] : memref<10112x64xf32, #tpu.memory_space<vmem_shared>> -> memref<632x64xf32, #tpu.memory_space<vmem_shared>>
        %dma_start3A_79 = arith.constant 0 : i32
        %dma_start3A_80 = tpu.memref_slice %arg2[%mul3A_2, %dma_start3A_79] : memref<10112x64xf32, #tpu.memory_space<hbm>> -> memref<632x64xf32, #tpu.memory_space<hbm>>
        tpu.enqueue_dma source(%dma_start3A_80 : memref<632x64xf32, #tpu.memory_space<hbm>>) target(%dma_start3A_78 : memref<632x64xf32, #tpu.memory_space<vmem_shared>>) target_semaphore(%run_scoped3A_76 : memref<!tpu.dma_semaphore, #tpu.memory_space<semaphore_mem>>)
        %dma_wait3A_81 = arith.constant 0 : i32
        %dma_wait3A_82 = tpu.memref_slice %arg13[%mul3A_2, %dma_wait3A_81] : memref<10112x64xf32, #tpu.memory_space<vmem_shared>> -> memref<632x64xf32, #tpu.memory_space<vmem_shared>>
        %dma_wait3A_83 = arith.constant 0 : i32
        %dma_wait3A_84 = tpu.memref_slice %arg2[%mul3A_2, %dma_wait3A_83] : memref<10112x64xf32, #tpu.memory_space<hbm>> -> memref<632x64xf32, #tpu.memory_space<hbm>>
        tpu.wait_dma2 semaphore(%run_scoped3A_76 : memref<!tpu.dma_semaphore, #tpu.memory_space<semaphore_mem>>) src(%dma_wait3A_84 : memref<632x64xf32, #tpu.memory_space<hbm>>) dst(%dma_wait3A_82 : memref<632x64xf32, #tpu.memory_space<vmem_shared>>)
        tpu.yield
      }) : () -> ()
    } else {
    }
    %eq3A_5 = arith.constant 1 : i32
    %eq3A_6 = arith.cmpi eq, %arg0, %eq3A_5 : i32
    %convert_element_type3A_7 = arith.extui %eq3A_6 : i1 to i32
    %cond3A_8 = arith.constant 0 : i32
    %cond3A_9 = arith.cmpi ne, %convert_element_type3A_7, %cond3A_8 : i32
    scf.if %cond3A_9 {
      "tpu.region"() ({
        %run_scoped3A_76 = tpu.sem_alloc : memref<!tpu.dma_semaphore, #tpu.memory_space<semaphore_mem>>
        %dma_start3A_77 = arith.constant 0 : i32
        %dma_start3A_78 = tpu.memref_slice %arg13[%mul3A_2, %dma_start3A_77] : memref<10112x64xf32, #tpu.memory_space<vmem_shared>> -> memref<632x64xf32, #tpu.memory_space<vmem_shared>>
        tpu.enqueue_dma source(%arg4 : memref<632x64xf32, #tpu.memory_space<hbm>>) target(%dma_start3A_78 : memref<632x64xf32, #tpu.memory_space<vmem_shared>>) target_semaphore(%run_scoped3A_76 : memref<!tpu.dma_semaphore, #tpu.memory_space<semaphore_mem>>)
        %dma_wait3A_79 = arith.constant 0 : i32
        %dma_wait3A_80 = tpu.memref_slice %arg13[%mul3A_2, %dma_wait3A_79] : memref<10112x64xf32, #tpu.memory_space<vmem_shared>> -> memref<632x64xf32, #tpu.memory_space<vmem_shared>>
        tpu.wait_dma2 semaphore(%run_scoped3A_76 : memref<!tpu.dma_semaphore, #tpu.memory_space<semaphore_mem>>) src(%arg4 : memref<632x64xf32, #tpu.memory_space<hbm>>) dst(%dma_wait3A_80 : memref<632x64xf32, #tpu.memory_space<vmem_shared>>)
        tpu.yield
      }) : () -> ()
    } else {
    }
    %mul3A_10 = arith.constant 78 : i32
    %mul3A_11 = arith.muli %add3A, %mul3A_10 : i32
    %run_scoped3A = arith.constant 0 : i32
    "tpu.region"() ({
      %run_scoped3A_76 = tpu.sem_alloc : memref<!tpu.dma_semaphore, #tpu.memory_space<semaphore_mem>>
      %dma_start3A_77 = arith.constant 0 : i32
      %dma_start3A_78 = arith.constant 0 : i32
      %dma_start3A_79 = tpu.memref_slice %arg7[%dma_start3A_77, %dma_start3A_78] : memref<79x128xi32, #tpu.memory_space<vmem>> -> memref<78x128xi32, #tpu.memory_space<vmem>>
      %dma_start3A_80 = arith.constant 0 : i32
      %dma_start3A_81 = arith.constant 0 : i32
      %dma_start3A_82 = tpu.memref_slice %arg3[%run_scoped3A, %dma_start3A_80, %dma_start3A_81] : memref<2x2500x128xi32, #tpu.memory_space<hbm>> -> memref<1x2500x128xi32, #tpu.memory_space<hbm>>
      %dma_start3A_83 = tpu.memref_squeeze %dma_start3A_82 : memref<1x2500x128xi32, #tpu.memory_space<hbm>> -> memref<2500x128xi32, #tpu.memory_space<hbm>>
      %dma_start3A_84 = arith.constant 0 : i32
      %dma_start3A_85 = tpu.memref_slice %dma_start3A_83[%mul3A_11, %dma_start3A_84] : memref<2500x128xi32, #tpu.memory_space<hbm>> -> memref<78x128xi32, #tpu.memory_space<hbm>>
      %dma_start3A_86 = arith.constant 0 : i32
      %dma_start3A_87 = arith.constant 0 : i32
      %dma_start3A_88 = tpu.memref_slice %arg7[%dma_start3A_86, %dma_start3A_87] : memref<79x128xi32, #tpu.memory_space<vmem>> -> memref<78x128xi32, #tpu.memory_space<vmem>>
      %dma_start3A_89 = arith.constant 0 : i32
      %dma_start3A_90 = arith.constant 0 : i32
      %dma_start3A_91 = tpu.memref_slice %arg3[%run_scoped3A, %dma_start3A_89, %dma_start3A_90] : memref<2x2500x128xi32, #tpu.memory_space<hbm>> -> memref<1x2500x128xi32, #tpu.memory_space<hbm>>
      %dma_start3A_92 = tpu.memref_squeeze %dma_start3A_91 : memref<1x2500x128xi32, #tpu.memory_space<hbm>> -> memref<2500x128xi32, #tpu.memory_space<hbm>>
      %dma_start3A_93 = arith.constant 0 : i32
      %dma_start3A_94 = tpu.memref_slice %dma_start3A_92[%mul3A_11, %dma_start3A_93] : memref<2500x128xi32, #tpu.memory_space<hbm>> -> memref<78x128xi32, #tpu.memory_space<hbm>>
      tpu.enqueue_dma source(%dma_start3A_94 : memref<78x128xi32, #tpu.memory_space<hbm>>) target(%dma_start3A_88 : memref<78x128xi32, #tpu.memory_space<vmem>>) target_semaphore(%run_scoped3A_76 : memref<!tpu.dma_semaphore, #tpu.memory_space<semaphore_mem>>)
      %dma_wait3A_95 = arith.constant 0 : i32
      %dma_wait3A_96 = arith.constant 0 : i32
      %dma_wait3A_97 = tpu.memref_slice %arg7[%dma_wait3A_95, %dma_wait3A_96] : memref<79x128xi32, #tpu.memory_space<vmem>> -> memref<78x128xi32, #tpu.memory_space<vmem>>
      %dma_wait3A_98 = arith.constant 0 : i32
      %dma_wait3A_99 = arith.constant 0 : i32
      %dma_wait3A_100 = tpu.memref_slice %arg3[%run_scoped3A, %dma_wait3A_98, %dma_wait3A_99] : memref<2x2500x128xi32, #tpu.memory_space<hbm>> -> memref<1x2500x128xi32, #tpu.memory_space<hbm>>
      %dma_wait3A_101 = tpu.memref_squeeze %dma_wait3A_100 : memref<1x2500x128xi32, #tpu.memory_space<hbm>> -> memref<2500x128xi32, #tpu.memory_space<hbm>>
      %dma_wait3A_102 = arith.constant 0 : i32
      %dma_wait3A_103 = tpu.memref_slice %dma_wait3A_101[%mul3A_11, %dma_wait3A_102] : memref<2500x128xi32, #tpu.memory_space<hbm>> -> memref<78x128xi32, #tpu.memory_space<hbm>>
      %dma_wait3A_104 = arith.constant 0 : i32
      %dma_wait3A_105 = arith.constant 0 : i32
      %dma_wait3A_106 = tpu.memref_slice %arg7[%dma_wait3A_104, %dma_wait3A_105] : memref<79x128xi32, #tpu.memory_space<vmem>> -> memref<78x128xi32, #tpu.memory_space<vmem>>
      %dma_wait3A_107 = arith.constant 0 : i32
      %dma_wait3A_108 = arith.constant 0 : i32
      %dma_wait3A_109 = tpu.memref_slice %arg3[%run_scoped3A, %dma_wait3A_107, %dma_wait3A_108] : memref<2x2500x128xi32, #tpu.memory_space<hbm>> -> memref<1x2500x128xi32, #tpu.memory_space<hbm>>
      %dma_wait3A_110 = tpu.memref_squeeze %dma_wait3A_109 : memref<1x2500x128xi32, #tpu.memory_space<hbm>> -> memref<2500x128xi32, #tpu.memory_space<hbm>>
      %dma_wait3A_111 = arith.constant 0 : i32
      %dma_wait3A_112 = tpu.memref_slice %dma_wait3A_110[%mul3A_11, %dma_wait3A_111] : memref<2500x128xi32, #tpu.memory_space<hbm>> -> memref<78x128xi32, #tpu.memory_space<hbm>>
      tpu.wait_dma2 semaphore(%run_scoped3A_76 : memref<!tpu.dma_semaphore, #tpu.memory_space<semaphore_mem>>) src(%dma_wait3A_112 : memref<78x128xi32, #tpu.memory_space<hbm>>) dst(%dma_wait3A_106 : memref<78x128xi32, #tpu.memory_space<vmem>>)
      tpu.yield
    }) : () -> ()
    %mul3A_12 = arith.constant 78 : i32
    %mul3A_13 = arith.muli %add3A, %mul3A_12 : i32
    %run_scoped3A_14 = arith.constant 1 : i32
    "tpu.region"() ({
      %run_scoped3A_76 = tpu.sem_alloc : memref<!tpu.dma_semaphore, #tpu.memory_space<semaphore_mem>>
      %dma_start3A_77 = arith.constant 0 : i32
      %dma_start3A_78 = arith.constant 0 : i32
      %dma_start3A_79 = tpu.memref_slice %arg8[%dma_start3A_77, %dma_start3A_78] : memref<79x128xi32, #tpu.memory_space<vmem>> -> memref<78x128xi32, #tpu.memory_space<vmem>>
      %dma_start3A_80 = arith.constant 0 : i32
      %dma_start3A_81 = arith.constant 0 : i32
      %dma_start3A_82 = tpu.memref_slice %arg3[%run_scoped3A_14, %dma_start3A_80, %dma_start3A_81] : memref<2x2500x128xi32, #tpu.memory_space<hbm>> -> memref<1x2500x128xi32, #tpu.memory_space<hbm>>
      %dma_start3A_83 = tpu.memref_squeeze %dma_start3A_82 : memref<1x2500x128xi32, #tpu.memory_space<hbm>> -> memref<2500x128xi32, #tpu.memory_space<hbm>>
      %dma_start3A_84 = arith.constant 0 : i32
      %dma_start3A_85 = tpu.memref_slice %dma_start3A_83[%mul3A_13, %dma_start3A_84] : memref<2500x128xi32, #tpu.memory_space<hbm>> -> memref<78x128xi32, #tpu.memory_space<hbm>>
      %dma_start3A_86 = arith.constant 0 : i32
      %dma_start3A_87 = arith.constant 0 : i32
      %dma_start3A_88 = tpu.memref_slice %arg8[%dma_start3A_86, %dma_start3A_87] : memref<79x128xi32, #tpu.memory_space<vmem>> -> memref<78x128xi32, #tpu.memory_space<vmem>>
      %dma_start3A_89 = arith.constant 0 : i32
      %dma_start3A_90 = arith.constant 0 : i32
      %dma_start3A_91 = tpu.memref_slice %arg3[%run_scoped3A_14, %dma_start3A_89, %dma_start3A_90] : memref<2x2500x128xi32, #tpu.memory_space<hbm>> -> memref<1x2500x128xi32, #tpu.memory_space<hbm>>
      %dma_start3A_92 = tpu.memref_squeeze %dma_start3A_91 : memref<1x2500x128xi32, #tpu.memory_space<hbm>> -> memref<2500x128xi32, #tpu.memory_space<hbm>>
      %dma_start3A_93 = arith.constant 0 : i32
      %dma_start3A_94 = tpu.memref_slice %dma_start3A_92[%mul3A_13, %dma_start3A_93] : memref<2500x128xi32, #tpu.memory_space<hbm>> -> memref<78x128xi32, #tpu.memory_space<hbm>>
      tpu.enqueue_dma source(%dma_start3A_94 : memref<78x128xi32, #tpu.memory_space<hbm>>) target(%dma_start3A_88 : memref<78x128xi32, #tpu.memory_space<vmem>>) target_semaphore(%run_scoped3A_76 : memref<!tpu.dma_semaphore, #tpu.memory_space<semaphore_mem>>)
      %dma_wait3A_95 = arith.constant 0 : i32
      %dma_wait3A_96 = arith.constant 0 : i32
      %dma_wait3A_97 = tpu.memref_slice %arg8[%dma_wait3A_95, %dma_wait3A_96] : memref<79x128xi32, #tpu.memory_space<vmem>> -> memref<78x128xi32, #tpu.memory_space<vmem>>
      %dma_wait3A_98 = arith.constant 0 : i32
      %dma_wait3A_99 = arith.constant 0 : i32
      %dma_wait3A_100 = tpu.memref_slice %arg3[%run_scoped3A_14, %dma_wait3A_98, %dma_wait3A_99] : memref<2x2500x128xi32, #tpu.memory_space<hbm>> -> memref<1x2500x128xi32, #tpu.memory_space<hbm>>
      %dma_wait3A_101 = tpu.memref_squeeze %dma_wait3A_100 : memref<1x2500x128xi32, #tpu.memory_space<hbm>> -> memref<2500x128xi32, #tpu.memory_space<hbm>>
      %dma_wait3A_102 = arith.constant 0 : i32
      %dma_wait3A_103 = tpu.memref_slice %dma_wait3A_101[%mul3A_13, %dma_wait3A_102] : memref<2500x128xi32, #tpu.memory_space<hbm>> -> memref<78x128xi32, #tpu.memory_space<hbm>>
      %dma_wait3A_104 = arith.constant 0 : i32
      %dma_wait3A_105 = arith.constant 0 : i32
      %dma_wait3A_106 = tpu.memref_slice %arg8[%dma_wait3A_104, %dma_wait3A_105] : memref<79x128xi32, #tpu.memory_space<vmem>> -> memref<78x128xi32, #tpu.memory_space<vmem>>
      %dma_wait3A_107 = arith.constant 0 : i32
      %dma_wait3A_108 = arith.constant 0 : i32
      %dma_wait3A_109 = tpu.memref_slice %arg3[%run_scoped3A_14, %dma_wait3A_107, %dma_wait3A_108] : memref<2x2500x128xi32, #tpu.memory_space<hbm>> -> memref<1x2500x128xi32, #tpu.memory_space<hbm>>
      %dma_wait3A_110 = tpu.memref_squeeze %dma_wait3A_109 : memref<1x2500x128xi32, #tpu.memory_space<hbm>> -> memref<2500x128xi32, #tpu.memory_space<hbm>>
      %dma_wait3A_111 = arith.constant 0 : i32
      %dma_wait3A_112 = tpu.memref_slice %dma_wait3A_110[%mul3A_13, %dma_wait3A_111] : memref<2500x128xi32, #tpu.memory_space<hbm>> -> memref<78x128xi32, #tpu.memory_space<hbm>>
      tpu.wait_dma2 semaphore(%run_scoped3A_76 : memref<!tpu.dma_semaphore, #tpu.memory_space<semaphore_mem>>) src(%dma_wait3A_112 : memref<78x128xi32, #tpu.memory_space<hbm>>) dst(%dma_wait3A_106 : memref<78x128xi32, #tpu.memory_space<vmem>>)
      tpu.yield
    }) : () -> ()
    %lt3A = arith.constant 4 : i32
    %lt3A_15 = arith.cmpi slt, %add3A, %lt3A : i32
    %convert_element_type3A_16 = arith.extui %lt3A_15 : i1 to i32
    %cond3A_17 = arith.constant 0 : i32
    %cond3A_18 = arith.constant 1 : i32
    %cond3A_19 = arith.constant 0 : i32
    %cond3A_20 = arith.cmpi ne, %convert_element_type3A_16, %cond3A_19 : i32
    scf.if %cond3A_20 {
      %add3A_76 = arith.constant 2496 : i32
      %add3A_77 = arith.addi %add3A_76, %add3A : i32
      "tpu.region"() ({
        %run_scoped3A_80 = tpu.sem_alloc : memref<!tpu.dma_semaphore, #tpu.memory_space<semaphore_mem>>
        %dma_start3A_81 = arith.constant 78 : i32
        %dma_start3A_82 = arith.constant 0 : i32
        %dma_start3A_83 = tpu.memref_slice %arg7[%dma_start3A_81, %dma_start3A_82] : memref<79x128xi32, #tpu.memory_space<vmem>> -> memref<1x128xi32, #tpu.memory_space<vmem>>
        %dma_start3A_84 = arith.constant 0 : i32
        %dma_start3A_85 = arith.constant 0 : i32
        %dma_start3A_86 = tpu.memref_slice %arg3[%cond3A_17, %dma_start3A_84, %dma_start3A_85] : memref<2x2500x128xi32, #tpu.memory_space<hbm>> -> memref<1x2500x128xi32, #tpu.memory_space<hbm>>
        %dma_start3A_87 = tpu.memref_squeeze %dma_start3A_86 : memref<1x2500x128xi32, #tpu.memory_space<hbm>> -> memref<2500x128xi32, #tpu.memory_space<hbm>>
        %dma_start3A_88 = arith.constant 0 : i32
        %dma_start3A_89 = tpu.memref_slice %dma_start3A_87[%add3A_77, %dma_start3A_88] : memref<2500x128xi32, #tpu.memory_space<hbm>> -> memref<1x128xi32, #tpu.memory_space<hbm>>
        %dma_start3A_90 = arith.constant 78 : i32
        %dma_start3A_91 = arith.constant 0 : i32
        %dma_start3A_92 = tpu.memref_slice %arg7[%dma_start3A_90, %dma_start3A_91] : memref<79x128xi32, #tpu.memory_space<vmem>> -> memref<1x128xi32, #tpu.memory_space<vmem>>
        %dma_start3A_93 = arith.constant 0 : i32
        %dma_start3A_94 = arith.constant 0 : i32
        %dma_start3A_95 = tpu.memref_slice %arg3[%cond3A_17, %dma_start3A_93, %dma_start3A_94] : memref<2x2500x128xi32, #tpu.memory_space<hbm>> -> memref<1x2500x128xi32, #tpu.memory_space<hbm>>
        %dma_start3A_96 = tpu.memref_squeeze %dma_start3A_95 : memref<1x2500x128xi32, #tpu.memory_space<hbm>> -> memref<2500x128xi32, #tpu.memory_space<hbm>>
        %dma_start3A_97 = arith.constant 0 : i32
        %dma_start3A_98 = tpu.memref_slice %dma_start3A_96[%add3A_77, %dma_start3A_97] : memref<2500x128xi32, #tpu.memory_space<hbm>> -> memref<1x128xi32, #tpu.memory_space<hbm>>
        tpu.enqueue_dma source(%dma_start3A_98 : memref<1x128xi32, #tpu.memory_space<hbm>>) target(%dma_start3A_92 : memref<1x128xi32, #tpu.memory_space<vmem>>) target_semaphore(%run_scoped3A_80 : memref<!tpu.dma_semaphore, #tpu.memory_space<semaphore_mem>>)
        %dma_wait3A_99 = arith.constant 78 : i32
        %dma_wait3A_100 = arith.constant 0 : i32
        %dma_wait3A_101 = tpu.memref_slice %arg7[%dma_wait3A_99, %dma_wait3A_100] : memref<79x128xi32, #tpu.memory_space<vmem>> -> memref<1x128xi32, #tpu.memory_space<vmem>>
        %dma_wait3A_102 = arith.constant 0 : i32
        %dma_wait3A_103 = arith.constant 0 : i32
        %dma_wait3A_104 = tpu.memref_slice %arg3[%cond3A_17, %dma_wait3A_102, %dma_wait3A_103] : memref<2x2500x128xi32, #tpu.memory_space<hbm>> -> memref<1x2500x128xi32, #tpu.memory_space<hbm>>
        %dma_wait3A_105 = tpu.memref_squeeze %dma_wait3A_104 : memref<1x2500x128xi32, #tpu.memory_space<hbm>> -> memref<2500x128xi32, #tpu.memory_space<hbm>>
        %dma_wait3A_106 = arith.constant 0 : i32
        %dma_wait3A_107 = tpu.memref_slice %dma_wait3A_105[%add3A_77, %dma_wait3A_106] : memref<2500x128xi32, #tpu.memory_space<hbm>> -> memref<1x128xi32, #tpu.memory_space<hbm>>
        %dma_wait3A_108 = arith.constant 78 : i32
        %dma_wait3A_109 = arith.constant 0 : i32
        %dma_wait3A_110 = tpu.memref_slice %arg7[%dma_wait3A_108, %dma_wait3A_109] : memref<79x128xi32, #tpu.memory_space<vmem>> -> memref<1x128xi32, #tpu.memory_space<vmem>>
        %dma_wait3A_111 = arith.constant 0 : i32
        %dma_wait3A_112 = arith.constant 0 : i32
        %dma_wait3A_113 = tpu.memref_slice %arg3[%cond3A_17, %dma_wait3A_111, %dma_wait3A_112] : memref<2x2500x128xi32, #tpu.memory_space<hbm>> -> memref<1x2500x128xi32, #tpu.memory_space<hbm>>
        %dma_wait3A_114 = tpu.memref_squeeze %dma_wait3A_113 : memref<1x2500x128xi32, #tpu.memory_space<hbm>> -> memref<2500x128xi32, #tpu.memory_space<hbm>>
        %dma_wait3A_115 = arith.constant 0 : i32
        %dma_wait3A_116 = tpu.memref_slice %dma_wait3A_114[%add3A_77, %dma_wait3A_115] : memref<2500x128xi32, #tpu.memory_space<hbm>> -> memref<1x128xi32, #tpu.memory_space<hbm>>
        tpu.wait_dma2 semaphore(%run_scoped3A_80 : memref<!tpu.dma_semaphore, #tpu.memory_space<semaphore_mem>>) src(%dma_wait3A_116 : memref<1x128xi32, #tpu.memory_space<hbm>>) dst(%dma_wait3A_110 : memref<1x128xi32, #tpu.memory_space<vmem>>)
        tpu.yield
      }) : () -> ()
      %add3A_78 = arith.constant 2496 : i32
      %add3A_79 = arith.addi %add3A_78, %add3A : i32
      "tpu.region"() ({
        %run_scoped3A_80 = tpu.sem_alloc : memref<!tpu.dma_semaphore, #tpu.memory_space<semaphore_mem>>
        %dma_start3A_81 = arith.constant 78 : i32
        %dma_start3A_82 = arith.constant 0 : i32
        %dma_start3A_83 = tpu.memref_slice %arg8[%dma_start3A_81, %dma_start3A_82] : memref<79x128xi32, #tpu.memory_space<vmem>> -> memref<1x128xi32, #tpu.memory_space<vmem>>
        %dma_start3A_84 = arith.constant 0 : i32
        %dma_start3A_85 = arith.constant 0 : i32
        %dma_start3A_86 = tpu.memref_slice %arg3[%cond3A_18, %dma_start3A_84, %dma_start3A_85] : memref<2x2500x128xi32, #tpu.memory_space<hbm>> -> memref<1x2500x128xi32, #tpu.memory_space<hbm>>
        %dma_start3A_87 = tpu.memref_squeeze %dma_start3A_86 : memref<1x2500x128xi32, #tpu.memory_space<hbm>> -> memref<2500x128xi32, #tpu.memory_space<hbm>>
        %dma_start3A_88 = arith.constant 0 : i32
        %dma_start3A_89 = tpu.memref_slice %dma_start3A_87[%add3A_79, %dma_start3A_88] : memref<2500x128xi32, #tpu.memory_space<hbm>> -> memref<1x128xi32, #tpu.memory_space<hbm>>
        %dma_start3A_90 = arith.constant 78 : i32
        %dma_start3A_91 = arith.constant 0 : i32
        %dma_start3A_92 = tpu.memref_slice %arg8[%dma_start3A_90, %dma_start3A_91] : memref<79x128xi32, #tpu.memory_space<vmem>> -> memref<1x128xi32, #tpu.memory_space<vmem>>
        %dma_start3A_93 = arith.constant 0 : i32
        %dma_start3A_94 = arith.constant 0 : i32
        %dma_start3A_95 = tpu.memref_slice %arg3[%cond3A_18, %dma_start3A_93, %dma_start3A_94] : memref<2x2500x128xi32, #tpu.memory_space<hbm>> -> memref<1x2500x128xi32, #tpu.memory_space<hbm>>
        %dma_start3A_96 = tpu.memref_squeeze %dma_start3A_95 : memref<1x2500x128xi32, #tpu.memory_space<hbm>> -> memref<2500x128xi32, #tpu.memory_space<hbm>>
        %dma_start3A_97 = arith.constant 0 : i32
        %dma_start3A_98 = tpu.memref_slice %dma_start3A_96[%add3A_79, %dma_start3A_97] : memref<2500x128xi32, #tpu.memory_space<hbm>> -> memref<1x128xi32, #tpu.memory_space<hbm>>
        tpu.enqueue_dma source(%dma_start3A_98 : memref<1x128xi32, #tpu.memory_space<hbm>>) target(%dma_start3A_92 : memref<1x128xi32, #tpu.memory_space<vmem>>) target_semaphore(%run_scoped3A_80 : memref<!tpu.dma_semaphore, #tpu.memory_space<semaphore_mem>>)
        %dma_wait3A_99 = arith.constant 78 : i32
        %dma_wait3A_100 = arith.constant 0 : i32
        %dma_wait3A_101 = tpu.memref_slice %arg8[%dma_wait3A_99, %dma_wait3A_100] : memref<79x128xi32, #tpu.memory_space<vmem>> -> memref<1x128xi32, #tpu.memory_space<vmem>>
        %dma_wait3A_102 = arith.constant 0 : i32
        %dma_wait3A_103 = arith.constant 0 : i32
        %dma_wait3A_104 = tpu.memref_slice %arg3[%cond3A_18, %dma_wait3A_102, %dma_wait3A_103] : memref<2x2500x128xi32, #tpu.memory_space<hbm>> -> memref<1x2500x128xi32, #tpu.memory_space<hbm>>
        %dma_wait3A_105 = tpu.memref_squeeze %dma_wait3A_104 : memref<1x2500x128xi32, #tpu.memory_space<hbm>> -> memref<2500x128xi32, #tpu.memory_space<hbm>>
        %dma_wait3A_106 = arith.constant 0 : i32
        %dma_wait3A_107 = tpu.memref_slice %dma_wait3A_105[%add3A_79, %dma_wait3A_106] : memref<2500x128xi32, #tpu.memory_space<hbm>> -> memref<1x128xi32, #tpu.memory_space<hbm>>
        %dma_wait3A_108 = arith.constant 78 : i32
        %dma_wait3A_109 = arith.constant 0 : i32
        %dma_wait3A_110 = tpu.memref_slice %arg8[%dma_wait3A_108, %dma_wait3A_109] : memref<79x128xi32, #tpu.memory_space<vmem>> -> memref<1x128xi32, #tpu.memory_space<vmem>>
        %dma_wait3A_111 = arith.constant 0 : i32
        %dma_wait3A_112 = arith.constant 0 : i32
        %dma_wait3A_113 = tpu.memref_slice %arg3[%cond3A_18, %dma_wait3A_111, %dma_wait3A_112] : memref<2x2500x128xi32, #tpu.memory_space<hbm>> -> memref<1x2500x128xi32, #tpu.memory_space<hbm>>
        %dma_wait3A_114 = tpu.memref_squeeze %dma_wait3A_113 : memref<1x2500x128xi32, #tpu.memory_space<hbm>> -> memref<2500x128xi32, #tpu.memory_space<hbm>>
        %dma_wait3A_115 = arith.constant 0 : i32
        %dma_wait3A_116 = tpu.memref_slice %dma_wait3A_114[%add3A_79, %dma_wait3A_115] : memref<2500x128xi32, #tpu.memory_space<hbm>> -> memref<1x128xi32, #tpu.memory_space<hbm>>
        tpu.wait_dma2 semaphore(%run_scoped3A_80 : memref<!tpu.dma_semaphore, #tpu.memory_space<semaphore_mem>>) src(%dma_wait3A_116 : memref<1x128xi32, #tpu.memory_space<hbm>>) dst(%dma_wait3A_110 : memref<1x128xi32, #tpu.memory_space<vmem>>)
        tpu.yield
      }) : () -> ()
    } else {
    }
    %barrier3A = arith.constant 0 : index
    tpu.barrier barrier_id(%barrier3A)
    %dma_start3A = arith.constant 0 : i32
    %dma_start3A_21 = arith.constant 0 : i32
    %dma_start3A_22 = tpu.memref_slice %arg7[%dma_start3A, %dma_start3A_21] : memref<79x128xi32, #tpu.memory_space<vmem>> -> memref<1x128xi32, #tpu.memory_space<vmem>>
    %dma_start3A_23 = tpu.memref_squeeze %dma_start3A_22 : memref<1x128xi32, #tpu.memory_space<vmem>> -> memref<128xi32, #tpu.memory_space<vmem>>
    %dma_start3A_24 = arith.constant 0 : i32
    %dma_start3A_25 = arith.constant 0 : i32
    %dma_start3A_26 = tpu.memref_slice %arg12[%dma_start3A_24, %dma_start3A_25] : memref<10112x64xf32, #tpu.memory_space<vmem_shared>> -> memref<10112x64xf32, #tpu.memory_space<vmem_shared>>
    tpu.enqueue_indirect_dma source(%dma_start3A_26 : memref<10112x64xf32, #tpu.memory_space<vmem_shared>>) target(%arg9 : memref<128x64xf32, #tpu.memory_space<vmem>>) offsets(%dma_start3A_23 : memref<128xi32, #tpu.memory_space<vmem>>) semaphore(%arg14 : memref<!tpu.dma_semaphore, #tpu.memory_space<semaphore_mem>>)
    %dma_start3A_27 = arith.constant 1 : i32
    %dma_start3A_28 = arith.constant 0 : i32
    %dma_start3A_29 = tpu.memref_slice %arg7[%dma_start3A_27, %dma_start3A_28] : memref<79x128xi32, #tpu.memory_space<vmem>> -> memref<1x128xi32, #tpu.memory_space<vmem>>
    %dma_start3A_30 = tpu.memref_squeeze %dma_start3A_29 : memref<1x128xi32, #tpu.memory_space<vmem>> -> memref<128xi32, #tpu.memory_space<vmem>>
    %dma_start3A_31 = arith.constant 0 : i32
    %dma_start3A_32 = arith.constant 0 : i32
    %dma_start3A_33 = tpu.memref_slice %arg12[%dma_start3A_31, %dma_start3A_32] : memref<10112x64xf32, #tpu.memory_space<vmem_shared>> -> memref<10112x64xf32, #tpu.memory_space<vmem_shared>>
    tpu.enqueue_indirect_dma source(%dma_start3A_33 : memref<10112x64xf32, #tpu.memory_space<vmem_shared>>) target(%arg10 : memref<128x64xf32, #tpu.memory_space<vmem>>) offsets(%dma_start3A_30 : memref<128xi32, #tpu.memory_space<vmem>>) semaphore(%arg15 : memref<!tpu.dma_semaphore, #tpu.memory_space<semaphore_mem>>)
    %scan3A = arith.constant 0 : i32
    %scan3A_34 = arith.constant 0 : i32
    %scan3A_35 = arith.constant 26 : i32
    %scan3A_36 = arith.addi %scan3A_34, %scan3A_35 : i32
    %scan3A_37 = arith.constant 1 : i32
    %scan3A_38 = scf.for %scan3A_76 = %scan3A_34 to %scan3A_36 step %scan3A_37 iter_args(%scan3A_77 = %scan3A) -> (i32)  : i32 {
      %mul3A_78 = arith.constant 3 : i32
      %mul3A_79 = arith.muli %mul3A_78, %scan3A_76 : i32
      %add3A_80 = arith.constant 0 : i32
      %add3A_81 = arith.addi %mul3A_79, %add3A_80 : i32
      %dma_wait3A_82 = arith.constant 0 : i32
      %dma_wait3A_83 = arith.constant 0 : i32
      %dma_wait3A_84 = tpu.memref_slice %arg7[%dma_wait3A_82, %dma_wait3A_83] : memref<79x128xi32, #tpu.memory_space<vmem>> -> memref<1x128xi32, #tpu.memory_space<vmem>>
      %dma_wait3A_85 = tpu.memref_squeeze %dma_wait3A_84 : memref<1x128xi32, #tpu.memory_space<vmem>> -> memref<128xi32, #tpu.memory_space<vmem>>
      %dma_wait3A_86 = arith.constant 0 : i32
      %dma_wait3A_87 = arith.constant 0 : i32
      %dma_wait3A_88 = tpu.memref_slice %arg12[%dma_wait3A_86, %dma_wait3A_87] : memref<10112x64xf32, #tpu.memory_space<vmem_shared>> -> memref<10112x64xf32, #tpu.memory_space<vmem_shared>>
      tpu.wait_indirect_dma semaphore(%arg14 : memref<!tpu.dma_semaphore, #tpu.memory_space<semaphore_mem>>) src(%dma_wait3A_88 : memref<10112x64xf32, #tpu.memory_space<vmem_shared>>) dst(%arg9 : memref<128x64xf32, #tpu.memory_space<vmem>>)
      %dma_start3A_89 = arith.constant 0 : i32
      %dma_start3A_90 = tpu.memref_slice %arg8[%add3A_81, %dma_start3A_89] : memref<79x128xi32, #tpu.memory_space<vmem>> -> memref<1x128xi32, #tpu.memory_space<vmem>>
      %dma_start3A_91 = tpu.memref_squeeze %dma_start3A_90 : memref<1x128xi32, #tpu.memory_space<vmem>> -> memref<128xi32, #tpu.memory_space<vmem>>
      %dma_start3A_92 = arith.constant 0 : i32
      %dma_start3A_93 = arith.constant 0 : i32
      %dma_start3A_94 = tpu.memref_slice %arg13[%dma_start3A_92, %dma_start3A_93] : memref<10112x64xf32, #tpu.memory_space<vmem_shared>> -> memref<10112x64xf32, #tpu.memory_space<vmem_shared>>
      tpu.enqueue_indirect_dma source(%arg9 : memref<128x64xf32, #tpu.memory_space<vmem>>) target(%dma_start3A_94 : memref<10112x64xf32, #tpu.memory_space<vmem_shared>>) offsets(%dma_start3A_91 : memref<128xi32, #tpu.memory_space<vmem>>) semaphore(%arg17 : memref<!tpu.dma_semaphore, #tpu.memory_space<semaphore_mem>>) {add = true}
      %add3A_95 = arith.constant 2 : i32
      %add3A_96 = arith.addi %add3A_81, %add3A_95 : i32
      %lt3A_97 = arith.constant 78 : i32
      %lt3A_98 = arith.cmpi slt, %add3A_96, %lt3A_97 : i32
      %convert_element_type3A_99 = arith.extui %lt3A_98 : i1 to i32
      %cond3A_100 = arith.constant 0 : i32
      %cond3A_101 = arith.cmpi ne, %convert_element_type3A_99, %cond3A_100 : i32
      scf.if %cond3A_101 {
        %ge3A = arith.constant 1 : i32
        %ge3A_151 = arith.cmpi sge, %add3A_81, %ge3A : i32
        %convert_element_type3A_152 = arith.extui %ge3A_151 : i1 to i32
        %cond3A_153 = arith.constant 0 : i32
        %cond3A_154 = arith.cmpi ne, %convert_element_type3A_152, %cond3A_153 : i32
        scf.if %cond3A_154 {
          %dma_wait3A_163 = arith.constant 0 : i32
          %dma_wait3A_164 = arith.constant 0 : i32
          %dma_wait3A_165 = tpu.memref_slice %arg8[%dma_wait3A_163, %dma_wait3A_164] : memref<79x128xi32, #tpu.memory_space<vmem>> -> memref<1x128xi32, #tpu.memory_space<vmem>>
          %dma_wait3A_166 = tpu.memref_squeeze %dma_wait3A_165 : memref<1x128xi32, #tpu.memory_space<vmem>> -> memref<128xi32, #tpu.memory_space<vmem>>
          %dma_wait3A_167 = arith.constant 0 : i32
          %dma_wait3A_168 = arith.constant 0 : i32
          %dma_wait3A_169 = tpu.memref_slice %arg13[%dma_wait3A_167, %dma_wait3A_168] : memref<10112x64xf32, #tpu.memory_space<vmem_shared>> -> memref<10112x64xf32, #tpu.memory_space<vmem_shared>>
          tpu.wait_indirect_dma semaphore(%arg19 : memref<!tpu.dma_semaphore, #tpu.memory_space<semaphore_mem>>) src(%arg11 : memref<128x64xf32, #tpu.memory_space<vmem>>) dst(%dma_wait3A_169 : memref<10112x64xf32, #tpu.memory_space<vmem_shared>>)
        } else {
        }
        %add3A_155 = arith.constant 2 : i32
        %add3A_156 = arith.addi %add3A_81, %add3A_155 : i32
        %dma_start3A_157 = arith.constant 0 : i32
        %dma_start3A_158 = tpu.memref_slice %arg7[%add3A_156, %dma_start3A_157] : memref<79x128xi32, #tpu.memory_space<vmem>> -> memref<1x128xi32, #tpu.memory_space<vmem>>
        %dma_start3A_159 = tpu.memref_squeeze %dma_start3A_158 : memref<1x128xi32, #tpu.memory_space<vmem>> -> memref<128xi32, #tpu.memory_space<vmem>>
        %dma_start3A_160 = arith.constant 0 : i32
        %dma_start3A_161 = arith.constant 0 : i32
        %dma_start3A_162 = tpu.memref_slice %arg12[%dma_start3A_160, %dma_start3A_161] : memref<10112x64xf32, #tpu.memory_space<vmem_shared>> -> memref<10112x64xf32, #tpu.memory_space<vmem_shared>>
        tpu.enqueue_indirect_dma source(%dma_start3A_162 : memref<10112x64xf32, #tpu.memory_space<vmem_shared>>) target(%arg11 : memref<128x64xf32, #tpu.memory_space<vmem>>) offsets(%dma_start3A_159 : memref<128xi32, #tpu.memory_space<vmem>>) semaphore(%arg16 : memref<!tpu.dma_semaphore, #tpu.memory_space<semaphore_mem>>)
      } else {
      }
      %mul3A_102 = arith.constant 3 : i32
      %mul3A_103 = arith.muli %mul3A_102, %scan3A_76 : i32
      %add3A_104 = arith.constant 1 : i32
      %add3A_105 = arith.addi %mul3A_103, %add3A_104 : i32
      %dma_wait3A_106 = arith.constant 0 : i32
      %dma_wait3A_107 = arith.constant 0 : i32
      %dma_wait3A_108 = tpu.memref_slice %arg7[%dma_wait3A_106, %dma_wait3A_107] : memref<79x128xi32, #tpu.memory_space<vmem>> -> memref<1x128xi32, #tpu.memory_space<vmem>>
      %dma_wait3A_109 = tpu.memref_squeeze %dma_wait3A_108 : memref<1x128xi32, #tpu.memory_space<vmem>> -> memref<128xi32, #tpu.memory_space<vmem>>
      %dma_wait3A_110 = arith.constant 0 : i32
      %dma_wait3A_111 = arith.constant 0 : i32
      %dma_wait3A_112 = tpu.memref_slice %arg12[%dma_wait3A_110, %dma_wait3A_111] : memref<10112x64xf32, #tpu.memory_space<vmem_shared>> -> memref<10112x64xf32, #tpu.memory_space<vmem_shared>>
      tpu.wait_indirect_dma semaphore(%arg15 : memref<!tpu.dma_semaphore, #tpu.memory_space<semaphore_mem>>) src(%dma_wait3A_112 : memref<10112x64xf32, #tpu.memory_space<vmem_shared>>) dst(%arg10 : memref<128x64xf32, #tpu.memory_space<vmem>>)
      %dma_start3A_113 = arith.constant 0 : i32
      %dma_start3A_114 = tpu.memref_slice %arg8[%add3A_105, %dma_start3A_113] : memref<79x128xi32, #tpu.memory_space<vmem>> -> memref<1x128xi32, #tpu.memory_space<vmem>>
      %dma_start3A_115 = tpu.memref_squeeze %dma_start3A_114 : memref<1x128xi32, #tpu.memory_space<vmem>> -> memref<128xi32, #tpu.memory_space<vmem>>
      %dma_start3A_116 = arith.constant 0 : i32
      %dma_start3A_117 = arith.constant 0 : i32
      %dma_start3A_118 = tpu.memref_slice %arg13[%dma_start3A_116, %dma_start3A_117] : memref<10112x64xf32, #tpu.memory_space<vmem_shared>> -> memref<10112x64xf32, #tpu.memory_space<vmem_shared>>
      tpu.enqueue_indirect_dma source(%arg10 : memref<128x64xf32, #tpu.memory_space<vmem>>) target(%dma_start3A_118 : memref<10112x64xf32, #tpu.memory_space<vmem_shared>>) offsets(%dma_start3A_115 : memref<128xi32, #tpu.memory_space<vmem>>) semaphore(%arg18 : memref<!tpu.dma_semaphore, #tpu.memory_space<semaphore_mem>>) {add = true}
      %add3A_119 = arith.constant 2 : i32
      %add3A_120 = arith.addi %add3A_105, %add3A_119 : i32
      %lt3A_121 = arith.constant 78 : i32
      %lt3A_122 = arith.cmpi slt, %add3A_120, %lt3A_121 : i32
      %convert_element_type3A_123 = arith.extui %lt3A_122 : i1 to i32
      %cond3A_124 = arith.constant 0 : i32
      %cond3A_125 = arith.cmpi ne, %convert_element_type3A_123, %cond3A_124 : i32
      scf.if %cond3A_125 {
        %ge3A = arith.constant 1 : i32
        %ge3A_151 = arith.cmpi sge, %add3A_105, %ge3A : i32
        %convert_element_type3A_152 = arith.extui %ge3A_151 : i1 to i32
        %cond3A_153 = arith.constant 0 : i32
        %cond3A_154 = arith.cmpi ne, %convert_element_type3A_152, %cond3A_153 : i32
        scf.if %cond3A_154 {
          %dma_wait3A_163 = arith.constant 0 : i32
          %dma_wait3A_164 = arith.constant 0 : i32
          %dma_wait3A_165 = tpu.memref_slice %arg8[%dma_wait3A_163, %dma_wait3A_164] : memref<79x128xi32, #tpu.memory_space<vmem>> -> memref<1x128xi32, #tpu.memory_space<vmem>>
          %dma_wait3A_166 = tpu.memref_squeeze %dma_wait3A_165 : memref<1x128xi32, #tpu.memory_space<vmem>> -> memref<128xi32, #tpu.memory_space<vmem>>
          %dma_wait3A_167 = arith.constant 0 : i32
          %dma_wait3A_168 = arith.constant 0 : i32
          %dma_wait3A_169 = tpu.memref_slice %arg13[%dma_wait3A_167, %dma_wait3A_168] : memref<10112x64xf32, #tpu.memory_space<vmem_shared>> -> memref<10112x64xf32, #tpu.memory_space<vmem_shared>>
          tpu.wait_indirect_dma semaphore(%arg17 : memref<!tpu.dma_semaphore, #tpu.memory_space<semaphore_mem>>) src(%arg9 : memref<128x64xf32, #tpu.memory_space<vmem>>) dst(%dma_wait3A_169 : memref<10112x64xf32, #tpu.memory_space<vmem_shared>>)
        } else {
        }
        %add3A_155 = arith.constant 2 : i32
        %add3A_156 = arith.addi %add3A_105, %add3A_155 : i32
        %dma_start3A_157 = arith.constant 0 : i32
        %dma_start3A_158 = tpu.memref_slice %arg7[%add3A_156, %dma_start3A_157] : memref<79x128xi32, #tpu.memory_space<vmem>> -> memref<1x128xi32, #tpu.memory_space<vmem>>
        %dma_start3A_159 = tpu.memref_squeeze %dma_start3A_158 : memref<1x128xi32, #tpu.memory_space<vmem>> -> memref<128xi32, #tpu.memory_space<vmem>>
        %dma_start3A_160 = arith.constant 0 : i32
        %dma_start3A_161 = arith.constant 0 : i32
        %dma_start3A_162 = tpu.memref_slice %arg12[%dma_start3A_160, %dma_start3A_161] : memref<10112x64xf32, #tpu.memory_space<vmem_shared>> -> memref<10112x64xf32, #tpu.memory_space<vmem_shared>>
        tpu.enqueue_indirect_dma source(%dma_start3A_162 : memref<10112x64xf32, #tpu.memory_space<vmem_shared>>) target(%arg9 : memref<128x64xf32, #tpu.memory_space<vmem>>) offsets(%dma_start3A_159 : memref<128xi32, #tpu.memory_space<vmem>>) semaphore(%arg14 : memref<!tpu.dma_semaphore, #tpu.memory_space<semaphore_mem>>)
      } else {
      }
      %mul3A_126 = arith.constant 3 : i32
      %mul3A_127 = arith.muli %mul3A_126, %scan3A_76 : i32
      %add3A_128 = arith.constant 2 : i32
      %add3A_129 = arith.addi %mul3A_127, %add3A_128 : i32
      %dma_wait3A_130 = arith.constant 0 : i32
      %dma_wait3A_131 = arith.constant 0 : i32
      %dma_wait3A_132 = tpu.memref_slice %arg7[%dma_wait3A_130, %dma_wait3A_131] : memref<79x128xi32, #tpu.memory_space<vmem>> -> memref<1x128xi32, #tpu.memory_space<vmem>>
      %dma_wait3A_133 = tpu.memref_squeeze %dma_wait3A_132 : memref<1x128xi32, #tpu.memory_space<vmem>> -> memref<128xi32, #tpu.memory_space<vmem>>
      %dma_wait3A_134 = arith.constant 0 : i32
      %dma_wait3A_135 = arith.constant 0 : i32
      %dma_wait3A_136 = tpu.memref_slice %arg12[%dma_wait3A_134, %dma_wait3A_135] : memref<10112x64xf32, #tpu.memory_space<vmem_shared>> -> memref<10112x64xf32, #tpu.memory_space<vmem_shared>>
      tpu.wait_indirect_dma semaphore(%arg16 : memref<!tpu.dma_semaphore, #tpu.memory_space<semaphore_mem>>) src(%dma_wait3A_136 : memref<10112x64xf32, #tpu.memory_space<vmem_shared>>) dst(%arg11 : memref<128x64xf32, #tpu.memory_space<vmem>>)
      %dma_start3A_137 = arith.constant 0 : i32
      %dma_start3A_138 = tpu.memref_slice %arg8[%add3A_129, %dma_start3A_137] : memref<79x128xi32, #tpu.memory_space<vmem>> -> memref<1x128xi32, #tpu.memory_space<vmem>>
      %dma_start3A_139 = tpu.memref_squeeze %dma_start3A_138 : memref<1x128xi32, #tpu.memory_space<vmem>> -> memref<128xi32, #tpu.memory_space<vmem>>
      %dma_start3A_140 = arith.constant 0 : i32
      %dma_start3A_141 = arith.constant 0 : i32
      %dma_start3A_142 = tpu.memref_slice %arg13[%dma_start3A_140, %dma_start3A_141] : memref<10112x64xf32, #tpu.memory_space<vmem_shared>> -> memref<10112x64xf32, #tpu.memory_space<vmem_shared>>
      tpu.enqueue_indirect_dma source(%arg11 : memref<128x64xf32, #tpu.memory_space<vmem>>) target(%dma_start3A_142 : memref<10112x64xf32, #tpu.memory_space<vmem_shared>>) offsets(%dma_start3A_139 : memref<128xi32, #tpu.memory_space<vmem>>) semaphore(%arg19 : memref<!tpu.dma_semaphore, #tpu.memory_space<semaphore_mem>>) {add = true}
      %add3A_143 = arith.constant 2 : i32
      %add3A_144 = arith.addi %add3A_129, %add3A_143 : i32
      %lt3A_145 = arith.constant 78 : i32
      %lt3A_146 = arith.cmpi slt, %add3A_144, %lt3A_145 : i32
      %convert_element_type3A_147 = arith.extui %lt3A_146 : i1 to i32
      %cond3A_148 = arith.constant 0 : i32
      %cond3A_149 = arith.cmpi ne, %convert_element_type3A_147, %cond3A_148 : i32
      scf.if %cond3A_149 {
        %ge3A = arith.constant 1 : i32
        %ge3A_151 = arith.cmpi sge, %add3A_129, %ge3A : i32
        %convert_element_type3A_152 = arith.extui %ge3A_151 : i1 to i32
        %cond3A_153 = arith.constant 0 : i32
        %cond3A_154 = arith.cmpi ne, %convert_element_type3A_152, %cond3A_153 : i32
        scf.if %cond3A_154 {
          %dma_wait3A_163 = arith.constant 0 : i32
          %dma_wait3A_164 = arith.constant 0 : i32
          %dma_wait3A_165 = tpu.memref_slice %arg8[%dma_wait3A_163, %dma_wait3A_164] : memref<79x128xi32, #tpu.memory_space<vmem>> -> memref<1x128xi32, #tpu.memory_space<vmem>>
          %dma_wait3A_166 = tpu.memref_squeeze %dma_wait3A_165 : memref<1x128xi32, #tpu.memory_space<vmem>> -> memref<128xi32, #tpu.memory_space<vmem>>
          %dma_wait3A_167 = arith.constant 0 : i32
          %dma_wait3A_168 = arith.constant 0 : i32
          %dma_wait3A_169 = tpu.memref_slice %arg13[%dma_wait3A_167, %dma_wait3A_168] : memref<10112x64xf32, #tpu.memory_space<vmem_shared>> -> memref<10112x64xf32, #tpu.memory_space<vmem_shared>>
          tpu.wait_indirect_dma semaphore(%arg18 : memref<!tpu.dma_semaphore, #tpu.memory_space<semaphore_mem>>) src(%arg10 : memref<128x64xf32, #tpu.memory_space<vmem>>) dst(%dma_wait3A_169 : memref<10112x64xf32, #tpu.memory_space<vmem_shared>>)
        } else {
        }
        %add3A_155 = arith.constant 2 : i32
        %add3A_156 = arith.addi %add3A_129, %add3A_155 : i32
        %dma_start3A_157 = arith.constant 0 : i32
        %dma_start3A_158 = tpu.memref_slice %arg7[%add3A_156, %dma_start3A_157] : memref<79x128xi32, #tpu.memory_space<vmem>> -> memref<1x128xi32, #tpu.memory_space<vmem>>
        %dma_start3A_159 = tpu.memref_squeeze %dma_start3A_158 : memref<1x128xi32, #tpu.memory_space<vmem>> -> memref<128xi32, #tpu.memory_space<vmem>>
        %dma_start3A_160 = arith.constant 0 : i32
        %dma_start3A_161 = arith.constant 0 : i32
        %dma_start3A_162 = tpu.memref_slice %arg12[%dma_start3A_160, %dma_start3A_161] : memref<10112x64xf32, #tpu.memory_space<vmem_shared>> -> memref<10112x64xf32, #tpu.memory_space<vmem_shared>>
        tpu.enqueue_indirect_dma source(%dma_start3A_162 : memref<10112x64xf32, #tpu.memory_space<vmem_shared>>) target(%arg10 : memref<128x64xf32, #tpu.memory_space<vmem>>) offsets(%dma_start3A_159 : memref<128xi32, #tpu.memory_space<vmem>>) semaphore(%arg15 : memref<!tpu.dma_semaphore, #tpu.memory_space<semaphore_mem>>)
      } else {
      }
      %scan3A_150 = arith.constant 0 : i32
      scf.yield %scan3A_150 : i32
    }
    %scan3A_39 = arith.constant 26 : i32
    %dma_wait3A = arith.constant 0 : i32
    %dma_wait3A_40 = arith.constant 0 : i32
    %dma_wait3A_41 = tpu.memref_slice %arg8[%dma_wait3A, %dma_wait3A_40] : memref<79x128xi32, #tpu.memory_space<vmem>> -> memref<1x128xi32, #tpu.memory_space<vmem>>
    %dma_wait3A_42 = tpu.memref_squeeze %dma_wait3A_41 : memref<1x128xi32, #tpu.memory_space<vmem>> -> memref<128xi32, #tpu.memory_space<vmem>>
    %dma_wait3A_43 = arith.constant 0 : i32
    %dma_wait3A_44 = arith.constant 0 : i32
    %dma_wait3A_45 = tpu.memref_slice %arg13[%dma_wait3A_43, %dma_wait3A_44] : memref<10112x64xf32, #tpu.memory_space<vmem_shared>> -> memref<10112x64xf32, #tpu.memory_space<vmem_shared>>
    tpu.wait_indirect_dma semaphore(%arg17 : memref<!tpu.dma_semaphore, #tpu.memory_space<semaphore_mem>>) src(%arg9 : memref<128x64xf32, #tpu.memory_space<vmem>>) dst(%dma_wait3A_45 : memref<10112x64xf32, #tpu.memory_space<vmem_shared>>)
    %dma_wait3A_46 = arith.constant 0 : i32
    %dma_wait3A_47 = arith.constant 0 : i32
    %dma_wait3A_48 = tpu.memref_slice %arg8[%dma_wait3A_46, %dma_wait3A_47] : memref<79x128xi32, #tpu.memory_space<vmem>> -> memref<1x128xi32, #tpu.memory_space<vmem>>
    %dma_wait3A_49 = tpu.memref_squeeze %dma_wait3A_48 : memref<1x128xi32, #tpu.memory_space<vmem>> -> memref<128xi32, #tpu.memory_space<vmem>>
    %dma_wait3A_50 = arith.constant 0 : i32
    %dma_wait3A_51 = arith.constant 0 : i32
    %dma_wait3A_52 = tpu.memref_slice %arg13[%dma_wait3A_50, %dma_wait3A_51] : memref<10112x64xf32, #tpu.memory_space<vmem_shared>> -> memref<10112x64xf32, #tpu.memory_space<vmem_shared>>
    tpu.wait_indirect_dma semaphore(%arg18 : memref<!tpu.dma_semaphore, #tpu.memory_space<semaphore_mem>>) src(%arg10 : memref<128x64xf32, #tpu.memory_space<vmem>>) dst(%dma_wait3A_52 : memref<10112x64xf32, #tpu.memory_space<vmem_shared>>)
    %dma_wait3A_53 = arith.constant 0 : i32
    %dma_wait3A_54 = arith.constant 0 : i32
    %dma_wait3A_55 = tpu.memref_slice %arg8[%dma_wait3A_53, %dma_wait3A_54] : memref<79x128xi32, #tpu.memory_space<vmem>> -> memref<1x128xi32, #tpu.memory_space<vmem>>
    %dma_wait3A_56 = tpu.memref_squeeze %dma_wait3A_55 : memref<1x128xi32, #tpu.memory_space<vmem>> -> memref<128xi32, #tpu.memory_space<vmem>>
    %dma_wait3A_57 = arith.constant 0 : i32
    %dma_wait3A_58 = arith.constant 0 : i32
    %dma_wait3A_59 = tpu.memref_slice %arg13[%dma_wait3A_57, %dma_wait3A_58] : memref<10112x64xf32, #tpu.memory_space<vmem_shared>> -> memref<10112x64xf32, #tpu.memory_space<vmem_shared>>
    tpu.wait_indirect_dma semaphore(%arg19 : memref<!tpu.dma_semaphore, #tpu.memory_space<semaphore_mem>>) src(%arg11 : memref<128x64xf32, #tpu.memory_space<vmem>>) dst(%dma_wait3A_59 : memref<10112x64xf32, #tpu.memory_space<vmem_shared>>)
    %lt3A_60 = arith.constant 4 : i32
    %lt3A_61 = arith.cmpi slt, %add3A, %lt3A_60 : i32
    %convert_element_type3A_62 = arith.extui %lt3A_61 : i1 to i32
    %cond3A_63 = arith.constant 0 : i32
    %cond3A_64 = arith.cmpi ne, %convert_element_type3A_62, %cond3A_63 : i32
    scf.if %cond3A_64 {
      %dma_start3A_76 = arith.constant 78 : i32
      %dma_start3A_77 = arith.constant 0 : i32
      %dma_start3A_78 = tpu.memref_slice %arg7[%dma_start3A_76, %dma_start3A_77] : memref<79x128xi32, #tpu.memory_space<vmem>> -> memref<1x128xi32, #tpu.memory_space<vmem>>
      %dma_start3A_79 = tpu.memref_squeeze %dma_start3A_78 : memref<1x128xi32, #tpu.memory_space<vmem>> -> memref<128xi32, #tpu.memory_space<vmem>>
      %dma_start3A_80 = arith.constant 0 : i32
      %dma_start3A_81 = arith.constant 0 : i32
      %dma_start3A_82 = tpu.memref_slice %arg12[%dma_start3A_80, %dma_start3A_81] : memref<10112x64xf32, #tpu.memory_space<vmem_shared>> -> memref<10112x64xf32, #tpu.memory_space<vmem_shared>>
      tpu.enqueue_indirect_dma source(%dma_start3A_82 : memref<10112x64xf32, #tpu.memory_space<vmem_shared>>) target(%arg9 : memref<128x64xf32, #tpu.memory_space<vmem>>) offsets(%dma_start3A_79 : memref<128xi32, #tpu.memory_space<vmem>>) semaphore(%arg14 : memref<!tpu.dma_semaphore, #tpu.memory_space<semaphore_mem>>)
      %dma_wait3A_83 = arith.constant 0 : i32
      %dma_wait3A_84 = arith.constant 0 : i32
      %dma_wait3A_85 = tpu.memref_slice %arg7[%dma_wait3A_83, %dma_wait3A_84] : memref<79x128xi32, #tpu.memory_space<vmem>> -> memref<1x128xi32, #tpu.memory_space<vmem>>
      %dma_wait3A_86 = tpu.memref_squeeze %dma_wait3A_85 : memref<1x128xi32, #tpu.memory_space<vmem>> -> memref<128xi32, #tpu.memory_space<vmem>>
      %dma_wait3A_87 = arith.constant 0 : i32
      %dma_wait3A_88 = arith.constant 0 : i32
      %dma_wait3A_89 = tpu.memref_slice %arg12[%dma_wait3A_87, %dma_wait3A_88] : memref<10112x64xf32, #tpu.memory_space<vmem_shared>> -> memref<10112x64xf32, #tpu.memory_space<vmem_shared>>
      tpu.wait_indirect_dma semaphore(%arg14 : memref<!tpu.dma_semaphore, #tpu.memory_space<semaphore_mem>>) src(%dma_wait3A_89 : memref<10112x64xf32, #tpu.memory_space<vmem_shared>>) dst(%arg9 : memref<128x64xf32, #tpu.memory_space<vmem>>)
      %run_scoped3A_90 = arith.constant 78 : i32
      "tpu.region"() ({
        %run_scoped3A_91 = tpu.sem_alloc : memref<!tpu.dma_semaphore, #tpu.memory_space<semaphore_mem>>
        %dma_start3A_92 = arith.constant 0 : i32
        %dma_start3A_93 = tpu.memref_slice %arg8[%run_scoped3A_90, %dma_start3A_92] : memref<79x128xi32, #tpu.memory_space<vmem>> -> memref<1x128xi32, #tpu.memory_space<vmem>>
        %dma_start3A_94 = tpu.memref_squeeze %dma_start3A_93 : memref<1x128xi32, #tpu.memory_space<vmem>> -> memref<128xi32, #tpu.memory_space<vmem>>
        %dma_start3A_95 = arith.constant 0 : i32
        %dma_start3A_96 = arith.constant 0 : i32
        %dma_start3A_97 = tpu.memref_slice %arg13[%dma_start3A_95, %dma_start3A_96] : memref<10112x64xf32, #tpu.memory_space<vmem_shared>> -> memref<10112x64xf32, #tpu.memory_space<vmem_shared>>
        tpu.enqueue_indirect_dma source(%arg9 : memref<128x64xf32, #tpu.memory_space<vmem>>) target(%dma_start3A_97 : memref<10112x64xf32, #tpu.memory_space<vmem_shared>>) offsets(%dma_start3A_94 : memref<128xi32, #tpu.memory_space<vmem>>) semaphore(%run_scoped3A_91 : memref<!tpu.dma_semaphore, #tpu.memory_space<semaphore_mem>>) {add = true}
        %dma_wait3A_98 = arith.constant 0 : i32
        %dma_wait3A_99 = tpu.memref_slice %arg8[%run_scoped3A_90, %dma_wait3A_98] : memref<79x128xi32, #tpu.memory_space<vmem>> -> memref<1x128xi32, #tpu.memory_space<vmem>>
        %dma_wait3A_100 = tpu.memref_squeeze %dma_wait3A_99 : memref<1x128xi32, #tpu.memory_space<vmem>> -> memref<128xi32, #tpu.memory_space<vmem>>
        %dma_wait3A_101 = arith.constant 0 : i32
        %dma_wait3A_102 = arith.constant 0 : i32
        %dma_wait3A_103 = tpu.memref_slice %arg13[%dma_wait3A_101, %dma_wait3A_102] : memref<10112x64xf32, #tpu.memory_space<vmem_shared>> -> memref<10112x64xf32, #tpu.memory_space<vmem_shared>>
        tpu.wait_indirect_dma semaphore(%run_scoped3A_91 : memref<!tpu.dma_semaphore, #tpu.memory_space<semaphore_mem>>) src(%arg9 : memref<128x64xf32, #tpu.memory_space<vmem>>) dst(%dma_wait3A_103 : memref<10112x64xf32, #tpu.memory_space<vmem_shared>>)
        tpu.yield
      }) : () -> ()
    } else {
    }
    %barrier3A_65 = arith.constant 0 : index
    tpu.barrier barrier_id(%barrier3A_65)
    %eq3A_66 = arith.constant 0 : i32
    %eq3A_67 = arith.cmpi eq, %arg0, %eq3A_66 : i32
    %convert_element_type3A_68 = arith.extui %eq3A_67 : i1 to i32
    %cond3A_69 = arith.constant 0 : i32
    %cond3A_70 = arith.cmpi ne, %convert_element_type3A_68, %cond3A_69 : i32
    scf.if %cond3A_70 {
      %mul3A_76 = arith.constant 632 : i32
      %mul3A_77 = arith.muli %arg1, %mul3A_76 : i32
      %mul3A_78 = arith.constant 632 : i32
      %mul3A_79 = arith.muli %arg1, %mul3A_78 : i32
      "tpu.region"() ({
        %run_scoped3A_80 = tpu.sem_alloc : memref<!tpu.dma_semaphore, #tpu.memory_space<semaphore_mem>>
        %dma_start3A_81 = arith.constant 0 : i32
        %dma_start3A_82 = tpu.memref_slice %arg5[%mul3A_79, %dma_start3A_81] : memref<10112x64xf32, #tpu.memory_space<hbm>> -> memref<632x64xf32, #tpu.memory_space<hbm>>
        %dma_start3A_83 = arith.constant 0 : i32
        %dma_start3A_84 = tpu.memref_slice %arg13[%mul3A_77, %dma_start3A_83] : memref<10112x64xf32, #tpu.memory_space<vmem_shared>> -> memref<632x64xf32, #tpu.memory_space<vmem_shared>>
        tpu.enqueue_dma source(%dma_start3A_84 : memref<632x64xf32, #tpu.memory_space<vmem_shared>>) target(%dma_start3A_82 : memref<632x64xf32, #tpu.memory_space<hbm>>) target_semaphore(%run_scoped3A_80 : memref<!tpu.dma_semaphore, #tpu.memory_space<semaphore_mem>>)
        %dma_wait3A_85 = arith.constant 0 : i32
        %dma_wait3A_86 = tpu.memref_slice %arg5[%mul3A_79, %dma_wait3A_85] : memref<10112x64xf32, #tpu.memory_space<hbm>> -> memref<632x64xf32, #tpu.memory_space<hbm>>
        %dma_wait3A_87 = arith.constant 0 : i32
        %dma_wait3A_88 = tpu.memref_slice %arg13[%mul3A_77, %dma_wait3A_87] : memref<10112x64xf32, #tpu.memory_space<vmem_shared>> -> memref<632x64xf32, #tpu.memory_space<vmem_shared>>
        tpu.wait_dma2 semaphore(%run_scoped3A_80 : memref<!tpu.dma_semaphore, #tpu.memory_space<semaphore_mem>>) src(%dma_wait3A_88 : memref<632x64xf32, #tpu.memory_space<vmem_shared>>) dst(%dma_wait3A_86 : memref<632x64xf32, #tpu.memory_space<hbm>>)
        tpu.yield
      }) : () -> ()
    } else {
    }
    %eq3A_71 = arith.constant 1 : i32
    %eq3A_72 = arith.cmpi eq, %arg0, %eq3A_71 : i32
    %convert_element_type3A_73 = arith.extui %eq3A_72 : i1 to i32
    %cond3A_74 = arith.constant 0 : i32
    %cond3A_75 = arith.cmpi ne, %convert_element_type3A_73, %cond3A_74 : i32
    scf.if %cond3A_75 {
      %mul3A_76 = arith.constant 632 : i32
      %mul3A_77 = arith.muli %arg1, %mul3A_76 : i32
      %mul3A_78 = arith.constant 632 : i32
      %mul3A_79 = arith.muli %arg1, %mul3A_78 : i32
      "tpu.region"() ({
        %run_scoped3A_80 = tpu.sem_alloc : memref<!tpu.dma_semaphore, #tpu.memory_space<semaphore_mem>>
        %dma_start3A_81 = arith.constant 0 : i32
        %dma_start3A_82 = tpu.memref_slice %arg6[%mul3A_79, %dma_start3A_81] : memref<10112x64xf32, #tpu.memory_space<hbm>> -> memref<632x64xf32, #tpu.memory_space<hbm>>
        %dma_start3A_83 = arith.constant 0 : i32
        %dma_start3A_84 = tpu.memref_slice %arg13[%mul3A_77, %dma_start3A_83] : memref<10112x64xf32, #tpu.memory_space<vmem_shared>> -> memref<632x64xf32, #tpu.memory_space<vmem_shared>>
        tpu.enqueue_dma source(%dma_start3A_84 : memref<632x64xf32, #tpu.memory_space<vmem_shared>>) target(%dma_start3A_82 : memref<632x64xf32, #tpu.memory_space<hbm>>) target_semaphore(%run_scoped3A_80 : memref<!tpu.dma_semaphore, #tpu.memory_space<semaphore_mem>>)
        %dma_wait3A_85 = arith.constant 0 : i32
        %dma_wait3A_86 = tpu.memref_slice %arg6[%mul3A_79, %dma_wait3A_85] : memref<10112x64xf32, #tpu.memory_space<hbm>> -> memref<632x64xf32, #tpu.memory_space<hbm>>
        %dma_wait3A_87 = arith.constant 0 : i32
        %dma_wait3A_88 = tpu.memref_slice %arg13[%mul3A_77, %dma_wait3A_87] : memref<10112x64xf32, #tpu.memory_space<vmem_shared>> -> memref<632x64xf32, #tpu.memory_space<vmem_shared>>
        tpu.wait_dma2 semaphore(%run_scoped3A_80 : memref<!tpu.dma_semaphore, #tpu.memory_space<semaphore_mem>>) src(%dma_wait3A_88 : memref<632x64xf32, #tpu.memory_space<vmem_shared>>) dst(%dma_wait3A_86 : memref<632x64xf32, #tpu.memory_space<hbm>>)
        tpu.yield
      }) : () -> ()
    } else {
    }
    return
  }
}

#map = affine_map<(d0, d1) -> (0, 0, 0)>
#map1 = affine_map<(d0, d1) -> (0, 0)>
module attributes {stable_mosaic.version = 14 : i64} {
  func.func @deg_kernel(%arg0: i32, %arg1: i32, %arg2: memref<2x2500x128xi32, #tpu.memory_space<hbm>>, %arg3: memref<632x16xf32, #tpu.memory_space<hbm>>, %arg4: memref<128x16xf32, #tpu.memory_space<hbm>>, %arg5: memref<10112x16xf32, #tpu.memory_space<hbm>>, %arg6: memref<10112x16xf32, #tpu.memory_space<hbm>>, %arg7: memref<79x128xi32, #tpu.memory_space<vmem>>, %arg8: memref<128x16xf32, #tpu.memory_space<vmem>>, %arg9: memref<10112x16xf32, #tpu.memory_space<vmem_shared>>, %arg10: memref<!tpu.dma_semaphore, #tpu.memory_space<semaphore_mem>>) attributes {dimension_semantics = [#tpu.dimension_semantics<core_parallel>, #tpu.dimension_semantics<subcore_parallel>], iteration_bounds = array<i64: 2, 16>, scalar_prefetch = 0 : i64, scratch_operands = 4 : i64, tpu.core_type = #tpu.core_type<sc_vector_subcore>, window_params = [{transform_indices = #map}, {transform_indices = #map1}, {transform_indices = #map1}, {transform_indices = #map1}, {transform_indices = #map1}]} {
    %mul3A = arith.constant 2 : i32
    %mul3A_0 = arith.muli %arg1, %mul3A : i32
    %add3A = arith.addi %mul3A_0, %arg0 : i32
    "tpu.region"() ({
      %run_scoped3A_36 = tpu.sem_alloc : memref<!tpu.dma_semaphore, #tpu.memory_space<semaphore_mem>>
      tpu.enqueue_dma source(%arg4 : memref<128x16xf32, #tpu.memory_space<hbm>>) target(%arg8 : memref<128x16xf32, #tpu.memory_space<vmem>>) target_semaphore(%run_scoped3A_36 : memref<!tpu.dma_semaphore, #tpu.memory_space<semaphore_mem>>)
      tpu.wait_dma2 semaphore(%run_scoped3A_36 : memref<!tpu.dma_semaphore, #tpu.memory_space<semaphore_mem>>) src(%arg4 : memref<128x16xf32, #tpu.memory_space<hbm>>) dst(%arg8 : memref<128x16xf32, #tpu.memory_space<vmem>>)
      tpu.yield
    }) : () -> ()
    %mul3A_1 = arith.constant 632 : i32
    %mul3A_2 = arith.muli %arg1, %mul3A_1 : i32
    "tpu.region"() ({
      %run_scoped3A_36 = tpu.sem_alloc : memref<!tpu.dma_semaphore, #tpu.memory_space<semaphore_mem>>
      %dma_start3A = arith.constant 0 : i32
      %dma_start3A_37 = tpu.memref_slice %arg9[%mul3A_2, %dma_start3A] : memref<10112x16xf32, #tpu.memory_space<vmem_shared>> -> memref<632x16xf32, #tpu.memory_space<vmem_shared>>
      tpu.enqueue_dma source(%arg3 : memref<632x16xf32, #tpu.memory_space<hbm>>) target(%dma_start3A_37 : memref<632x16xf32, #tpu.memory_space<vmem_shared>>) target_semaphore(%run_scoped3A_36 : memref<!tpu.dma_semaphore, #tpu.memory_space<semaphore_mem>>)
      %dma_wait3A = arith.constant 0 : i32
      %dma_wait3A_38 = tpu.memref_slice %arg9[%mul3A_2, %dma_wait3A] : memref<10112x16xf32, #tpu.memory_space<vmem_shared>> -> memref<632x16xf32, #tpu.memory_space<vmem_shared>>
      tpu.wait_dma2 semaphore(%run_scoped3A_36 : memref<!tpu.dma_semaphore, #tpu.memory_space<semaphore_mem>>) src(%arg3 : memref<632x16xf32, #tpu.memory_space<hbm>>) dst(%dma_wait3A_38 : memref<632x16xf32, #tpu.memory_space<vmem_shared>>)
      tpu.yield
    }) : () -> ()
    %barrier3A = arith.constant 0 : index
    tpu.barrier barrier_id(%barrier3A)
    %mul3A_3 = arith.constant 78 : i32
    %mul3A_4 = arith.muli %add3A, %mul3A_3 : i32
    %run_scoped3A = arith.constant 1 : i32
    "tpu.region"() ({
      %run_scoped3A_36 = tpu.sem_alloc : memref<!tpu.dma_semaphore, #tpu.memory_space<semaphore_mem>>
      %dma_start3A = arith.constant 0 : i32
      %dma_start3A_37 = arith.constant 0 : i32
      %dma_start3A_38 = tpu.memref_slice %arg7[%dma_start3A, %dma_start3A_37] : memref<79x128xi32, #tpu.memory_space<vmem>> -> memref<78x128xi32, #tpu.memory_space<vmem>>
      %dma_start3A_39 = arith.constant 0 : i32
      %dma_start3A_40 = arith.constant 0 : i32
      %dma_start3A_41 = tpu.memref_slice %arg2[%run_scoped3A, %dma_start3A_39, %dma_start3A_40] : memref<2x2500x128xi32, #tpu.memory_space<hbm>> -> memref<1x2500x128xi32, #tpu.memory_space<hbm>>
      %dma_start3A_42 = tpu.memref_squeeze %dma_start3A_41 : memref<1x2500x128xi32, #tpu.memory_space<hbm>> -> memref<2500x128xi32, #tpu.memory_space<hbm>>
      %dma_start3A_43 = arith.constant 0 : i32
      %dma_start3A_44 = tpu.memref_slice %dma_start3A_42[%mul3A_4, %dma_start3A_43] : memref<2500x128xi32, #tpu.memory_space<hbm>> -> memref<78x128xi32, #tpu.memory_space<hbm>>
      %dma_start3A_45 = arith.constant 0 : i32
      %dma_start3A_46 = arith.constant 0 : i32
      %dma_start3A_47 = tpu.memref_slice %arg7[%dma_start3A_45, %dma_start3A_46] : memref<79x128xi32, #tpu.memory_space<vmem>> -> memref<78x128xi32, #tpu.memory_space<vmem>>
      %dma_start3A_48 = arith.constant 0 : i32
      %dma_start3A_49 = arith.constant 0 : i32
      %dma_start3A_50 = tpu.memref_slice %arg2[%run_scoped3A, %dma_start3A_48, %dma_start3A_49] : memref<2x2500x128xi32, #tpu.memory_space<hbm>> -> memref<1x2500x128xi32, #tpu.memory_space<hbm>>
      %dma_start3A_51 = tpu.memref_squeeze %dma_start3A_50 : memref<1x2500x128xi32, #tpu.memory_space<hbm>> -> memref<2500x128xi32, #tpu.memory_space<hbm>>
      %dma_start3A_52 = arith.constant 0 : i32
      %dma_start3A_53 = tpu.memref_slice %dma_start3A_51[%mul3A_4, %dma_start3A_52] : memref<2500x128xi32, #tpu.memory_space<hbm>> -> memref<78x128xi32, #tpu.memory_space<hbm>>
      tpu.enqueue_dma source(%dma_start3A_53 : memref<78x128xi32, #tpu.memory_space<hbm>>) target(%dma_start3A_47 : memref<78x128xi32, #tpu.memory_space<vmem>>) target_semaphore(%run_scoped3A_36 : memref<!tpu.dma_semaphore, #tpu.memory_space<semaphore_mem>>)
      %dma_wait3A = arith.constant 0 : i32
      %dma_wait3A_54 = arith.constant 0 : i32
      %dma_wait3A_55 = tpu.memref_slice %arg7[%dma_wait3A, %dma_wait3A_54] : memref<79x128xi32, #tpu.memory_space<vmem>> -> memref<78x128xi32, #tpu.memory_space<vmem>>
      %dma_wait3A_56 = arith.constant 0 : i32
      %dma_wait3A_57 = arith.constant 0 : i32
      %dma_wait3A_58 = tpu.memref_slice %arg2[%run_scoped3A, %dma_wait3A_56, %dma_wait3A_57] : memref<2x2500x128xi32, #tpu.memory_space<hbm>> -> memref<1x2500x128xi32, #tpu.memory_space<hbm>>
      %dma_wait3A_59 = tpu.memref_squeeze %dma_wait3A_58 : memref<1x2500x128xi32, #tpu.memory_space<hbm>> -> memref<2500x128xi32, #tpu.memory_space<hbm>>
      %dma_wait3A_60 = arith.constant 0 : i32
      %dma_wait3A_61 = tpu.memref_slice %dma_wait3A_59[%mul3A_4, %dma_wait3A_60] : memref<2500x128xi32, #tpu.memory_space<hbm>> -> memref<78x128xi32, #tpu.memory_space<hbm>>
      %dma_wait3A_62 = arith.constant 0 : i32
      %dma_wait3A_63 = arith.constant 0 : i32
      %dma_wait3A_64 = tpu.memref_slice %arg7[%dma_wait3A_62, %dma_wait3A_63] : memref<79x128xi32, #tpu.memory_space<vmem>> -> memref<78x128xi32, #tpu.memory_space<vmem>>
      %dma_wait3A_65 = arith.constant 0 : i32
      %dma_wait3A_66 = arith.constant 0 : i32
      %dma_wait3A_67 = tpu.memref_slice %arg2[%run_scoped3A, %dma_wait3A_65, %dma_wait3A_66] : memref<2x2500x128xi32, #tpu.memory_space<hbm>> -> memref<1x2500x128xi32, #tpu.memory_space<hbm>>
      %dma_wait3A_68 = tpu.memref_squeeze %dma_wait3A_67 : memref<1x2500x128xi32, #tpu.memory_space<hbm>> -> memref<2500x128xi32, #tpu.memory_space<hbm>>
      %dma_wait3A_69 = arith.constant 0 : i32
      %dma_wait3A_70 = tpu.memref_slice %dma_wait3A_68[%mul3A_4, %dma_wait3A_69] : memref<2500x128xi32, #tpu.memory_space<hbm>> -> memref<78x128xi32, #tpu.memory_space<hbm>>
      tpu.wait_dma2 semaphore(%run_scoped3A_36 : memref<!tpu.dma_semaphore, #tpu.memory_space<semaphore_mem>>) src(%dma_wait3A_70 : memref<78x128xi32, #tpu.memory_space<hbm>>) dst(%dma_wait3A_64 : memref<78x128xi32, #tpu.memory_space<vmem>>)
      tpu.yield
    }) : () -> ()
    %lt3A = arith.constant 4 : i32
    %lt3A_5 = arith.cmpi slt, %add3A, %lt3A : i32
    %convert_element_type3A = arith.extui %lt3A_5 : i1 to i32
    %cond3A = arith.constant 1 : i32
    %cond3A_6 = arith.constant 0 : i32
    %cond3A_7 = arith.cmpi ne, %convert_element_type3A, %cond3A_6 : i32
    scf.if %cond3A_7 {
      %add3A_36 = arith.constant 2496 : i32
      %add3A_37 = arith.addi %add3A_36, %add3A : i32
      "tpu.region"() ({
        %run_scoped3A_38 = tpu.sem_alloc : memref<!tpu.dma_semaphore, #tpu.memory_space<semaphore_mem>>
        %dma_start3A = arith.constant 78 : i32
        %dma_start3A_39 = arith.constant 0 : i32
        %dma_start3A_40 = tpu.memref_slice %arg7[%dma_start3A, %dma_start3A_39] : memref<79x128xi32, #tpu.memory_space<vmem>> -> memref<1x128xi32, #tpu.memory_space<vmem>>
        %dma_start3A_41 = arith.constant 0 : i32
        %dma_start3A_42 = arith.constant 0 : i32
        %dma_start3A_43 = tpu.memref_slice %arg2[%cond3A, %dma_start3A_41, %dma_start3A_42] : memref<2x2500x128xi32, #tpu.memory_space<hbm>> -> memref<1x2500x128xi32, #tpu.memory_space<hbm>>
        %dma_start3A_44 = tpu.memref_squeeze %dma_start3A_43 : memref<1x2500x128xi32, #tpu.memory_space<hbm>> -> memref<2500x128xi32, #tpu.memory_space<hbm>>
        %dma_start3A_45 = arith.constant 0 : i32
        %dma_start3A_46 = tpu.memref_slice %dma_start3A_44[%add3A_37, %dma_start3A_45] : memref<2500x128xi32, #tpu.memory_space<hbm>> -> memref<1x128xi32, #tpu.memory_space<hbm>>
        %dma_start3A_47 = arith.constant 78 : i32
        %dma_start3A_48 = arith.constant 0 : i32
        %dma_start3A_49 = tpu.memref_slice %arg7[%dma_start3A_47, %dma_start3A_48] : memref<79x128xi32, #tpu.memory_space<vmem>> -> memref<1x128xi32, #tpu.memory_space<vmem>>
        %dma_start3A_50 = arith.constant 0 : i32
        %dma_start3A_51 = arith.constant 0 : i32
        %dma_start3A_52 = tpu.memref_slice %arg2[%cond3A, %dma_start3A_50, %dma_start3A_51] : memref<2x2500x128xi32, #tpu.memory_space<hbm>> -> memref<1x2500x128xi32, #tpu.memory_space<hbm>>
        %dma_start3A_53 = tpu.memref_squeeze %dma_start3A_52 : memref<1x2500x128xi32, #tpu.memory_space<hbm>> -> memref<2500x128xi32, #tpu.memory_space<hbm>>
        %dma_start3A_54 = arith.constant 0 : i32
        %dma_start3A_55 = tpu.memref_slice %dma_start3A_53[%add3A_37, %dma_start3A_54] : memref<2500x128xi32, #tpu.memory_space<hbm>> -> memref<1x128xi32, #tpu.memory_space<hbm>>
        tpu.enqueue_dma source(%dma_start3A_55 : memref<1x128xi32, #tpu.memory_space<hbm>>) target(%dma_start3A_49 : memref<1x128xi32, #tpu.memory_space<vmem>>) target_semaphore(%run_scoped3A_38 : memref<!tpu.dma_semaphore, #tpu.memory_space<semaphore_mem>>)
        %dma_wait3A = arith.constant 78 : i32
        %dma_wait3A_56 = arith.constant 0 : i32
        %dma_wait3A_57 = tpu.memref_slice %arg7[%dma_wait3A, %dma_wait3A_56] : memref<79x128xi32, #tpu.memory_space<vmem>> -> memref<1x128xi32, #tpu.memory_space<vmem>>
        %dma_wait3A_58 = arith.constant 0 : i32
        %dma_wait3A_59 = arith.constant 0 : i32
        %dma_wait3A_60 = tpu.memref_slice %arg2[%cond3A, %dma_wait3A_58, %dma_wait3A_59] : memref<2x2500x128xi32, #tpu.memory_space<hbm>> -> memref<1x2500x128xi32, #tpu.memory_space<hbm>>
        %dma_wait3A_61 = tpu.memref_squeeze %dma_wait3A_60 : memref<1x2500x128xi32, #tpu.memory_space<hbm>> -> memref<2500x128xi32, #tpu.memory_space<hbm>>
        %dma_wait3A_62 = arith.constant 0 : i32
        %dma_wait3A_63 = tpu.memref_slice %dma_wait3A_61[%add3A_37, %dma_wait3A_62] : memref<2500x128xi32, #tpu.memory_space<hbm>> -> memref<1x128xi32, #tpu.memory_space<hbm>>
        %dma_wait3A_64 = arith.constant 78 : i32
        %dma_wait3A_65 = arith.constant 0 : i32
        %dma_wait3A_66 = tpu.memref_slice %arg7[%dma_wait3A_64, %dma_wait3A_65] : memref<79x128xi32, #tpu.memory_space<vmem>> -> memref<1x128xi32, #tpu.memory_space<vmem>>
        %dma_wait3A_67 = arith.constant 0 : i32
        %dma_wait3A_68 = arith.constant 0 : i32
        %dma_wait3A_69 = tpu.memref_slice %arg2[%cond3A, %dma_wait3A_67, %dma_wait3A_68] : memref<2x2500x128xi32, #tpu.memory_space<hbm>> -> memref<1x2500x128xi32, #tpu.memory_space<hbm>>
        %dma_wait3A_70 = tpu.memref_squeeze %dma_wait3A_69 : memref<1x2500x128xi32, #tpu.memory_space<hbm>> -> memref<2500x128xi32, #tpu.memory_space<hbm>>
        %dma_wait3A_71 = arith.constant 0 : i32
        %dma_wait3A_72 = tpu.memref_slice %dma_wait3A_70[%add3A_37, %dma_wait3A_71] : memref<2500x128xi32, #tpu.memory_space<hbm>> -> memref<1x128xi32, #tpu.memory_space<hbm>>
        tpu.wait_dma2 semaphore(%run_scoped3A_38 : memref<!tpu.dma_semaphore, #tpu.memory_space<semaphore_mem>>) src(%dma_wait3A_72 : memref<1x128xi32, #tpu.memory_space<hbm>>) dst(%dma_wait3A_66 : memref<1x128xi32, #tpu.memory_space<vmem>>)
        tpu.yield
      }) : () -> ()
    } else {
    }
    %scan3A = arith.constant 0 : i32
    %scan3A_8 = arith.constant 0 : i32
    %scan3A_9 = arith.constant 78 : i32
    %scan3A_10 = arith.addi %scan3A_8, %scan3A_9 : i32
    %scan3A_11 = arith.constant 1 : i32
    %scan3A_12 = scf.for %scan3A_36 = %scan3A_8 to %scan3A_10 step %scan3A_11 iter_args(%scan3A_37 = %scan3A) -> (i32)  : i32 {
      %dma_start3A = arith.constant 0 : i32
      %dma_start3A_38 = tpu.memref_slice %arg7[%scan3A_36, %dma_start3A] : memref<79x128xi32, #tpu.memory_space<vmem>> -> memref<1x128xi32, #tpu.memory_space<vmem>>
      %dma_start3A_39 = tpu.memref_squeeze %dma_start3A_38 : memref<1x128xi32, #tpu.memory_space<vmem>> -> memref<128xi32, #tpu.memory_space<vmem>>
      %dma_start3A_40 = arith.constant 0 : i32
      %dma_start3A_41 = arith.constant 0 : i32
      %dma_start3A_42 = tpu.memref_slice %arg9[%dma_start3A_40, %dma_start3A_41] : memref<10112x16xf32, #tpu.memory_space<vmem_shared>> -> memref<10112x16xf32, #tpu.memory_space<vmem_shared>>
      tpu.enqueue_indirect_dma source(%arg8 : memref<128x16xf32, #tpu.memory_space<vmem>>) target(%dma_start3A_42 : memref<10112x16xf32, #tpu.memory_space<vmem_shared>>) offsets(%dma_start3A_39 : memref<128xi32, #tpu.memory_space<vmem>>) semaphore(%arg10 : memref<!tpu.dma_semaphore, #tpu.memory_space<semaphore_mem>>) {add = true}
      %ge3A = arith.constant 16 : i32
      %ge3A_43 = arith.cmpi sge, %scan3A_36, %ge3A : i32
      %convert_element_type3A_44 = arith.extui %ge3A_43 : i1 to i32
      %cond3A_45 = arith.constant 0 : i32
      %cond3A_46 = arith.cmpi ne, %convert_element_type3A_44, %cond3A_45 : i32
      scf.if %cond3A_46 {
        %dma_wait3A = arith.constant 0 : i32
        %dma_wait3A_48 = arith.constant 0 : i32
        %dma_wait3A_49 = tpu.memref_slice %arg7[%dma_wait3A, %dma_wait3A_48] : memref<79x128xi32, #tpu.memory_space<vmem>> -> memref<1x128xi32, #tpu.memory_space<vmem>>
        %dma_wait3A_50 = tpu.memref_squeeze %dma_wait3A_49 : memref<1x128xi32, #tpu.memory_space<vmem>> -> memref<128xi32, #tpu.memory_space<vmem>>
        %dma_wait3A_51 = arith.constant 0 : i32
        %dma_wait3A_52 = arith.constant 0 : i32
        %dma_wait3A_53 = tpu.memref_slice %arg9[%dma_wait3A_51, %dma_wait3A_52] : memref<10112x16xf32, #tpu.memory_space<vmem_shared>> -> memref<10112x16xf32, #tpu.memory_space<vmem_shared>>
        tpu.wait_indirect_dma semaphore(%arg10 : memref<!tpu.dma_semaphore, #tpu.memory_space<semaphore_mem>>) src(%arg8 : memref<128x16xf32, #tpu.memory_space<vmem>>) dst(%dma_wait3A_53 : memref<10112x16xf32, #tpu.memory_space<vmem_shared>>)
      } else {
      }
      %scan3A_47 = arith.constant 0 : i32
      scf.yield %scan3A_47 : i32
    }
    %scan3A_13 = arith.constant 78 : i32
    %lt3A_14 = arith.constant 4 : i32
    %lt3A_15 = arith.cmpi slt, %add3A, %lt3A_14 : i32
    %convert_element_type3A_16 = arith.extui %lt3A_15 : i1 to i32
    %cond3A_17 = arith.constant 0 : i32
    %cond3A_18 = arith.cmpi ne, %convert_element_type3A_16, %cond3A_17 : i32
    scf.if %cond3A_18 {
      %dma_start3A = arith.constant 78 : i32
      %dma_start3A_36 = arith.constant 0 : i32
      %dma_start3A_37 = tpu.memref_slice %arg7[%dma_start3A, %dma_start3A_36] : memref<79x128xi32, #tpu.memory_space<vmem>> -> memref<1x128xi32, #tpu.memory_space<vmem>>
      %dma_start3A_38 = tpu.memref_squeeze %dma_start3A_37 : memref<1x128xi32, #tpu.memory_space<vmem>> -> memref<128xi32, #tpu.memory_space<vmem>>
      %dma_start3A_39 = arith.constant 0 : i32
      %dma_start3A_40 = arith.constant 0 : i32
      %dma_start3A_41 = tpu.memref_slice %arg9[%dma_start3A_39, %dma_start3A_40] : memref<10112x16xf32, #tpu.memory_space<vmem_shared>> -> memref<10112x16xf32, #tpu.memory_space<vmem_shared>>
      tpu.enqueue_indirect_dma source(%arg8 : memref<128x16xf32, #tpu.memory_space<vmem>>) target(%dma_start3A_41 : memref<10112x16xf32, #tpu.memory_space<vmem_shared>>) offsets(%dma_start3A_38 : memref<128xi32, #tpu.memory_space<vmem>>) semaphore(%arg10 : memref<!tpu.dma_semaphore, #tpu.memory_space<semaphore_mem>>) {add = true}
      %dma_wait3A = arith.constant 0 : i32
      %dma_wait3A_42 = arith.constant 0 : i32
      %dma_wait3A_43 = tpu.memref_slice %arg7[%dma_wait3A, %dma_wait3A_42] : memref<79x128xi32, #tpu.memory_space<vmem>> -> memref<1x128xi32, #tpu.memory_space<vmem>>
      %dma_wait3A_44 = tpu.memref_squeeze %dma_wait3A_43 : memref<1x128xi32, #tpu.memory_space<vmem>> -> memref<128xi32, #tpu.memory_space<vmem>>
      %dma_wait3A_45 = arith.constant 0 : i32
      %dma_wait3A_46 = arith.constant 0 : i32
      %dma_wait3A_47 = tpu.memref_slice %arg9[%dma_wait3A_45, %dma_wait3A_46] : memref<10112x16xf32, #tpu.memory_space<vmem_shared>> -> memref<10112x16xf32, #tpu.memory_space<vmem_shared>>
      tpu.wait_indirect_dma semaphore(%arg10 : memref<!tpu.dma_semaphore, #tpu.memory_space<semaphore_mem>>) src(%arg8 : memref<128x16xf32, #tpu.memory_space<vmem>>) dst(%dma_wait3A_47 : memref<10112x16xf32, #tpu.memory_space<vmem_shared>>)
    } else {
    }
    %scan3A_19 = arith.constant 0 : i32
    %scan3A_20 = arith.constant 0 : i32
    %scan3A_21 = arith.constant 16 : i32
    %scan3A_22 = arith.addi %scan3A_20, %scan3A_21 : i32
    %scan3A_23 = arith.constant 1 : i32
    %scan3A_24 = scf.for %scan3A_36 = %scan3A_20 to %scan3A_22 step %scan3A_23 iter_args(%scan3A_37 = %scan3A_19) -> (i32)  : i32 {
      %dma_wait3A = arith.constant 0 : i32
      %dma_wait3A_38 = arith.constant 0 : i32
      %dma_wait3A_39 = tpu.memref_slice %arg7[%dma_wait3A, %dma_wait3A_38] : memref<79x128xi32, #tpu.memory_space<vmem>> -> memref<1x128xi32, #tpu.memory_space<vmem>>
      %dma_wait3A_40 = tpu.memref_squeeze %dma_wait3A_39 : memref<1x128xi32, #tpu.memory_space<vmem>> -> memref<128xi32, #tpu.memory_space<vmem>>
      %dma_wait3A_41 = arith.constant 0 : i32
      %dma_wait3A_42 = arith.constant 0 : i32
      %dma_wait3A_43 = tpu.memref_slice %arg9[%dma_wait3A_41, %dma_wait3A_42] : memref<10112x16xf32, #tpu.memory_space<vmem_shared>> -> memref<10112x16xf32, #tpu.memory_space<vmem_shared>>
      tpu.wait_indirect_dma semaphore(%arg10 : memref<!tpu.dma_semaphore, #tpu.memory_space<semaphore_mem>>) src(%arg8 : memref<128x16xf32, #tpu.memory_space<vmem>>) dst(%dma_wait3A_43 : memref<10112x16xf32, #tpu.memory_space<vmem_shared>>)
      %scan3A_44 = arith.constant 0 : i32
      scf.yield %scan3A_44 : i32
    }
    %scan3A_25 = arith.constant 16 : i32
    %barrier3A_26 = arith.constant 0 : index
    tpu.barrier barrier_id(%barrier3A_26)
    %eq3A = arith.constant 0 : i32
    %eq3A_27 = arith.cmpi eq, %arg0, %eq3A : i32
    %convert_element_type3A_28 = arith.extui %eq3A_27 : i1 to i32
    %cond3A_29 = arith.constant 0 : i32
    %cond3A_30 = arith.cmpi ne, %convert_element_type3A_28, %cond3A_29 : i32
    scf.if %cond3A_30 {
      %mul3A_36 = arith.constant 632 : i32
      %mul3A_37 = arith.muli %arg1, %mul3A_36 : i32
      %mul3A_38 = arith.constant 632 : i32
      %mul3A_39 = arith.muli %arg1, %mul3A_38 : i32
      "tpu.region"() ({
        %run_scoped3A_40 = tpu.sem_alloc : memref<!tpu.dma_semaphore, #tpu.memory_space<semaphore_mem>>
        %dma_start3A = arith.constant 0 : i32
        %dma_start3A_41 = tpu.memref_slice %arg5[%mul3A_39, %dma_start3A] : memref<10112x16xf32, #tpu.memory_space<hbm>> -> memref<632x16xf32, #tpu.memory_space<hbm>>
        %dma_start3A_42 = arith.constant 0 : i32
        %dma_start3A_43 = tpu.memref_slice %arg9[%mul3A_37, %dma_start3A_42] : memref<10112x16xf32, #tpu.memory_space<vmem_shared>> -> memref<632x16xf32, #tpu.memory_space<vmem_shared>>
        tpu.enqueue_dma source(%dma_start3A_43 : memref<632x16xf32, #tpu.memory_space<vmem_shared>>) target(%dma_start3A_41 : memref<632x16xf32, #tpu.memory_space<hbm>>) target_semaphore(%run_scoped3A_40 : memref<!tpu.dma_semaphore, #tpu.memory_space<semaphore_mem>>)
        %dma_wait3A = arith.constant 0 : i32
        %dma_wait3A_44 = tpu.memref_slice %arg5[%mul3A_39, %dma_wait3A] : memref<10112x16xf32, #tpu.memory_space<hbm>> -> memref<632x16xf32, #tpu.memory_space<hbm>>
        %dma_wait3A_45 = arith.constant 0 : i32
        %dma_wait3A_46 = tpu.memref_slice %arg9[%mul3A_37, %dma_wait3A_45] : memref<10112x16xf32, #tpu.memory_space<vmem_shared>> -> memref<632x16xf32, #tpu.memory_space<vmem_shared>>
        tpu.wait_dma2 semaphore(%run_scoped3A_40 : memref<!tpu.dma_semaphore, #tpu.memory_space<semaphore_mem>>) src(%dma_wait3A_46 : memref<632x16xf32, #tpu.memory_space<vmem_shared>>) dst(%dma_wait3A_44 : memref<632x16xf32, #tpu.memory_space<hbm>>)
        tpu.yield
      }) : () -> ()
    } else {
    }
    %eq3A_31 = arith.constant 1 : i32
    %eq3A_32 = arith.cmpi eq, %arg0, %eq3A_31 : i32
    %convert_element_type3A_33 = arith.extui %eq3A_32 : i1 to i32
    %cond3A_34 = arith.constant 0 : i32
    %cond3A_35 = arith.cmpi ne, %convert_element_type3A_33, %cond3A_34 : i32
    scf.if %cond3A_35 {
      %mul3A_36 = arith.constant 632 : i32
      %mul3A_37 = arith.muli %arg1, %mul3A_36 : i32
      %mul3A_38 = arith.constant 632 : i32
      %mul3A_39 = arith.muli %arg1, %mul3A_38 : i32
      "tpu.region"() ({
        %run_scoped3A_40 = tpu.sem_alloc : memref<!tpu.dma_semaphore, #tpu.memory_space<semaphore_mem>>
        %dma_start3A = arith.constant 0 : i32
        %dma_start3A_41 = tpu.memref_slice %arg6[%mul3A_39, %dma_start3A] : memref<10112x16xf32, #tpu.memory_space<hbm>> -> memref<632x16xf32, #tpu.memory_space<hbm>>
        %dma_start3A_42 = arith.constant 0 : i32
        %dma_start3A_43 = tpu.memref_slice %arg9[%mul3A_37, %dma_start3A_42] : memref<10112x16xf32, #tpu.memory_space<vmem_shared>> -> memref<632x16xf32, #tpu.memory_space<vmem_shared>>
        tpu.enqueue_dma source(%dma_start3A_43 : memref<632x16xf32, #tpu.memory_space<vmem_shared>>) target(%dma_start3A_41 : memref<632x16xf32, #tpu.memory_space<hbm>>) target_semaphore(%run_scoped3A_40 : memref<!tpu.dma_semaphore, #tpu.memory_space<semaphore_mem>>)
        %dma_wait3A = arith.constant 0 : i32
        %dma_wait3A_44 = tpu.memref_slice %arg6[%mul3A_39, %dma_wait3A] : memref<10112x16xf32, #tpu.memory_space<hbm>> -> memref<632x16xf32, #tpu.memory_space<hbm>>
        %dma_wait3A_45 = arith.constant 0 : i32
        %dma_wait3A_46 = tpu.memref_slice %arg9[%mul3A_37, %dma_wait3A_45] : memref<10112x16xf32, #tpu.memory_space<vmem_shared>> -> memref<632x16xf32, #tpu.memory_space<vmem_shared>>
        tpu.wait_dma2 semaphore(%run_scoped3A_40 : memref<!tpu.dma_semaphore, #tpu.memory_space<semaphore_mem>>) src(%dma_wait3A_46 : memref<632x16xf32, #tpu.memory_space<vmem_shared>>) dst(%dma_wait3A_44 : memref<632x16xf32, #tpu.memory_space<hbm>>)
        tpu.yield
      }) : () -> ()
    } else {
    }
    return
  }
}

#map = affine_map<(d0, d1) -> (0, 0)>
#map1 = affine_map<(d0, d1) -> (0, 0, 0)>
module attributes {stable_mosaic.version = 14 : i64} {
  func.func @edge_kernel(%arg0: i32, %arg1: i32, %arg2: memref<10112x64xf32, #tpu.memory_space<hbm>>, %arg3: memref<2x2500x128xi32, #tpu.memory_space<hbm>>, %arg4: memref<632x64xf32, #tpu.memory_space<hbm>>, %arg5: memref<10112x64xf32, #tpu.memory_space<hbm>>, %arg6: memref<10112x64xf32, #tpu.memory_space<hbm>>, %arg7: memref<79x128xi32, #tpu.memory_space<vmem>>, %arg8: memref<79x128xi32, #tpu.memory_space<vmem>>, %arg9: memref<128x64xf32, #tpu.memory_space<vmem>>, %arg10: memref<128x64xf32, #tpu.memory_space<vmem>>, %arg11: memref<128x64xf32, #tpu.memory_space<vmem>>, %arg12: memref<10112x64xf32, #tpu.memory_space<vmem_shared>>, %arg13: memref<10112x64xf32, #tpu.memory_space<vmem_shared>>, %arg14: memref<!tpu.dma_semaphore, #tpu.memory_space<semaphore_mem>>, %arg15: memref<!tpu.dma_semaphore, #tpu.memory_space<semaphore_mem>>, %arg16: memref<!tpu.dma_semaphore, #tpu.memory_space<semaphore_mem>>, %arg17: memref<!tpu.dma_semaphore, #tpu.memory_space<semaphore_mem>>, %arg18: memref<!tpu.dma_semaphore, #tpu.memory_space<semaphore_mem>>, %arg19: memref<!tpu.dma_semaphore, #tpu.memory_space<semaphore_mem>>) attributes {dimension_semantics = [#tpu.dimension_semantics<core_parallel>, #tpu.dimension_semantics<subcore_parallel>], iteration_bounds = array<i64: 2, 16>, scalar_prefetch = 0 : i64, scratch_operands = 13 : i64, tpu.core_type = #tpu.core_type<sc_vector_subcore>, window_params = [{transform_indices = #map}, {transform_indices = #map1}, {transform_indices = #map}, {transform_indices = #map}, {transform_indices = #map}]} {
    %mul3A = arith.constant 2 : i32
    %mul3A_0 = arith.muli %arg1, %mul3A : i32
    %add3A = arith.addi %mul3A_0, %arg0 : i32
    %mul3A_1 = arith.constant 632 : i32
    %mul3A_2 = arith.muli %arg1, %mul3A_1 : i32
    "tpu.region"() ({
      %run_scoped3A_76 = tpu.sem_alloc : memref<!tpu.dma_semaphore, #tpu.memory_space<semaphore_mem>>
      %dma_start3A_77 = arith.constant 0 : i32
      %dma_start3A_78 = tpu.memref_slice %arg12[%mul3A_2, %dma_start3A_77] : memref<10112x64xf32, #tpu.memory_space<vmem_shared>> -> memref<632x64xf32, #tpu.memory_space<vmem_shared>>
      %dma_start3A_79 = arith.constant 0 : i32
      %dma_start3A_80 = tpu.memref_slice %arg2[%mul3A_2, %dma_start3A_79] : memref<10112x64xf32, #tpu.memory_space<hbm>> -> memref<632x64xf32, #tpu.memory_space<hbm>>
      tpu.enqueue_dma source(%dma_start3A_80 : memref<632x64xf32, #tpu.memory_space<hbm>>) target(%dma_start3A_78 : memref<632x64xf32, #tpu.memory_space<vmem_shared>>) target_semaphore(%run_scoped3A_76 : memref<!tpu.dma_semaphore, #tpu.memory_space<semaphore_mem>>)
      %dma_wait3A_81 = arith.constant 0 : i32
      %dma_wait3A_82 = tpu.memref_slice %arg12[%mul3A_2, %dma_wait3A_81] : memref<10112x64xf32, #tpu.memory_space<vmem_shared>> -> memref<632x64xf32, #tpu.memory_space<vmem_shared>>
      %dma_wait3A_83 = arith.constant 0 : i32
      %dma_wait3A_84 = tpu.memref_slice %arg2[%mul3A_2, %dma_wait3A_83] : memref<10112x64xf32, #tpu.memory_space<hbm>> -> memref<632x64xf32, #tpu.memory_space<hbm>>
      tpu.wait_dma2 semaphore(%run_scoped3A_76 : memref<!tpu.dma_semaphore, #tpu.memory_space<semaphore_mem>>) src(%dma_wait3A_84 : memref<632x64xf32, #tpu.memory_space<hbm>>) dst(%dma_wait3A_82 : memref<632x64xf32, #tpu.memory_space<vmem_shared>>)
      tpu.yield
    }) : () -> ()
    %eq3A = arith.constant 0 : i32
    %eq3A_3 = arith.cmpi eq, %arg0, %eq3A : i32
    %convert_element_type3A = arith.extui %eq3A_3 : i1 to i32
    %cond3A = arith.constant 0 : i32
    %cond3A_4 = arith.cmpi ne, %convert_element_type3A, %cond3A : i32
    scf.if %cond3A_4 {
      "tpu.region"() ({
        %run_scoped3A_76 = tpu.sem_alloc : memref<!tpu.dma_semaphore, #tpu.memory_space<semaphore_mem>>
        %dma_start3A_77 = arith.constant 0 : i32
        %dma_start3A_78 = tpu.memref_slice %arg13[%mul3A_2, %dma_start3A_77] : memref<10112x64xf32, #tpu.memory_space<vmem_shared>> -> memref<632x64xf32, #tpu.memory_space<vmem_shared>>
        %dma_start3A_79 = arith.constant 0 : i32
        %dma_start3A_80 = tpu.memref_slice %arg2[%mul3A_2, %dma_start3A_79] : memref<10112x64xf32, #tpu.memory_space<hbm>> -> memref<632x64xf32, #tpu.memory_space<hbm>>
        tpu.enqueue_dma source(%dma_start3A_80 : memref<632x64xf32, #tpu.memory_space<hbm>>) target(%dma_start3A_78 : memref<632x64xf32, #tpu.memory_space<vmem_shared>>) target_semaphore(%run_scoped3A_76 : memref<!tpu.dma_semaphore, #tpu.memory_space<semaphore_mem>>)
        %dma_wait3A_81 = arith.constant 0 : i32
        %dma_wait3A_82 = tpu.memref_slice %arg13[%mul3A_2, %dma_wait3A_81] : memref<10112x64xf32, #tpu.memory_space<vmem_shared>> -> memref<632x64xf32, #tpu.memory_space<vmem_shared>>
        %dma_wait3A_83 = arith.constant 0 : i32
        %dma_wait3A_84 = tpu.memref_slice %arg2[%mul3A_2, %dma_wait3A_83] : memref<10112x64xf32, #tpu.memory_space<hbm>> -> memref<632x64xf32, #tpu.memory_space<hbm>>
        tpu.wait_dma2 semaphore(%run_scoped3A_76 : memref<!tpu.dma_semaphore, #tpu.memory_space<semaphore_mem>>) src(%dma_wait3A_84 : memref<632x64xf32, #tpu.memory_space<hbm>>) dst(%dma_wait3A_82 : memref<632x64xf32, #tpu.memory_space<vmem_shared>>)
        tpu.yield
      }) : () -> ()
    } else {
    }
    %eq3A_5 = arith.constant 1 : i32
    %eq3A_6 = arith.cmpi eq, %arg0, %eq3A_5 : i32
    %convert_element_type3A_7 = arith.extui %eq3A_6 : i1 to i32
    %cond3A_8 = arith.constant 0 : i32
    %cond3A_9 = arith.cmpi ne, %convert_element_type3A_7, %cond3A_8 : i32
    scf.if %cond3A_9 {
      "tpu.region"() ({
        %run_scoped3A_76 = tpu.sem_alloc : memref<!tpu.dma_semaphore, #tpu.memory_space<semaphore_mem>>
        %dma_start3A_77 = arith.constant 0 : i32
        %dma_start3A_78 = tpu.memref_slice %arg13[%mul3A_2, %dma_start3A_77] : memref<10112x64xf32, #tpu.memory_space<vmem_shared>> -> memref<632x64xf32, #tpu.memory_space<vmem_shared>>
        tpu.enqueue_dma source(%arg4 : memref<632x64xf32, #tpu.memory_space<hbm>>) target(%dma_start3A_78 : memref<632x64xf32, #tpu.memory_space<vmem_shared>>) target_semaphore(%run_scoped3A_76 : memref<!tpu.dma_semaphore, #tpu.memory_space<semaphore_mem>>)
        %dma_wait3A_79 = arith.constant 0 : i32
        %dma_wait3A_80 = tpu.memref_slice %arg13[%mul3A_2, %dma_wait3A_79] : memref<10112x64xf32, #tpu.memory_space<vmem_shared>> -> memref<632x64xf32, #tpu.memory_space<vmem_shared>>
        tpu.wait_dma2 semaphore(%run_scoped3A_76 : memref<!tpu.dma_semaphore, #tpu.memory_space<semaphore_mem>>) src(%arg4 : memref<632x64xf32, #tpu.memory_space<hbm>>) dst(%dma_wait3A_80 : memref<632x64xf32, #tpu.memory_space<vmem_shared>>)
        tpu.yield
      }) : () -> ()
    } else {
    }
    %mul3A_10 = arith.constant 78 : i32
    %mul3A_11 = arith.muli %add3A, %mul3A_10 : i32
    %run_scoped3A = arith.constant 0 : i32
    "tpu.region"() ({
      %run_scoped3A_76 = tpu.sem_alloc : memref<!tpu.dma_semaphore, #tpu.memory_space<semaphore_mem>>
      %dma_start3A_77 = arith.constant 0 : i32
      %dma_start3A_78 = arith.constant 0 : i32
      %dma_start3A_79 = tpu.memref_slice %arg7[%dma_start3A_77, %dma_start3A_78] : memref<79x128xi32, #tpu.memory_space<vmem>> -> memref<78x128xi32, #tpu.memory_space<vmem>>
      %dma_start3A_80 = arith.constant 0 : i32
      %dma_start3A_81 = arith.constant 0 : i32
      %dma_start3A_82 = tpu.memref_slice %arg3[%run_scoped3A, %dma_start3A_80, %dma_start3A_81] : memref<2x2500x128xi32, #tpu.memory_space<hbm>> -> memref<1x2500x128xi32, #tpu.memory_space<hbm>>
      %dma_start3A_83 = tpu.memref_squeeze %dma_start3A_82 : memref<1x2500x128xi32, #tpu.memory_space<hbm>> -> memref<2500x128xi32, #tpu.memory_space<hbm>>
      %dma_start3A_84 = arith.constant 0 : i32
      %dma_start3A_85 = tpu.memref_slice %dma_start3A_83[%mul3A_11, %dma_start3A_84] : memref<2500x128xi32, #tpu.memory_space<hbm>> -> memref<78x128xi32, #tpu.memory_space<hbm>>
      %dma_start3A_86 = arith.constant 0 : i32
      %dma_start3A_87 = arith.constant 0 : i32
      %dma_start3A_88 = tpu.memref_slice %arg7[%dma_start3A_86, %dma_start3A_87] : memref<79x128xi32, #tpu.memory_space<vmem>> -> memref<78x128xi32, #tpu.memory_space<vmem>>
      %dma_start3A_89 = arith.constant 0 : i32
      %dma_start3A_90 = arith.constant 0 : i32
      %dma_start3A_91 = tpu.memref_slice %arg3[%run_scoped3A, %dma_start3A_89, %dma_start3A_90] : memref<2x2500x128xi32, #tpu.memory_space<hbm>> -> memref<1x2500x128xi32, #tpu.memory_space<hbm>>
      %dma_start3A_92 = tpu.memref_squeeze %dma_start3A_91 : memref<1x2500x128xi32, #tpu.memory_space<hbm>> -> memref<2500x128xi32, #tpu.memory_space<hbm>>
      %dma_start3A_93 = arith.constant 0 : i32
      %dma_start3A_94 = tpu.memref_slice %dma_start3A_92[%mul3A_11, %dma_start3A_93] : memref<2500x128xi32, #tpu.memory_space<hbm>> -> memref<78x128xi32, #tpu.memory_space<hbm>>
      tpu.enqueue_dma source(%dma_start3A_94 : memref<78x128xi32, #tpu.memory_space<hbm>>) target(%dma_start3A_88 : memref<78x128xi32, #tpu.memory_space<vmem>>) target_semaphore(%run_scoped3A_76 : memref<!tpu.dma_semaphore, #tpu.memory_space<semaphore_mem>>)
      %dma_wait3A_95 = arith.constant 0 : i32
      %dma_wait3A_96 = arith.constant 0 : i32
      %dma_wait3A_97 = tpu.memref_slice %arg7[%dma_wait3A_95, %dma_wait3A_96] : memref<79x128xi32, #tpu.memory_space<vmem>> -> memref<78x128xi32, #tpu.memory_space<vmem>>
      %dma_wait3A_98 = arith.constant 0 : i32
      %dma_wait3A_99 = arith.constant 0 : i32
      %dma_wait3A_100 = tpu.memref_slice %arg3[%run_scoped3A, %dma_wait3A_98, %dma_wait3A_99] : memref<2x2500x128xi32, #tpu.memory_space<hbm>> -> memref<1x2500x128xi32, #tpu.memory_space<hbm>>
      %dma_wait3A_101 = tpu.memref_squeeze %dma_wait3A_100 : memref<1x2500x128xi32, #tpu.memory_space<hbm>> -> memref<2500x128xi32, #tpu.memory_space<hbm>>
      %dma_wait3A_102 = arith.constant 0 : i32
      %dma_wait3A_103 = tpu.memref_slice %dma_wait3A_101[%mul3A_11, %dma_wait3A_102] : memref<2500x128xi32, #tpu.memory_space<hbm>> -> memref<78x128xi32, #tpu.memory_space<hbm>>
      %dma_wait3A_104 = arith.constant 0 : i32
      %dma_wait3A_105 = arith.constant 0 : i32
      %dma_wait3A_106 = tpu.memref_slice %arg7[%dma_wait3A_104, %dma_wait3A_105] : memref<79x128xi32, #tpu.memory_space<vmem>> -> memref<78x128xi32, #tpu.memory_space<vmem>>
      %dma_wait3A_107 = arith.constant 0 : i32
      %dma_wait3A_108 = arith.constant 0 : i32
      %dma_wait3A_109 = tpu.memref_slice %arg3[%run_scoped3A, %dma_wait3A_107, %dma_wait3A_108] : memref<2x2500x128xi32, #tpu.memory_space<hbm>> -> memref<1x2500x128xi32, #tpu.memory_space<hbm>>
      %dma_wait3A_110 = tpu.memref_squeeze %dma_wait3A_109 : memref<1x2500x128xi32, #tpu.memory_space<hbm>> -> memref<2500x128xi32, #tpu.memory_space<hbm>>
      %dma_wait3A_111 = arith.constant 0 : i32
      %dma_wait3A_112 = tpu.memref_slice %dma_wait3A_110[%mul3A_11, %dma_wait3A_111] : memref<2500x128xi32, #tpu.memory_space<hbm>> -> memref<78x128xi32, #tpu.memory_space<hbm>>
      tpu.wait_dma2 semaphore(%run_scoped3A_76 : memref<!tpu.dma_semaphore, #tpu.memory_space<semaphore_mem>>) src(%dma_wait3A_112 : memref<78x128xi32, #tpu.memory_space<hbm>>) dst(%dma_wait3A_106 : memref<78x128xi32, #tpu.memory_space<vmem>>)
      tpu.yield
    }) : () -> ()
    %mul3A_12 = arith.constant 78 : i32
    %mul3A_13 = arith.muli %add3A, %mul3A_12 : i32
    %run_scoped3A_14 = arith.constant 1 : i32
    "tpu.region"() ({
      %run_scoped3A_76 = tpu.sem_alloc : memref<!tpu.dma_semaphore, #tpu.memory_space<semaphore_mem>>
      %dma_start3A_77 = arith.constant 0 : i32
      %dma_start3A_78 = arith.constant 0 : i32
      %dma_start3A_79 = tpu.memref_slice %arg8[%dma_start3A_77, %dma_start3A_78] : memref<79x128xi32, #tpu.memory_space<vmem>> -> memref<78x128xi32, #tpu.memory_space<vmem>>
      %dma_start3A_80 = arith.constant 0 : i32
      %dma_start3A_81 = arith.constant 0 : i32
      %dma_start3A_82 = tpu.memref_slice %arg3[%run_scoped3A_14, %dma_start3A_80, %dma_start3A_81] : memref<2x2500x128xi32, #tpu.memory_space<hbm>> -> memref<1x2500x128xi32, #tpu.memory_space<hbm>>
      %dma_start3A_83 = tpu.memref_squeeze %dma_start3A_82 : memref<1x2500x128xi32, #tpu.memory_space<hbm>> -> memref<2500x128xi32, #tpu.memory_space<hbm>>
      %dma_start3A_84 = arith.constant 0 : i32
      %dma_start3A_85 = tpu.memref_slice %dma_start3A_83[%mul3A_13, %dma_start3A_84] : memref<2500x128xi32, #tpu.memory_space<hbm>> -> memref<78x128xi32, #tpu.memory_space<hbm>>
      %dma_start3A_86 = arith.constant 0 : i32
      %dma_start3A_87 = arith.constant 0 : i32
      %dma_start3A_88 = tpu.memref_slice %arg8[%dma_start3A_86, %dma_start3A_87] : memref<79x128xi32, #tpu.memory_space<vmem>> -> memref<78x128xi32, #tpu.memory_space<vmem>>
      %dma_start3A_89 = arith.constant 0 : i32
      %dma_start3A_90 = arith.constant 0 : i32
      %dma_start3A_91 = tpu.memref_slice %arg3[%run_scoped3A_14, %dma_start3A_89, %dma_start3A_90] : memref<2x2500x128xi32, #tpu.memory_space<hbm>> -> memref<1x2500x128xi32, #tpu.memory_space<hbm>>
      %dma_start3A_92 = tpu.memref_squeeze %dma_start3A_91 : memref<1x2500x128xi32, #tpu.memory_space<hbm>> -> memref<2500x128xi32, #tpu.memory_space<hbm>>
      %dma_start3A_93 = arith.constant 0 : i32
      %dma_start3A_94 = tpu.memref_slice %dma_start3A_92[%mul3A_13, %dma_start3A_93] : memref<2500x128xi32, #tpu.memory_space<hbm>> -> memref<78x128xi32, #tpu.memory_space<hbm>>
      tpu.enqueue_dma source(%dma_start3A_94 : memref<78x128xi32, #tpu.memory_space<hbm>>) target(%dma_start3A_88 : memref<78x128xi32, #tpu.memory_space<vmem>>) target_semaphore(%run_scoped3A_76 : memref<!tpu.dma_semaphore, #tpu.memory_space<semaphore_mem>>)
      %dma_wait3A_95 = arith.constant 0 : i32
      %dma_wait3A_96 = arith.constant 0 : i32
      %dma_wait3A_97 = tpu.memref_slice %arg8[%dma_wait3A_95, %dma_wait3A_96] : memref<79x128xi32, #tpu.memory_space<vmem>> -> memref<78x128xi32, #tpu.memory_space<vmem>>
      %dma_wait3A_98 = arith.constant 0 : i32
      %dma_wait3A_99 = arith.constant 0 : i32
      %dma_wait3A_100 = tpu.memref_slice %arg3[%run_scoped3A_14, %dma_wait3A_98, %dma_wait3A_99] : memref<2x2500x128xi32, #tpu.memory_space<hbm>> -> memref<1x2500x128xi32, #tpu.memory_space<hbm>>
      %dma_wait3A_101 = tpu.memref_squeeze %dma_wait3A_100 : memref<1x2500x128xi32, #tpu.memory_space<hbm>> -> memref<2500x128xi32, #tpu.memory_space<hbm>>
      %dma_wait3A_102 = arith.constant 0 : i32
      %dma_wait3A_103 = tpu.memref_slice %dma_wait3A_101[%mul3A_13, %dma_wait3A_102] : memref<2500x128xi32, #tpu.memory_space<hbm>> -> memref<78x128xi32, #tpu.memory_space<hbm>>
      %dma_wait3A_104 = arith.constant 0 : i32
      %dma_wait3A_105 = arith.constant 0 : i32
      %dma_wait3A_106 = tpu.memref_slice %arg8[%dma_wait3A_104, %dma_wait3A_105] : memref<79x128xi32, #tpu.memory_space<vmem>> -> memref<78x128xi32, #tpu.memory_space<vmem>>
      %dma_wait3A_107 = arith.constant 0 : i32
      %dma_wait3A_108 = arith.constant 0 : i32
      %dma_wait3A_109 = tpu.memref_slice %arg3[%run_scoped3A_14, %dma_wait3A_107, %dma_wait3A_108] : memref<2x2500x128xi32, #tpu.memory_space<hbm>> -> memref<1x2500x128xi32, #tpu.memory_space<hbm>>
      %dma_wait3A_110 = tpu.memref_squeeze %dma_wait3A_109 : memref<1x2500x128xi32, #tpu.memory_space<hbm>> -> memref<2500x128xi32, #tpu.memory_space<hbm>>
      %dma_wait3A_111 = arith.constant 0 : i32
      %dma_wait3A_112 = tpu.memref_slice %dma_wait3A_110[%mul3A_13, %dma_wait3A_111] : memref<2500x128xi32, #tpu.memory_space<hbm>> -> memref<78x128xi32, #tpu.memory_space<hbm>>
      tpu.wait_dma2 semaphore(%run_scoped3A_76 : memref<!tpu.dma_semaphore, #tpu.memory_space<semaphore_mem>>) src(%dma_wait3A_112 : memref<78x128xi32, #tpu.memory_space<hbm>>) dst(%dma_wait3A_106 : memref<78x128xi32, #tpu.memory_space<vmem>>)
      tpu.yield
    }) : () -> ()
    %lt3A = arith.constant 4 : i32
    %lt3A_15 = arith.cmpi slt, %add3A, %lt3A : i32
    %convert_element_type3A_16 = arith.extui %lt3A_15 : i1 to i32
    %cond3A_17 = arith.constant 0 : i32
    %cond3A_18 = arith.constant 1 : i32
    %cond3A_19 = arith.constant 0 : i32
    %cond3A_20 = arith.cmpi ne, %convert_element_type3A_16, %cond3A_19 : i32
    scf.if %cond3A_20 {
      %add3A_76 = arith.constant 2496 : i32
      %add3A_77 = arith.addi %add3A_76, %add3A : i32
      "tpu.region"() ({
        %run_scoped3A_80 = tpu.sem_alloc : memref<!tpu.dma_semaphore, #tpu.memory_space<semaphore_mem>>
        %dma_start3A_81 = arith.constant 78 : i32
        %dma_start3A_82 = arith.constant 0 : i32
        %dma_start3A_83 = tpu.memref_slice %arg7[%dma_start3A_81, %dma_start3A_82] : memref<79x128xi32, #tpu.memory_space<vmem>> -> memref<1x128xi32, #tpu.memory_space<vmem>>
        %dma_start3A_84 = arith.constant 0 : i32
        %dma_start3A_85 = arith.constant 0 : i32
        %dma_start3A_86 = tpu.memref_slice %arg3[%cond3A_17, %dma_start3A_84, %dma_start3A_85] : memref<2x2500x128xi32, #tpu.memory_space<hbm>> -> memref<1x2500x128xi32, #tpu.memory_space<hbm>>
        %dma_start3A_87 = tpu.memref_squeeze %dma_start3A_86 : memref<1x2500x128xi32, #tpu.memory_space<hbm>> -> memref<2500x128xi32, #tpu.memory_space<hbm>>
        %dma_start3A_88 = arith.constant 0 : i32
        %dma_start3A_89 = tpu.memref_slice %dma_start3A_87[%add3A_77, %dma_start3A_88] : memref<2500x128xi32, #tpu.memory_space<hbm>> -> memref<1x128xi32, #tpu.memory_space<hbm>>
        %dma_start3A_90 = arith.constant 78 : i32
        %dma_start3A_91 = arith.constant 0 : i32
        %dma_start3A_92 = tpu.memref_slice %arg7[%dma_start3A_90, %dma_start3A_91] : memref<79x128xi32, #tpu.memory_space<vmem>> -> memref<1x128xi32, #tpu.memory_space<vmem>>
        %dma_start3A_93 = arith.constant 0 : i32
        %dma_start3A_94 = arith.constant 0 : i32
        %dma_start3A_95 = tpu.memref_slice %arg3[%cond3A_17, %dma_start3A_93, %dma_start3A_94] : memref<2x2500x128xi32, #tpu.memory_space<hbm>> -> memref<1x2500x128xi32, #tpu.memory_space<hbm>>
        %dma_start3A_96 = tpu.memref_squeeze %dma_start3A_95 : memref<1x2500x128xi32, #tpu.memory_space<hbm>> -> memref<2500x128xi32, #tpu.memory_space<hbm>>
        %dma_start3A_97 = arith.constant 0 : i32
        %dma_start3A_98 = tpu.memref_slice %dma_start3A_96[%add3A_77, %dma_start3A_97] : memref<2500x128xi32, #tpu.memory_space<hbm>> -> memref<1x128xi32, #tpu.memory_space<hbm>>
        tpu.enqueue_dma source(%dma_start3A_98 : memref<1x128xi32, #tpu.memory_space<hbm>>) target(%dma_start3A_92 : memref<1x128xi32, #tpu.memory_space<vmem>>) target_semaphore(%run_scoped3A_80 : memref<!tpu.dma_semaphore, #tpu.memory_space<semaphore_mem>>)
        %dma_wait3A_99 = arith.constant 78 : i32
        %dma_wait3A_100 = arith.constant 0 : i32
        %dma_wait3A_101 = tpu.memref_slice %arg7[%dma_wait3A_99, %dma_wait3A_100] : memref<79x128xi32, #tpu.memory_space<vmem>> -> memref<1x128xi32, #tpu.memory_space<vmem>>
        %dma_wait3A_102 = arith.constant 0 : i32
        %dma_wait3A_103 = arith.constant 0 : i32
        %dma_wait3A_104 = tpu.memref_slice %arg3[%cond3A_17, %dma_wait3A_102, %dma_wait3A_103] : memref<2x2500x128xi32, #tpu.memory_space<hbm>> -> memref<1x2500x128xi32, #tpu.memory_space<hbm>>
        %dma_wait3A_105 = tpu.memref_squeeze %dma_wait3A_104 : memref<1x2500x128xi32, #tpu.memory_space<hbm>> -> memref<2500x128xi32, #tpu.memory_space<hbm>>
        %dma_wait3A_106 = arith.constant 0 : i32
        %dma_wait3A_107 = tpu.memref_slice %dma_wait3A_105[%add3A_77, %dma_wait3A_106] : memref<2500x128xi32, #tpu.memory_space<hbm>> -> memref<1x128xi32, #tpu.memory_space<hbm>>
        %dma_wait3A_108 = arith.constant 78 : i32
        %dma_wait3A_109 = arith.constant 0 : i32
        %dma_wait3A_110 = tpu.memref_slice %arg7[%dma_wait3A_108, %dma_wait3A_109] : memref<79x128xi32, #tpu.memory_space<vmem>> -> memref<1x128xi32, #tpu.memory_space<vmem>>
        %dma_wait3A_111 = arith.constant 0 : i32
        %dma_wait3A_112 = arith.constant 0 : i32
        %dma_wait3A_113 = tpu.memref_slice %arg3[%cond3A_17, %dma_wait3A_111, %dma_wait3A_112] : memref<2x2500x128xi32, #tpu.memory_space<hbm>> -> memref<1x2500x128xi32, #tpu.memory_space<hbm>>
        %dma_wait3A_114 = tpu.memref_squeeze %dma_wait3A_113 : memref<1x2500x128xi32, #tpu.memory_space<hbm>> -> memref<2500x128xi32, #tpu.memory_space<hbm>>
        %dma_wait3A_115 = arith.constant 0 : i32
        %dma_wait3A_116 = tpu.memref_slice %dma_wait3A_114[%add3A_77, %dma_wait3A_115] : memref<2500x128xi32, #tpu.memory_space<hbm>> -> memref<1x128xi32, #tpu.memory_space<hbm>>
        tpu.wait_dma2 semaphore(%run_scoped3A_80 : memref<!tpu.dma_semaphore, #tpu.memory_space<semaphore_mem>>) src(%dma_wait3A_116 : memref<1x128xi32, #tpu.memory_space<hbm>>) dst(%dma_wait3A_110 : memref<1x128xi32, #tpu.memory_space<vmem>>)
        tpu.yield
      }) : () -> ()
      %add3A_78 = arith.constant 2496 : i32
      %add3A_79 = arith.addi %add3A_78, %add3A : i32
      "tpu.region"() ({
        %run_scoped3A_80 = tpu.sem_alloc : memref<!tpu.dma_semaphore, #tpu.memory_space<semaphore_mem>>
        %dma_start3A_81 = arith.constant 78 : i32
        %dma_start3A_82 = arith.constant 0 : i32
        %dma_start3A_83 = tpu.memref_slice %arg8[%dma_start3A_81, %dma_start3A_82] : memref<79x128xi32, #tpu.memory_space<vmem>> -> memref<1x128xi32, #tpu.memory_space<vmem>>
        %dma_start3A_84 = arith.constant 0 : i32
        %dma_start3A_85 = arith.constant 0 : i32
        %dma_start3A_86 = tpu.memref_slice %arg3[%cond3A_18, %dma_start3A_84, %dma_start3A_85] : memref<2x2500x128xi32, #tpu.memory_space<hbm>> -> memref<1x2500x128xi32, #tpu.memory_space<hbm>>
        %dma_start3A_87 = tpu.memref_squeeze %dma_start3A_86 : memref<1x2500x128xi32, #tpu.memory_space<hbm>> -> memref<2500x128xi32, #tpu.memory_space<hbm>>
        %dma_start3A_88 = arith.constant 0 : i32
        %dma_start3A_89 = tpu.memref_slice %dma_start3A_87[%add3A_79, %dma_start3A_88] : memref<2500x128xi32, #tpu.memory_space<hbm>> -> memref<1x128xi32, #tpu.memory_space<hbm>>
        %dma_start3A_90 = arith.constant 78 : i32
        %dma_start3A_91 = arith.constant 0 : i32
        %dma_start3A_92 = tpu.memref_slice %arg8[%dma_start3A_90, %dma_start3A_91] : memref<79x128xi32, #tpu.memory_space<vmem>> -> memref<1x128xi32, #tpu.memory_space<vmem>>
        %dma_start3A_93 = arith.constant 0 : i32
        %dma_start3A_94 = arith.constant 0 : i32
        %dma_start3A_95 = tpu.memref_slice %arg3[%cond3A_18, %dma_start3A_93, %dma_start3A_94] : memref<2x2500x128xi32, #tpu.memory_space<hbm>> -> memref<1x2500x128xi32, #tpu.memory_space<hbm>>
        %dma_start3A_96 = tpu.memref_squeeze %dma_start3A_95 : memref<1x2500x128xi32, #tpu.memory_space<hbm>> -> memref<2500x128xi32, #tpu.memory_space<hbm>>
        %dma_start3A_97 = arith.constant 0 : i32
        %dma_start3A_98 = tpu.memref_slice %dma_start3A_96[%add3A_79, %dma_start3A_97] : memref<2500x128xi32, #tpu.memory_space<hbm>> -> memref<1x128xi32, #tpu.memory_space<hbm>>
        tpu.enqueue_dma source(%dma_start3A_98 : memref<1x128xi32, #tpu.memory_space<hbm>>) target(%dma_start3A_92 : memref<1x128xi32, #tpu.memory_space<vmem>>) target_semaphore(%run_scoped3A_80 : memref<!tpu.dma_semaphore, #tpu.memory_space<semaphore_mem>>)
        %dma_wait3A_99 = arith.constant 78 : i32
        %dma_wait3A_100 = arith.constant 0 : i32
        %dma_wait3A_101 = tpu.memref_slice %arg8[%dma_wait3A_99, %dma_wait3A_100] : memref<79x128xi32, #tpu.memory_space<vmem>> -> memref<1x128xi32, #tpu.memory_space<vmem>>
        %dma_wait3A_102 = arith.constant 0 : i32
        %dma_wait3A_103 = arith.constant 0 : i32
        %dma_wait3A_104 = tpu.memref_slice %arg3[%cond3A_18, %dma_wait3A_102, %dma_wait3A_103] : memref<2x2500x128xi32, #tpu.memory_space<hbm>> -> memref<1x2500x128xi32, #tpu.memory_space<hbm>>
        %dma_wait3A_105 = tpu.memref_squeeze %dma_wait3A_104 : memref<1x2500x128xi32, #tpu.memory_space<hbm>> -> memref<2500x128xi32, #tpu.memory_space<hbm>>
        %dma_wait3A_106 = arith.constant 0 : i32
        %dma_wait3A_107 = tpu.memref_slice %dma_wait3A_105[%add3A_79, %dma_wait3A_106] : memref<2500x128xi32, #tpu.memory_space<hbm>> -> memref<1x128xi32, #tpu.memory_space<hbm>>
        %dma_wait3A_108 = arith.constant 78 : i32
        %dma_wait3A_109 = arith.constant 0 : i32
        %dma_wait3A_110 = tpu.memref_slice %arg8[%dma_wait3A_108, %dma_wait3A_109] : memref<79x128xi32, #tpu.memory_space<vmem>> -> memref<1x128xi32, #tpu.memory_space<vmem>>
        %dma_wait3A_111 = arith.constant 0 : i32
        %dma_wait3A_112 = arith.constant 0 : i32
        %dma_wait3A_113 = tpu.memref_slice %arg3[%cond3A_18, %dma_wait3A_111, %dma_wait3A_112] : memref<2x2500x128xi32, #tpu.memory_space<hbm>> -> memref<1x2500x128xi32, #tpu.memory_space<hbm>>
        %dma_wait3A_114 = tpu.memref_squeeze %dma_wait3A_113 : memref<1x2500x128xi32, #tpu.memory_space<hbm>> -> memref<2500x128xi32, #tpu.memory_space<hbm>>
        %dma_wait3A_115 = arith.constant 0 : i32
        %dma_wait3A_116 = tpu.memref_slice %dma_wait3A_114[%add3A_79, %dma_wait3A_115] : memref<2500x128xi32, #tpu.memory_space<hbm>> -> memref<1x128xi32, #tpu.memory_space<hbm>>
        tpu.wait_dma2 semaphore(%run_scoped3A_80 : memref<!tpu.dma_semaphore, #tpu.memory_space<semaphore_mem>>) src(%dma_wait3A_116 : memref<1x128xi32, #tpu.memory_space<hbm>>) dst(%dma_wait3A_110 : memref<1x128xi32, #tpu.memory_space<vmem>>)
        tpu.yield
      }) : () -> ()
    } else {
    }
    %barrier3A = arith.constant 0 : index
    tpu.barrier barrier_id(%barrier3A)
    %dma_start3A = arith.constant 0 : i32
    %dma_start3A_21 = arith.constant 0 : i32
    %dma_start3A_22 = tpu.memref_slice %arg7[%dma_start3A, %dma_start3A_21] : memref<79x128xi32, #tpu.memory_space<vmem>> -> memref<1x128xi32, #tpu.memory_space<vmem>>
    %dma_start3A_23 = tpu.memref_squeeze %dma_start3A_22 : memref<1x128xi32, #tpu.memory_space<vmem>> -> memref<128xi32, #tpu.memory_space<vmem>>
    %dma_start3A_24 = arith.constant 0 : i32
    %dma_start3A_25 = arith.constant 0 : i32
    %dma_start3A_26 = tpu.memref_slice %arg12[%dma_start3A_24, %dma_start3A_25] : memref<10112x64xf32, #tpu.memory_space<vmem_shared>> -> memref<10112x64xf32, #tpu.memory_space<vmem_shared>>
    tpu.enqueue_indirect_dma source(%dma_start3A_26 : memref<10112x64xf32, #tpu.memory_space<vmem_shared>>) target(%arg9 : memref<128x64xf32, #tpu.memory_space<vmem>>) offsets(%dma_start3A_23 : memref<128xi32, #tpu.memory_space<vmem>>) semaphore(%arg14 : memref<!tpu.dma_semaphore, #tpu.memory_space<semaphore_mem>>)
    %dma_start3A_27 = arith.constant 1 : i32
    %dma_start3A_28 = arith.constant 0 : i32
    %dma_start3A_29 = tpu.memref_slice %arg7[%dma_start3A_27, %dma_start3A_28] : memref<79x128xi32, #tpu.memory_space<vmem>> -> memref<1x128xi32, #tpu.memory_space<vmem>>
    %dma_start3A_30 = tpu.memref_squeeze %dma_start3A_29 : memref<1x128xi32, #tpu.memory_space<vmem>> -> memref<128xi32, #tpu.memory_space<vmem>>
    %dma_start3A_31 = arith.constant 0 : i32
    %dma_start3A_32 = arith.constant 0 : i32
    %dma_start3A_33 = tpu.memref_slice %arg12[%dma_start3A_31, %dma_start3A_32] : memref<10112x64xf32, #tpu.memory_space<vmem_shared>> -> memref<10112x64xf32, #tpu.memory_space<vmem_shared>>
    tpu.enqueue_indirect_dma source(%dma_start3A_33 : memref<10112x64xf32, #tpu.memory_space<vmem_shared>>) target(%arg10 : memref<128x64xf32, #tpu.memory_space<vmem>>) offsets(%dma_start3A_30 : memref<128xi32, #tpu.memory_space<vmem>>) semaphore(%arg15 : memref<!tpu.dma_semaphore, #tpu.memory_space<semaphore_mem>>)
    %scan3A = arith.constant 0 : i32
    %scan3A_34 = arith.constant 0 : i32
    %scan3A_35 = arith.constant 26 : i32
    %scan3A_36 = arith.addi %scan3A_34, %scan3A_35 : i32
    %scan3A_37 = arith.constant 1 : i32
    %scan3A_38 = scf.for %scan3A_76 = %scan3A_34 to %scan3A_36 step %scan3A_37 iter_args(%scan3A_77 = %scan3A) -> (i32)  : i32 {
      %mul3A_78 = arith.constant 3 : i32
      %mul3A_79 = arith.muli %mul3A_78, %scan3A_76 : i32
      %add3A_80 = arith.constant 0 : i32
      %add3A_81 = arith.addi %mul3A_79, %add3A_80 : i32
      %dma_wait3A_82 = arith.constant 0 : i32
      %dma_wait3A_83 = arith.constant 0 : i32
      %dma_wait3A_84 = tpu.memref_slice %arg7[%dma_wait3A_82, %dma_wait3A_83] : memref<79x128xi32, #tpu.memory_space<vmem>> -> memref<1x128xi32, #tpu.memory_space<vmem>>
      %dma_wait3A_85 = tpu.memref_squeeze %dma_wait3A_84 : memref<1x128xi32, #tpu.memory_space<vmem>> -> memref<128xi32, #tpu.memory_space<vmem>>
      %dma_wait3A_86 = arith.constant 0 : i32
      %dma_wait3A_87 = arith.constant 0 : i32
      %dma_wait3A_88 = tpu.memref_slice %arg12[%dma_wait3A_86, %dma_wait3A_87] : memref<10112x64xf32, #tpu.memory_space<vmem_shared>> -> memref<10112x64xf32, #tpu.memory_space<vmem_shared>>
      tpu.wait_indirect_dma semaphore(%arg14 : memref<!tpu.dma_semaphore, #tpu.memory_space<semaphore_mem>>) src(%dma_wait3A_88 : memref<10112x64xf32, #tpu.memory_space<vmem_shared>>) dst(%arg9 : memref<128x64xf32, #tpu.memory_space<vmem>>)
      %dma_start3A_89 = arith.constant 0 : i32
      %dma_start3A_90 = tpu.memref_slice %arg8[%add3A_81, %dma_start3A_89] : memref<79x128xi32, #tpu.memory_space<vmem>> -> memref<1x128xi32, #tpu.memory_space<vmem>>
      %dma_start3A_91 = tpu.memref_squeeze %dma_start3A_90 : memref<1x128xi32, #tpu.memory_space<vmem>> -> memref<128xi32, #tpu.memory_space<vmem>>
      %dma_start3A_92 = arith.constant 0 : i32
      %dma_start3A_93 = arith.constant 0 : i32
      %dma_start3A_94 = tpu.memref_slice %arg13[%dma_start3A_92, %dma_start3A_93] : memref<10112x64xf32, #tpu.memory_space<vmem_shared>> -> memref<10112x64xf32, #tpu.memory_space<vmem_shared>>
      tpu.enqueue_indirect_dma source(%arg9 : memref<128x64xf32, #tpu.memory_space<vmem>>) target(%dma_start3A_94 : memref<10112x64xf32, #tpu.memory_space<vmem_shared>>) offsets(%dma_start3A_91 : memref<128xi32, #tpu.memory_space<vmem>>) semaphore(%arg17 : memref<!tpu.dma_semaphore, #tpu.memory_space<semaphore_mem>>) {add = true}
      %add3A_95 = arith.constant 2 : i32
      %add3A_96 = arith.addi %add3A_81, %add3A_95 : i32
      %lt3A_97 = arith.constant 78 : i32
      %lt3A_98 = arith.cmpi slt, %add3A_96, %lt3A_97 : i32
      %convert_element_type3A_99 = arith.extui %lt3A_98 : i1 to i32
      %cond3A_100 = arith.constant 0 : i32
      %cond3A_101 = arith.cmpi ne, %convert_element_type3A_99, %cond3A_100 : i32
      scf.if %cond3A_101 {
        %ge3A = arith.constant 1 : i32
        %ge3A_151 = arith.cmpi sge, %add3A_81, %ge3A : i32
        %convert_element_type3A_152 = arith.extui %ge3A_151 : i1 to i32
        %cond3A_153 = arith.constant 0 : i32
        %cond3A_154 = arith.cmpi ne, %convert_element_type3A_152, %cond3A_153 : i32
        scf.if %cond3A_154 {
          %dma_wait3A_163 = arith.constant 0 : i32
          %dma_wait3A_164 = arith.constant 0 : i32
          %dma_wait3A_165 = tpu.memref_slice %arg8[%dma_wait3A_163, %dma_wait3A_164] : memref<79x128xi32, #tpu.memory_space<vmem>> -> memref<1x128xi32, #tpu.memory_space<vmem>>
          %dma_wait3A_166 = tpu.memref_squeeze %dma_wait3A_165 : memref<1x128xi32, #tpu.memory_space<vmem>> -> memref<128xi32, #tpu.memory_space<vmem>>
          %dma_wait3A_167 = arith.constant 0 : i32
          %dma_wait3A_168 = arith.constant 0 : i32
          %dma_wait3A_169 = tpu.memref_slice %arg13[%dma_wait3A_167, %dma_wait3A_168] : memref<10112x64xf32, #tpu.memory_space<vmem_shared>> -> memref<10112x64xf32, #tpu.memory_space<vmem_shared>>
          tpu.wait_indirect_dma semaphore(%arg19 : memref<!tpu.dma_semaphore, #tpu.memory_space<semaphore_mem>>) src(%arg11 : memref<128x64xf32, #tpu.memory_space<vmem>>) dst(%dma_wait3A_169 : memref<10112x64xf32, #tpu.memory_space<vmem_shared>>)
        } else {
        }
        %add3A_155 = arith.constant 2 : i32
        %add3A_156 = arith.addi %add3A_81, %add3A_155 : i32
        %dma_start3A_157 = arith.constant 0 : i32
        %dma_start3A_158 = tpu.memref_slice %arg7[%add3A_156, %dma_start3A_157] : memref<79x128xi32, #tpu.memory_space<vmem>> -> memref<1x128xi32, #tpu.memory_space<vmem>>
        %dma_start3A_159 = tpu.memref_squeeze %dma_start3A_158 : memref<1x128xi32, #tpu.memory_space<vmem>> -> memref<128xi32, #tpu.memory_space<vmem>>
        %dma_start3A_160 = arith.constant 0 : i32
        %dma_start3A_161 = arith.constant 0 : i32
        %dma_start3A_162 = tpu.memref_slice %arg12[%dma_start3A_160, %dma_start3A_161] : memref<10112x64xf32, #tpu.memory_space<vmem_shared>> -> memref<10112x64xf32, #tpu.memory_space<vmem_shared>>
        tpu.enqueue_indirect_dma source(%dma_start3A_162 : memref<10112x64xf32, #tpu.memory_space<vmem_shared>>) target(%arg11 : memref<128x64xf32, #tpu.memory_space<vmem>>) offsets(%dma_start3A_159 : memref<128xi32, #tpu.memory_space<vmem>>) semaphore(%arg16 : memref<!tpu.dma_semaphore, #tpu.memory_space<semaphore_mem>>)
      } else {
      }
      %mul3A_102 = arith.constant 3 : i32
      %mul3A_103 = arith.muli %mul3A_102, %scan3A_76 : i32
      %add3A_104 = arith.constant 1 : i32
      %add3A_105 = arith.addi %mul3A_103, %add3A_104 : i32
      %dma_wait3A_106 = arith.constant 0 : i32
      %dma_wait3A_107 = arith.constant 0 : i32
      %dma_wait3A_108 = tpu.memref_slice %arg7[%dma_wait3A_106, %dma_wait3A_107] : memref<79x128xi32, #tpu.memory_space<vmem>> -> memref<1x128xi32, #tpu.memory_space<vmem>>
      %dma_wait3A_109 = tpu.memref_squeeze %dma_wait3A_108 : memref<1x128xi32, #tpu.memory_space<vmem>> -> memref<128xi32, #tpu.memory_space<vmem>>
      %dma_wait3A_110 = arith.constant 0 : i32
      %dma_wait3A_111 = arith.constant 0 : i32
      %dma_wait3A_112 = tpu.memref_slice %arg12[%dma_wait3A_110, %dma_wait3A_111] : memref<10112x64xf32, #tpu.memory_space<vmem_shared>> -> memref<10112x64xf32, #tpu.memory_space<vmem_shared>>
      tpu.wait_indirect_dma semaphore(%arg15 : memref<!tpu.dma_semaphore, #tpu.memory_space<semaphore_mem>>) src(%dma_wait3A_112 : memref<10112x64xf32, #tpu.memory_space<vmem_shared>>) dst(%arg10 : memref<128x64xf32, #tpu.memory_space<vmem>>)
      %dma_start3A_113 = arith.constant 0 : i32
      %dma_start3A_114 = tpu.memref_slice %arg8[%add3A_105, %dma_start3A_113] : memref<79x128xi32, #tpu.memory_space<vmem>> -> memref<1x128xi32, #tpu.memory_space<vmem>>
      %dma_start3A_115 = tpu.memref_squeeze %dma_start3A_114 : memref<1x128xi32, #tpu.memory_space<vmem>> -> memref<128xi32, #tpu.memory_space<vmem>>
      %dma_start3A_116 = arith.constant 0 : i32
      %dma_start3A_117 = arith.constant 0 : i32
      %dma_start3A_118 = tpu.memref_slice %arg13[%dma_start3A_116, %dma_start3A_117] : memref<10112x64xf32, #tpu.memory_space<vmem_shared>> -> memref<10112x64xf32, #tpu.memory_space<vmem_shared>>
      tpu.enqueue_indirect_dma source(%arg10 : memref<128x64xf32, #tpu.memory_space<vmem>>) target(%dma_start3A_118 : memref<10112x64xf32, #tpu.memory_space<vmem_shared>>) offsets(%dma_start3A_115 : memref<128xi32, #tpu.memory_space<vmem>>) semaphore(%arg18 : memref<!tpu.dma_semaphore, #tpu.memory_space<semaphore_mem>>) {add = true}
      %add3A_119 = arith.constant 2 : i32
      %add3A_120 = arith.addi %add3A_105, %add3A_119 : i32
      %lt3A_121 = arith.constant 78 : i32
      %lt3A_122 = arith.cmpi slt, %add3A_120, %lt3A_121 : i32
      %convert_element_type3A_123 = arith.extui %lt3A_122 : i1 to i32
      %cond3A_124 = arith.constant 0 : i32
      %cond3A_125 = arith.cmpi ne, %convert_element_type3A_123, %cond3A_124 : i32
      scf.if %cond3A_125 {
        %ge3A = arith.constant 1 : i32
        %ge3A_151 = arith.cmpi sge, %add3A_105, %ge3A : i32
        %convert_element_type3A_152 = arith.extui %ge3A_151 : i1 to i32
        %cond3A_153 = arith.constant 0 : i32
        %cond3A_154 = arith.cmpi ne, %convert_element_type3A_152, %cond3A_153 : i32
        scf.if %cond3A_154 {
          %dma_wait3A_163 = arith.constant 0 : i32
          %dma_wait3A_164 = arith.constant 0 : i32
          %dma_wait3A_165 = tpu.memref_slice %arg8[%dma_wait3A_163, %dma_wait3A_164] : memref<79x128xi32, #tpu.memory_space<vmem>> -> memref<1x128xi32, #tpu.memory_space<vmem>>
          %dma_wait3A_166 = tpu.memref_squeeze %dma_wait3A_165 : memref<1x128xi32, #tpu.memory_space<vmem>> -> memref<128xi32, #tpu.memory_space<vmem>>
          %dma_wait3A_167 = arith.constant 0 : i32
          %dma_wait3A_168 = arith.constant 0 : i32
          %dma_wait3A_169 = tpu.memref_slice %arg13[%dma_wait3A_167, %dma_wait3A_168] : memref<10112x64xf32, #tpu.memory_space<vmem_shared>> -> memref<10112x64xf32, #tpu.memory_space<vmem_shared>>
          tpu.wait_indirect_dma semaphore(%arg17 : memref<!tpu.dma_semaphore, #tpu.memory_space<semaphore_mem>>) src(%arg9 : memref<128x64xf32, #tpu.memory_space<vmem>>) dst(%dma_wait3A_169 : memref<10112x64xf32, #tpu.memory_space<vmem_shared>>)
        } else {
        }
        %add3A_155 = arith.constant 2 : i32
        %add3A_156 = arith.addi %add3A_105, %add3A_155 : i32
        %dma_start3A_157 = arith.constant 0 : i32
        %dma_start3A_158 = tpu.memref_slice %arg7[%add3A_156, %dma_start3A_157] : memref<79x128xi32, #tpu.memory_space<vmem>> -> memref<1x128xi32, #tpu.memory_space<vmem>>
        %dma_start3A_159 = tpu.memref_squeeze %dma_start3A_158 : memref<1x128xi32, #tpu.memory_space<vmem>> -> memref<128xi32, #tpu.memory_space<vmem>>
        %dma_start3A_160 = arith.constant 0 : i32
        %dma_start3A_161 = arith.constant 0 : i32
        %dma_start3A_162 = tpu.memref_slice %arg12[%dma_start3A_160, %dma_start3A_161] : memref<10112x64xf32, #tpu.memory_space<vmem_shared>> -> memref<10112x64xf32, #tpu.memory_space<vmem_shared>>
        tpu.enqueue_indirect_dma source(%dma_start3A_162 : memref<10112x64xf32, #tpu.memory_space<vmem_shared>>) target(%arg9 : memref<128x64xf32, #tpu.memory_space<vmem>>) offsets(%dma_start3A_159 : memref<128xi32, #tpu.memory_space<vmem>>) semaphore(%arg14 : memref<!tpu.dma_semaphore, #tpu.memory_space<semaphore_mem>>)
      } else {
      }
      %mul3A_126 = arith.constant 3 : i32
      %mul3A_127 = arith.muli %mul3A_126, %scan3A_76 : i32
      %add3A_128 = arith.constant 2 : i32
      %add3A_129 = arith.addi %mul3A_127, %add3A_128 : i32
      %dma_wait3A_130 = arith.constant 0 : i32
      %dma_wait3A_131 = arith.constant 0 : i32
      %dma_wait3A_132 = tpu.memref_slice %arg7[%dma_wait3A_130, %dma_wait3A_131] : memref<79x128xi32, #tpu.memory_space<vmem>> -> memref<1x128xi32, #tpu.memory_space<vmem>>
      %dma_wait3A_133 = tpu.memref_squeeze %dma_wait3A_132 : memref<1x128xi32, #tpu.memory_space<vmem>> -> memref<128xi32, #tpu.memory_space<vmem>>
      %dma_wait3A_134 = arith.constant 0 : i32
      %dma_wait3A_135 = arith.constant 0 : i32
      %dma_wait3A_136 = tpu.memref_slice %arg12[%dma_wait3A_134, %dma_wait3A_135] : memref<10112x64xf32, #tpu.memory_space<vmem_shared>> -> memref<10112x64xf32, #tpu.memory_space<vmem_shared>>
      tpu.wait_indirect_dma semaphore(%arg16 : memref<!tpu.dma_semaphore, #tpu.memory_space<semaphore_mem>>) src(%dma_wait3A_136 : memref<10112x64xf32, #tpu.memory_space<vmem_shared>>) dst(%arg11 : memref<128x64xf32, #tpu.memory_space<vmem>>)
      %dma_start3A_137 = arith.constant 0 : i32
      %dma_start3A_138 = tpu.memref_slice %arg8[%add3A_129, %dma_start3A_137] : memref<79x128xi32, #tpu.memory_space<vmem>> -> memref<1x128xi32, #tpu.memory_space<vmem>>
      %dma_start3A_139 = tpu.memref_squeeze %dma_start3A_138 : memref<1x128xi32, #tpu.memory_space<vmem>> -> memref<128xi32, #tpu.memory_space<vmem>>
      %dma_start3A_140 = arith.constant 0 : i32
      %dma_start3A_141 = arith.constant 0 : i32
      %dma_start3A_142 = tpu.memref_slice %arg13[%dma_start3A_140, %dma_start3A_141] : memref<10112x64xf32, #tpu.memory_space<vmem_shared>> -> memref<10112x64xf32, #tpu.memory_space<vmem_shared>>
      tpu.enqueue_indirect_dma source(%arg11 : memref<128x64xf32, #tpu.memory_space<vmem>>) target(%dma_start3A_142 : memref<10112x64xf32, #tpu.memory_space<vmem_shared>>) offsets(%dma_start3A_139 : memref<128xi32, #tpu.memory_space<vmem>>) semaphore(%arg19 : memref<!tpu.dma_semaphore, #tpu.memory_space<semaphore_mem>>) {add = true}
      %add3A_143 = arith.constant 2 : i32
      %add3A_144 = arith.addi %add3A_129, %add3A_143 : i32
      %lt3A_145 = arith.constant 78 : i32
      %lt3A_146 = arith.cmpi slt, %add3A_144, %lt3A_145 : i32
      %convert_element_type3A_147 = arith.extui %lt3A_146 : i1 to i32
      %cond3A_148 = arith.constant 0 : i32
      %cond3A_149 = arith.cmpi ne, %convert_element_type3A_147, %cond3A_148 : i32
      scf.if %cond3A_149 {
        %ge3A = arith.constant 1 : i32
        %ge3A_151 = arith.cmpi sge, %add3A_129, %ge3A : i32
        %convert_element_type3A_152 = arith.extui %ge3A_151 : i1 to i32
        %cond3A_153 = arith.constant 0 : i32
        %cond3A_154 = arith.cmpi ne, %convert_element_type3A_152, %cond3A_153 : i32
        scf.if %cond3A_154 {
          %dma_wait3A_163 = arith.constant 0 : i32
          %dma_wait3A_164 = arith.constant 0 : i32
          %dma_wait3A_165 = tpu.memref_slice %arg8[%dma_wait3A_163, %dma_wait3A_164] : memref<79x128xi32, #tpu.memory_space<vmem>> -> memref<1x128xi32, #tpu.memory_space<vmem>>
          %dma_wait3A_166 = tpu.memref_squeeze %dma_wait3A_165 : memref<1x128xi32, #tpu.memory_space<vmem>> -> memref<128xi32, #tpu.memory_space<vmem>>
          %dma_wait3A_167 = arith.constant 0 : i32
          %dma_wait3A_168 = arith.constant 0 : i32
          %dma_wait3A_169 = tpu.memref_slice %arg13[%dma_wait3A_167, %dma_wait3A_168] : memref<10112x64xf32, #tpu.memory_space<vmem_shared>> -> memref<10112x64xf32, #tpu.memory_space<vmem_shared>>
          tpu.wait_indirect_dma semaphore(%arg18 : memref<!tpu.dma_semaphore, #tpu.memory_space<semaphore_mem>>) src(%arg10 : memref<128x64xf32, #tpu.memory_space<vmem>>) dst(%dma_wait3A_169 : memref<10112x64xf32, #tpu.memory_space<vmem_shared>>)
        } else {
        }
        %add3A_155 = arith.constant 2 : i32
        %add3A_156 = arith.addi %add3A_129, %add3A_155 : i32
        %dma_start3A_157 = arith.constant 0 : i32
        %dma_start3A_158 = tpu.memref_slice %arg7[%add3A_156, %dma_start3A_157] : memref<79x128xi32, #tpu.memory_space<vmem>> -> memref<1x128xi32, #tpu.memory_space<vmem>>
        %dma_start3A_159 = tpu.memref_squeeze %dma_start3A_158 : memref<1x128xi32, #tpu.memory_space<vmem>> -> memref<128xi32, #tpu.memory_space<vmem>>
        %dma_start3A_160 = arith.constant 0 : i32
        %dma_start3A_161 = arith.constant 0 : i32
        %dma_start3A_162 = tpu.memref_slice %arg12[%dma_start3A_160, %dma_start3A_161] : memref<10112x64xf32, #tpu.memory_space<vmem_shared>> -> memref<10112x64xf32, #tpu.memory_space<vmem_shared>>
        tpu.enqueue_indirect_dma source(%dma_start3A_162 : memref<10112x64xf32, #tpu.memory_space<vmem_shared>>) target(%arg10 : memref<128x64xf32, #tpu.memory_space<vmem>>) offsets(%dma_start3A_159 : memref<128xi32, #tpu.memory_space<vmem>>) semaphore(%arg15 : memref<!tpu.dma_semaphore, #tpu.memory_space<semaphore_mem>>)
      } else {
      }
      %scan3A_150 = arith.constant 0 : i32
      scf.yield %scan3A_150 : i32
    }
    %scan3A_39 = arith.constant 26 : i32
    %dma_wait3A = arith.constant 0 : i32
    %dma_wait3A_40 = arith.constant 0 : i32
    %dma_wait3A_41 = tpu.memref_slice %arg8[%dma_wait3A, %dma_wait3A_40] : memref<79x128xi32, #tpu.memory_space<vmem>> -> memref<1x128xi32, #tpu.memory_space<vmem>>
    %dma_wait3A_42 = tpu.memref_squeeze %dma_wait3A_41 : memref<1x128xi32, #tpu.memory_space<vmem>> -> memref<128xi32, #tpu.memory_space<vmem>>
    %dma_wait3A_43 = arith.constant 0 : i32
    %dma_wait3A_44 = arith.constant 0 : i32
    %dma_wait3A_45 = tpu.memref_slice %arg13[%dma_wait3A_43, %dma_wait3A_44] : memref<10112x64xf32, #tpu.memory_space<vmem_shared>> -> memref<10112x64xf32, #tpu.memory_space<vmem_shared>>
    tpu.wait_indirect_dma semaphore(%arg17 : memref<!tpu.dma_semaphore, #tpu.memory_space<semaphore_mem>>) src(%arg9 : memref<128x64xf32, #tpu.memory_space<vmem>>) dst(%dma_wait3A_45 : memref<10112x64xf32, #tpu.memory_space<vmem_shared>>)
    %dma_wait3A_46 = arith.constant 0 : i32
    %dma_wait3A_47 = arith.constant 0 : i32
    %dma_wait3A_48 = tpu.memref_slice %arg8[%dma_wait3A_46, %dma_wait3A_47] : memref<79x128xi32, #tpu.memory_space<vmem>> -> memref<1x128xi32, #tpu.memory_space<vmem>>
    %dma_wait3A_49 = tpu.memref_squeeze %dma_wait3A_48 : memref<1x128xi32, #tpu.memory_space<vmem>> -> memref<128xi32, #tpu.memory_space<vmem>>
    %dma_wait3A_50 = arith.constant 0 : i32
    %dma_wait3A_51 = arith.constant 0 : i32
    %dma_wait3A_52 = tpu.memref_slice %arg13[%dma_wait3A_50, %dma_wait3A_51] : memref<10112x64xf32, #tpu.memory_space<vmem_shared>> -> memref<10112x64xf32, #tpu.memory_space<vmem_shared>>
    tpu.wait_indirect_dma semaphore(%arg18 : memref<!tpu.dma_semaphore, #tpu.memory_space<semaphore_mem>>) src(%arg10 : memref<128x64xf32, #tpu.memory_space<vmem>>) dst(%dma_wait3A_52 : memref<10112x64xf32, #tpu.memory_space<vmem_shared>>)
    %dma_wait3A_53 = arith.constant 0 : i32
    %dma_wait3A_54 = arith.constant 0 : i32
    %dma_wait3A_55 = tpu.memref_slice %arg8[%dma_wait3A_53, %dma_wait3A_54] : memref<79x128xi32, #tpu.memory_space<vmem>> -> memref<1x128xi32, #tpu.memory_space<vmem>>
    %dma_wait3A_56 = tpu.memref_squeeze %dma_wait3A_55 : memref<1x128xi32, #tpu.memory_space<vmem>> -> memref<128xi32, #tpu.memory_space<vmem>>
    %dma_wait3A_57 = arith.constant 0 : i32
    %dma_wait3A_58 = arith.constant 0 : i32
    %dma_wait3A_59 = tpu.memref_slice %arg13[%dma_wait3A_57, %dma_wait3A_58] : memref<10112x64xf32, #tpu.memory_space<vmem_shared>> -> memref<10112x64xf32, #tpu.memory_space<vmem_shared>>
    tpu.wait_indirect_dma semaphore(%arg19 : memref<!tpu.dma_semaphore, #tpu.memory_space<semaphore_mem>>) src(%arg11 : memref<128x64xf32, #tpu.memory_space<vmem>>) dst(%dma_wait3A_59 : memref<10112x64xf32, #tpu.memory_space<vmem_shared>>)
    %lt3A_60 = arith.constant 4 : i32
    %lt3A_61 = arith.cmpi slt, %add3A, %lt3A_60 : i32
    %convert_element_type3A_62 = arith.extui %lt3A_61 : i1 to i32
    %cond3A_63 = arith.constant 0 : i32
    %cond3A_64 = arith.cmpi ne, %convert_element_type3A_62, %cond3A_63 : i32
    scf.if %cond3A_64 {
      %dma_start3A_76 = arith.constant 78 : i32
      %dma_start3A_77 = arith.constant 0 : i32
      %dma_start3A_78 = tpu.memref_slice %arg7[%dma_start3A_76, %dma_start3A_77] : memref<79x128xi32, #tpu.memory_space<vmem>> -> memref<1x128xi32, #tpu.memory_space<vmem>>
      %dma_start3A_79 = tpu.memref_squeeze %dma_start3A_78 : memref<1x128xi32, #tpu.memory_space<vmem>> -> memref<128xi32, #tpu.memory_space<vmem>>
      %dma_start3A_80 = arith.constant 0 : i32
      %dma_start3A_81 = arith.constant 0 : i32
      %dma_start3A_82 = tpu.memref_slice %arg12[%dma_start3A_80, %dma_start3A_81] : memref<10112x64xf32, #tpu.memory_space<vmem_shared>> -> memref<10112x64xf32, #tpu.memory_space<vmem_shared>>
      tpu.enqueue_indirect_dma source(%dma_start3A_82 : memref<10112x64xf32, #tpu.memory_space<vmem_shared>>) target(%arg9 : memref<128x64xf32, #tpu.memory_space<vmem>>) offsets(%dma_start3A_79 : memref<128xi32, #tpu.memory_space<vmem>>) semaphore(%arg14 : memref<!tpu.dma_semaphore, #tpu.memory_space<semaphore_mem>>)
      %dma_wait3A_83 = arith.constant 0 : i32
      %dma_wait3A_84 = arith.constant 0 : i32
      %dma_wait3A_85 = tpu.memref_slice %arg7[%dma_wait3A_83, %dma_wait3A_84] : memref<79x128xi32, #tpu.memory_space<vmem>> -> memref<1x128xi32, #tpu.memory_space<vmem>>
      %dma_wait3A_86 = tpu.memref_squeeze %dma_wait3A_85 : memref<1x128xi32, #tpu.memory_space<vmem>> -> memref<128xi32, #tpu.memory_space<vmem>>
      %dma_wait3A_87 = arith.constant 0 : i32
      %dma_wait3A_88 = arith.constant 0 : i32
      %dma_wait3A_89 = tpu.memref_slice %arg12[%dma_wait3A_87, %dma_wait3A_88] : memref<10112x64xf32, #tpu.memory_space<vmem_shared>> -> memref<10112x64xf32, #tpu.memory_space<vmem_shared>>
      tpu.wait_indirect_dma semaphore(%arg14 : memref<!tpu.dma_semaphore, #tpu.memory_space<semaphore_mem>>) src(%dma_wait3A_89 : memref<10112x64xf32, #tpu.memory_space<vmem_shared>>) dst(%arg9 : memref<128x64xf32, #tpu.memory_space<vmem>>)
      %run_scoped3A_90 = arith.constant 78 : i32
      "tpu.region"() ({
        %run_scoped3A_91 = tpu.sem_alloc : memref<!tpu.dma_semaphore, #tpu.memory_space<semaphore_mem>>
        %dma_start3A_92 = arith.constant 0 : i32
        %dma_start3A_93 = tpu.memref_slice %arg8[%run_scoped3A_90, %dma_start3A_92] : memref<79x128xi32, #tpu.memory_space<vmem>> -> memref<1x128xi32, #tpu.memory_space<vmem>>
        %dma_start3A_94 = tpu.memref_squeeze %dma_start3A_93 : memref<1x128xi32, #tpu.memory_space<vmem>> -> memref<128xi32, #tpu.memory_space<vmem>>
        %dma_start3A_95 = arith.constant 0 : i32
        %dma_start3A_96 = arith.constant 0 : i32
        %dma_start3A_97 = tpu.memref_slice %arg13[%dma_start3A_95, %dma_start3A_96] : memref<10112x64xf32, #tpu.memory_space<vmem_shared>> -> memref<10112x64xf32, #tpu.memory_space<vmem_shared>>
        tpu.enqueue_indirect_dma source(%arg9 : memref<128x64xf32, #tpu.memory_space<vmem>>) target(%dma_start3A_97 : memref<10112x64xf32, #tpu.memory_space<vmem_shared>>) offsets(%dma_start3A_94 : memref<128xi32, #tpu.memory_space<vmem>>) semaphore(%run_scoped3A_91 : memref<!tpu.dma_semaphore, #tpu.memory_space<semaphore_mem>>) {add = true}
        %dma_wait3A_98 = arith.constant 0 : i32
        %dma_wait3A_99 = tpu.memref_slice %arg8[%run_scoped3A_90, %dma_wait3A_98] : memref<79x128xi32, #tpu.memory_space<vmem>> -> memref<1x128xi32, #tpu.memory_space<vmem>>
        %dma_wait3A_100 = tpu.memref_squeeze %dma_wait3A_99 : memref<1x128xi32, #tpu.memory_space<vmem>> -> memref<128xi32, #tpu.memory_space<vmem>>
        %dma_wait3A_101 = arith.constant 0 : i32
        %dma_wait3A_102 = arith.constant 0 : i32
        %dma_wait3A_103 = tpu.memref_slice %arg13[%dma_wait3A_101, %dma_wait3A_102] : memref<10112x64xf32, #tpu.memory_space<vmem_shared>> -> memref<10112x64xf32, #tpu.memory_space<vmem_shared>>
        tpu.wait_indirect_dma semaphore(%run_scoped3A_91 : memref<!tpu.dma_semaphore, #tpu.memory_space<semaphore_mem>>) src(%arg9 : memref<128x64xf32, #tpu.memory_space<vmem>>) dst(%dma_wait3A_103 : memref<10112x64xf32, #tpu.memory_space<vmem_shared>>)
        tpu.yield
      }) : () -> ()
    } else {
    }
    %barrier3A_65 = arith.constant 0 : index
    tpu.barrier barrier_id(%barrier3A_65)
    %eq3A_66 = arith.constant 0 : i32
    %eq3A_67 = arith.cmpi eq, %arg0, %eq3A_66 : i32
    %convert_element_type3A_68 = arith.extui %eq3A_67 : i1 to i32
    %cond3A_69 = arith.constant 0 : i32
    %cond3A_70 = arith.cmpi ne, %convert_element_type3A_68, %cond3A_69 : i32
    scf.if %cond3A_70 {
      %mul3A_76 = arith.constant 632 : i32
      %mul3A_77 = arith.muli %arg1, %mul3A_76 : i32
      %mul3A_78 = arith.constant 632 : i32
      %mul3A_79 = arith.muli %arg1, %mul3A_78 : i32
      "tpu.region"() ({
        %run_scoped3A_80 = tpu.sem_alloc : memref<!tpu.dma_semaphore, #tpu.memory_space<semaphore_mem>>
        %dma_start3A_81 = arith.constant 0 : i32
        %dma_start3A_82 = tpu.memref_slice %arg5[%mul3A_79, %dma_start3A_81] : memref<10112x64xf32, #tpu.memory_space<hbm>> -> memref<632x64xf32, #tpu.memory_space<hbm>>
        %dma_start3A_83 = arith.constant 0 : i32
        %dma_start3A_84 = tpu.memref_slice %arg13[%mul3A_77, %dma_start3A_83] : memref<10112x64xf32, #tpu.memory_space<vmem_shared>> -> memref<632x64xf32, #tpu.memory_space<vmem_shared>>
        tpu.enqueue_dma source(%dma_start3A_84 : memref<632x64xf32, #tpu.memory_space<vmem_shared>>) target(%dma_start3A_82 : memref<632x64xf32, #tpu.memory_space<hbm>>) target_semaphore(%run_scoped3A_80 : memref<!tpu.dma_semaphore, #tpu.memory_space<semaphore_mem>>)
        %dma_wait3A_85 = arith.constant 0 : i32
        %dma_wait3A_86 = tpu.memref_slice %arg5[%mul3A_79, %dma_wait3A_85] : memref<10112x64xf32, #tpu.memory_space<hbm>> -> memref<632x64xf32, #tpu.memory_space<hbm>>
        %dma_wait3A_87 = arith.constant 0 : i32
        %dma_wait3A_88 = tpu.memref_slice %arg13[%mul3A_77, %dma_wait3A_87] : memref<10112x64xf32, #tpu.memory_space<vmem_shared>> -> memref<632x64xf32, #tpu.memory_space<vmem_shared>>
        tpu.wait_dma2 semaphore(%run_scoped3A_80 : memref<!tpu.dma_semaphore, #tpu.memory_space<semaphore_mem>>) src(%dma_wait3A_88 : memref<632x64xf32, #tpu.memory_space<vmem_shared>>) dst(%dma_wait3A_86 : memref<632x64xf32, #tpu.memory_space<hbm>>)
        tpu.yield
      }) : () -> ()
    } else {
    }
    %eq3A_71 = arith.constant 1 : i32
    %eq3A_72 = arith.cmpi eq, %arg0, %eq3A_71 : i32
    %convert_element_type3A_73 = arith.extui %eq3A_72 : i1 to i32
    %cond3A_74 = arith.constant 0 : i32
    %cond3A_75 = arith.cmpi ne, %convert_element_type3A_73, %cond3A_74 : i32
    scf.if %cond3A_75 {
      %mul3A_76 = arith.constant 632 : i32
      %mul3A_77 = arith.muli %arg1, %mul3A_76 : i32
      %mul3A_78 = arith.constant 632 : i32
      %mul3A_79 = arith.muli %arg1, %mul3A_78 : i32
      "tpu.region"() ({
        %run_scoped3A_80 = tpu.sem_alloc : memref<!tpu.dma_semaphore, #tpu.memory_space<semaphore_mem>>
        %dma_start3A_81 = arith.constant 0 : i32
        %dma_start3A_82 = tpu.memref_slice %arg6[%mul3A_79, %dma_start3A_81] : memref<10112x64xf32, #tpu.memory_space<hbm>> -> memref<632x64xf32, #tpu.memory_space<hbm>>
        %dma_start3A_83 = arith.constant 0 : i32
        %dma_start3A_84 = tpu.memref_slice %arg13[%mul3A_77, %dma_start3A_83] : memref<10112x64xf32, #tpu.memory_space<vmem_shared>> -> memref<632x64xf32, #tpu.memory_space<vmem_shared>>
        tpu.enqueue_dma source(%dma_start3A_84 : memref<632x64xf32, #tpu.memory_space<vmem_shared>>) target(%dma_start3A_82 : memref<632x64xf32, #tpu.memory_space<hbm>>) target_semaphore(%run_scoped3A_80 : memref<!tpu.dma_semaphore, #tpu.memory_space<semaphore_mem>>)
        %dma_wait3A_85 = arith.constant 0 : i32
        %dma_wait3A_86 = tpu.memref_slice %arg6[%mul3A_79, %dma_wait3A_85] : memref<10112x64xf32, #tpu.memory_space<hbm>> -> memref<632x64xf32, #tpu.memory_space<hbm>>
        %dma_wait3A_87 = arith.constant 0 : i32
        %dma_wait3A_88 = tpu.memref_slice %arg13[%mul3A_77, %dma_wait3A_87] : memref<10112x64xf32, #tpu.memory_space<vmem_shared>> -> memref<632x64xf32, #tpu.memory_space<vmem_shared>>
        tpu.wait_dma2 semaphore(%run_scoped3A_80 : memref<!tpu.dma_semaphore, #tpu.memory_space<semaphore_mem>>) src(%dma_wait3A_88 : memref<632x64xf32, #tpu.memory_space<vmem_shared>>) dst(%dma_wait3A_86 : memref<632x64xf32, #tpu.memory_space<hbm>>)
        tpu.yield
      }) : () -> ()
    } else {
    }
    return
  }
}

module attributes {stable_mosaic.version = 14 : i64} {
  func.func @_mm_scale_body(%arg0: memref<10000x128xf32, #tpu.memory_space<vmem>>, %arg1: memref<128x64xf32, #tpu.memory_space<vmem>>, %arg2: memref<10112x16xf32, #tpu.memory_space<vmem>>, %arg3: memref<10112x16xf32, #tpu.memory_space<vmem>>, %arg4: memref<10112x64xf32, #tpu.memory_space<vmem>>, %arg5: memref<10000x1xf32, #tpu.memory_space<vmem>>) attributes {dimension_semantics = [], scalar_prefetch = 0 : i64, scratch_operands = 0 : i64, tpu.core_type = #tpu.core_type<tc>} {
    %get3A = arith.constant 0 : index
    %get3A_0 = arith.constant 0 : index
    %get3A_1 = vector.load %arg0[%get3A, %get3A_0] : memref<10000x128xf32, #tpu.memory_space<vmem>>, vector<10000x128xf32>
    %get3A_2 = arith.constant 0 : index
    %get3A_3 = arith.constant 0 : index
    %get3A_4 = vector.load %arg1[%get3A_2, %get3A_3] : memref<128x64xf32, #tpu.memory_space<vmem>>, vector<128x64xf32>
    %dot_general3A = arith.constant dense<0.000000e+00> : vector<10000x64xf32>
    %dot_general3A_5 = tpu.matmul %get3A_1, %get3A_4, %dot_general3A {dimension_numbers = #tpu.dot_dimension_numbers<[1], [0], [0], [1], [0, 0, 1, 1], [], []>, transpose_lhs_hint = false} : vector<10000x128xf32>, vector<128x64xf32>, vector<10000x64xf32> -> vector<10000x64xf32>
    %get3A_6 = arith.constant 0 : index
    %get3A_7 = arith.constant 0 : index
    %get3A_8 = vector.load %arg2[%get3A_6, %get3A_7] : memref<10112x16xf32, #tpu.memory_space<vmem>>, vector<10000x1xf32>
    %get3A_9 = arith.constant 0 : index
    %get3A_10 = arith.constant 0 : index
    %get3A_11 = vector.load %arg3[%get3A_9, %get3A_10] : memref<10112x16xf32, #tpu.memory_space<vmem>>, vector<10000x1xf32>
    %add3A = arith.addf %get3A_8, %get3A_11 : vector<10000x1xf32>
    %add3A_12 = arith.constant 1.000000e+00 : f32
    %add3A_13 = vector.broadcast %add3A_12 : f32 to vector<10000x1xf32>
    %add3A_14 = arith.addf %add3A, %add3A_13 : vector<10000x1xf32>
    %rsqrt3A = math.rsqrt %add3A_14 : vector<10000x1xf32>
    %swap3A = arith.constant 0 : index
    %swap3A_15 = arith.constant 0 : index
    %swap3A_16 = vector.load %arg5[%swap3A, %swap3A_15] : memref<10000x1xf32, #tpu.memory_space<vmem>>, vector<10000x1xf32>
    tpu.vector_store %arg5[%swap3A, %swap3A_15], %rsqrt3A {strides = array<i32>} : memref<10000x1xf32, #tpu.memory_space<vmem>>, vector<10000x1xf32>,
    %mul3A = vector.broadcast %rsqrt3A : vector<10000x1xf32> to vector<10000x64xf32>
    %mul3A_17 = arith.mulf %dot_general3A_5, %mul3A : vector<10000x64xf32>
    %swap3A_18 = arith.constant 0 : index
    %swap3A_19 = arith.constant 0 : index
    %swap3A_20 = vector.load %arg4[%swap3A_18, %swap3A_19] : memref<10112x64xf32, #tpu.memory_space<vmem>>, vector<10000x64xf32>
    tpu.vector_store %arg4[%swap3A_18, %swap3A_19], %mul3A_17 {strides = array<i32>} : memref<10112x64xf32, #tpu.memory_space<vmem>>, vector<10000x64xf32>,
    %broadcast_in_dim3A = arith.constant 0.000000e+00 : f32
    %broadcast_in_dim3A_21 = vector.broadcast %broadcast_in_dim3A : f32 to vector<112x64xf32>
    %swap3A_22 = arith.constant 10000 : index
    %swap3A_23 = arith.constant 0 : index
    %swap3A_24 = vector.load %arg4[%swap3A_22, %swap3A_23] : memref<10112x64xf32, #tpu.memory_space<vmem>>, vector<112x64xf32>
    tpu.vector_store %arg4[%swap3A_22, %swap3A_23], %broadcast_in_dim3A_21 {strides = array<i32>} : memref<10112x64xf32, #tpu.memory_space<vmem>>, vector<112x64xf32>,
    return
  }
}

module attributes {stable_mosaic.version = 14 : i64} {
  func.func @_mid_body(%arg0: memref<10112x64xf32, #tpu.memory_space<vmem>>, %arg1: memref<10112x64xf32, #tpu.memory_space<vmem>>, %arg2: memref<10000x1xf32, #tpu.memory_space<vmem>>, %arg3: memref<1x64xf32, #tpu.memory_space<vmem>>, %arg4: memref<64x64xf32, #tpu.memory_space<vmem>>, %arg5: memref<10112x64xf32, #tpu.memory_space<vmem>>) attributes {dimension_semantics = [], scalar_prefetch = 0 : i64, scratch_operands = 0 : i64, tpu.core_type = #tpu.core_type<tc>} {
    %get3A = arith.constant 0 : index
    %get3A_0 = arith.constant 0 : index
    %get3A_1 = vector.load %arg0[%get3A, %get3A_0] : memref<10112x64xf32, #tpu.memory_space<vmem>>, vector<10000x64xf32>
    %get3A_2 = arith.constant 0 : index
    %get3A_3 = arith.constant 0 : index
    %get3A_4 = vector.load %arg1[%get3A_2, %get3A_3] : memref<10112x64xf32, #tpu.memory_space<vmem>>, vector<10000x64xf32>
    %add3A = arith.addf %get3A_1, %get3A_4 : vector<10000x64xf32>
    %get3A_5 = arith.constant 0 : index
    %get3A_6 = arith.constant 0 : index
    %get3A_7 = vector.load %arg2[%get3A_5, %get3A_6] : memref<10000x1xf32, #tpu.memory_space<vmem>>, vector<10000x1xf32>
    %mul3A = vector.broadcast %get3A_7 : vector<10000x1xf32> to vector<10000x64xf32>
    %mul3A_8 = arith.mulf %add3A, %mul3A : vector<10000x64xf32>
    %get3A_9 = arith.constant 0 : index
    %get3A_10 = arith.constant 0 : index
    %get3A_11 = vector.load %arg3[%get3A_9, %get3A_10] : memref<1x64xf32, #tpu.memory_space<vmem>>, vector<1x64xf32>
    %add3A_12 = vector.broadcast %get3A_11 : vector<1x64xf32> to vector<10000x64xf32>
    %add3A_13 = arith.addf %mul3A_8, %add3A_12 : vector<10000x64xf32>
    %max3A = arith.constant 0.000000e+00 : f32
    %max3A_14 = vector.broadcast %max3A : f32 to vector<10000x64xf32>
    %max3A_15 = arith.maximumf %add3A_13, %max3A_14 : vector<10000x64xf32>
    %get3A_16 = arith.constant 0 : index
    %get3A_17 = arith.constant 0 : index
    %get3A_18 = vector.load %arg4[%get3A_16, %get3A_17] : memref<64x64xf32, #tpu.memory_space<vmem>>, vector<64x64xf32>
    %dot_general3A = arith.constant dense<0.000000e+00> : vector<10000x64xf32>
    %dot_general3A_19 = tpu.matmul %max3A_15, %get3A_18, %dot_general3A {dimension_numbers = #tpu.dot_dimension_numbers<[1], [0], [0], [1], [0, 0, 1, 1], [], []>, transpose_lhs_hint = false} : vector<10000x64xf32>, vector<64x64xf32>, vector<10000x64xf32> -> vector<10000x64xf32>
    %get3A_20 = arith.constant 0 : index
    %get3A_21 = arith.constant 0 : index
    %get3A_22 = vector.load %arg2[%get3A_20, %get3A_21] : memref<10000x1xf32, #tpu.memory_space<vmem>>, vector<10000x1xf32>
    %mul3A_23 = vector.broadcast %get3A_22 : vector<10000x1xf32> to vector<10000x64xf32>
    %mul3A_24 = arith.mulf %dot_general3A_19, %mul3A_23 : vector<10000x64xf32>
    %swap3A = arith.constant 0 : index
    %swap3A_25 = arith.constant 0 : index
    %swap3A_26 = vector.load %arg5[%swap3A, %swap3A_25] : memref<10112x64xf32, #tpu.memory_space<vmem>>, vector<10000x64xf32>
    tpu.vector_store %arg5[%swap3A, %swap3A_25], %mul3A_24 {strides = array<i32>} : memref<10112x64xf32, #tpu.memory_space<vmem>>, vector<10000x64xf32>,
    %broadcast_in_dim3A = arith.constant 0.000000e+00 : f32
    %broadcast_in_dim3A_27 = vector.broadcast %broadcast_in_dim3A : f32 to vector<112x64xf32>
    %swap3A_28 = arith.constant 10000 : index
    %swap3A_29 = arith.constant 0 : index
    %swap3A_30 = vector.load %arg5[%swap3A_28, %swap3A_29] : memref<10112x64xf32, #tpu.memory_space<vmem>>, vector<112x64xf32>
    tpu.vector_store %arg5[%swap3A_28, %swap3A_29], %broadcast_in_dim3A_27 {strides = array<i32>} : memref<10112x64xf32, #tpu.memory_space<vmem>>, vector<112x64xf32>,
    return
  }
}

module attributes {stable_mosaic.version = 14 : i64} {
  func.func @_final_body(%arg0: memref<10112x64xf32, #tpu.memory_space<vmem>>, %arg1: memref<10112x64xf32, #tpu.memory_space<vmem>>, %arg2: memref<10000x1xf32, #tpu.memory_space<vmem>>, %arg3: memref<1x64xf32, #tpu.memory_space<vmem>>, %arg4: memref<10000x1xi32, #tpu.memory_space<vmem>>, %arg5: memref<64x2xf32, #tpu.memory_space<vmem>>, %arg6: memref<1x2xf32, #tpu.memory_space<vmem>>, %arg7: memref<64x2xf32, #tpu.memory_space<vmem>>) attributes {dimension_semantics = [], scalar_prefetch = 0 : i64, scratch_operands = 0 : i64, tpu.core_type = #tpu.core_type<tc>} {
    %get3A = arith.constant 0 : index
    %get3A_0 = arith.constant 0 : index
    %get3A_1 = vector.load %arg0[%get3A, %get3A_0] : memref<10112x64xf32, #tpu.memory_space<vmem>>, vector<10000x64xf32>
    %get3A_2 = arith.constant 0 : index
    %get3A_3 = arith.constant 0 : index
    %get3A_4 = vector.load %arg1[%get3A_2, %get3A_3] : memref<10112x64xf32, #tpu.memory_space<vmem>>, vector<10000x64xf32>
    %add3A = arith.addf %get3A_1, %get3A_4 : vector<10000x64xf32>
    %get3A_5 = arith.constant 0 : index
    %get3A_6 = arith.constant 0 : index
    %get3A_7 = vector.load %arg2[%get3A_5, %get3A_6] : memref<10000x1xf32, #tpu.memory_space<vmem>>, vector<10000x1xf32>
    %mul3A = vector.broadcast %get3A_7 : vector<10000x1xf32> to vector<10000x64xf32>
    %mul3A_8 = arith.mulf %add3A, %mul3A : vector<10000x64xf32>
    %get3A_9 = arith.constant 0 : index
    %get3A_10 = arith.constant 0 : index
    %get3A_11 = vector.load %arg3[%get3A_9, %get3A_10] : memref<1x64xf32, #tpu.memory_space<vmem>>, vector<1x64xf32>
    %add3A_12 = vector.broadcast %get3A_11 : vector<1x64xf32> to vector<10000x64xf32>
    %add3A_13 = arith.addf %mul3A_8, %add3A_12 : vector<10000x64xf32>
    %max3A = arith.constant 0.000000e+00 : f32
    %max3A_14 = vector.broadcast %max3A : f32 to vector<10000x64xf32>
    %max3A_15 = arith.maximumf %add3A_13, %max3A_14 : vector<10000x64xf32>
    %iota3A = tpu.iota {dimensions = array<i32: 1>} : vector<10000x64xi32>
    %get3A_16 = arith.constant 0 : index
    %get3A_17 = arith.constant 0 : index
    %get3A_18 = vector.load %arg4[%get3A_16, %get3A_17] : memref<10000x1xi32, #tpu.memory_space<vmem>>, vector<10000x1xi32>
    %eq3A = vector.broadcast %get3A_18 : vector<10000x1xi32> to vector<10000x64xi32>
    %eq3A_19 = arith.cmpi eq, %eq3A, %iota3A : vector<10000x64xi32>
    %jit3A = arith.constant 1.000000e+00 : f32
    %jit3A_20 = arith.constant 0.000000e+00 : f32
    %broadcast_in_dim3A = vector.broadcast %jit3A : f32 to vector<10000x64xf32>
    %broadcast_in_dim3A_21 = vector.broadcast %jit3A_20 : f32 to vector<10000x64xf32>
    %select_n3A = arith.select %eq3A_19, %broadcast_in_dim3A, %broadcast_in_dim3A_21 : vector<10000x64xi1>, vector<10000x64xf32>
    %dot_general3A = arith.constant dense<0.000000e+00> : vector<64x64xf32>
    %dot_general3A_22 = tpu.matmul %select_n3A, %max3A_15, %dot_general3A {dimension_numbers = #tpu.dot_dimension_numbers<[0], [0], [1], [1], [0, 1, 1, 1], [], []>, transpose_lhs_hint = false} : vector<10000x64xf32>, vector<10000x64xf32>, vector<64x64xf32> -> vector<64x64xf32>
    %broadcast_in_dim3A_23 = arith.constant 1.000000e+00 : f32
    %broadcast_in_dim3A_24 = vector.broadcast %broadcast_in_dim3A_23 : f32 to vector<10000x1xf32>
    %dot_general3A_25 = arith.constant dense<0.000000e+00> : vector<64x1xf32>
    %dot_general3A_26 = tpu.matmul %select_n3A, %broadcast_in_dim3A_24, %dot_general3A_25 {dimension_numbers = #tpu.dot_dimension_numbers<[0], [0], [1], [1], [0, 1, 1, 1], [], []>, transpose_lhs_hint = false} : vector<10000x64xf32>, vector<10000x1xf32>, vector<64x1xf32> -> vector<64x1xf32>
    %max3A_27 = arith.constant 1.000000e+00 : f32
    %max3A_28 = vector.broadcast %max3A_27 : f32 to vector<64x1xf32>
    %max3A_29 = arith.maximumf %dot_general3A_26, %max3A_28 : vector<64x1xf32>
    %div3A = vector.broadcast %max3A_29 : vector<64x1xf32> to vector<64x64xf32>
    %div3A_30 = arith.divf %dot_general3A_22, %div3A : vector<64x64xf32>
    %get3A_31 = arith.constant 0 : index
    %get3A_32 = arith.constant 0 : index
    %get3A_33 = vector.load %arg5[%get3A_31, %get3A_32] : memref<64x2xf32, #tpu.memory_space<vmem>>, vector<64x2xf32>
    %dot_general3A_34 = arith.constant dense<0.000000e+00> : vector<64x2xf32>
    %dot_general3A_35 = tpu.matmul %div3A_30, %get3A_33, %dot_general3A_34 {dimension_numbers = #tpu.dot_dimension_numbers<[1], [0], [0], [1], [0, 0, 1, 1], [], []>, transpose_lhs_hint = false} : vector<64x64xf32>, vector<64x2xf32>, vector<64x2xf32> -> vector<64x2xf32>
    %get3A_36 = arith.constant 0 : index
    %get3A_37 = arith.constant 0 : index
    %get3A_38 = vector.load %arg6[%get3A_36, %get3A_37] : memref<1x2xf32, #tpu.memory_space<vmem>>, vector<1x2xf32>
    %add3A_39 = vector.broadcast %get3A_38 : vector<1x2xf32> to vector<64x2xf32>
    %add3A_40 = arith.addf %dot_general3A_35, %add3A_39 : vector<64x2xf32>
    %reduce_max3A = arith.constant dense<0xFF800000> : vector<64xf32>
    %reduce_max3A_41 = vector.multi_reduction <maximumf>, %add3A_40, %reduce_max3A [1] : vector<64x2xf32> to vector<64xf32>
    %broadcast_in_dim3A_42 = vector.shape_cast %reduce_max3A_41 : vector<64xf32> to vector<64x1xf32>
    %sub3A = vector.broadcast %broadcast_in_dim3A_42 : vector<64x1xf32> to vector<64x2xf32>
    %sub3A_43 = arith.subf %add3A_40, %sub3A : vector<64x2xf32>
    %exp3A = math.exp %sub3A_43 : vector<64x2xf32>
    %reduce_sum3A = arith.constant dense<0.000000e+00> : vector<64xf32>
    %reduce_sum3A_44 = vector.multi_reduction <add>, %exp3A, %reduce_sum3A [1] : vector<64x2xf32> to vector<64xf32>
    %broadcast_in_dim3A_45 = vector.shape_cast %reduce_sum3A_44 : vector<64xf32> to vector<64x1xf32>
    %log3A = math.log %broadcast_in_dim3A_45 : vector<64x1xf32>
    %sub3A_46 = vector.broadcast %log3A : vector<64x1xf32> to vector<64x2xf32>
    %sub3A_47 = arith.subf %sub3A_43, %sub3A_46 : vector<64x2xf32>
    %swap3A = arith.constant 0 : index
    %swap3A_48 = arith.constant 0 : index
    %swap3A_49 = vector.load %arg7[%swap3A, %swap3A_48] : memref<64x2xf32, #tpu.memory_space<vmem>>, vector<64x2xf32>
    tpu.vector_store %arg7[%swap3A, %swap3A_48], %sub3A_47 {strides = array<i32>} : memref<64x2xf32, #tpu.memory_space<vmem>>, vector<64x2xf32>,
    return
  }
}

</mosaic_0001>

<sc_bundles>
// kernel: kernel.11.cloned.1.call-start
scs
__scs_entry_jumppad:
0x0: {  	(pc) =	sbr.rel $0x88, $3  }
0x1: {  	(tag) =	ssettag $0x0;
	lr =	simm.s32 $0x1  }
0x2: {  	[smem:$0x3F98] =	sst lr;
	_ =	strace $0xD0000000  }
0x3: {  	_ = 	snop  }
0x4: {  	_ = 	snop  }
0x5: {  	_ = 	snop  }
0x6: {  	_ = 	snop  }
0x7: {  	_ = 	snop  }
__scs_overlays_trampoline_lowered:
0x8: {  	[smem:$0x3FA7] =	sst s0  }
0x9: {  	[smem:$0x3FA8] =	sst s1  }
0xa: {  	[smem:$0x3FA9] =	sst s2  }
0xb: {  	[smem:$0x3FAA] =	sst s3  }
0xc: {  	[smem:$0x3FAB] =	sst s4  }
0xd: {  	[smem:$0x3FAC] =	sst s5  }
0xe: {  	[smem:$0x3FAD] =	sst s6  }
0xf: {  	[smem:$0x3FAE] =	sst s7  }
0x10: {  	[smem:$0x3FAF] =	sst s8  }
0x11: {  	[smem:$0x3FB0] =	sst s9;
	s0 =	simm.s32 @!p0 $0x0  }
0x12: {  	s1 =	sld [smem:$0x3F96];
	s0 =	simm.s32 @p0 $0x1  }
0x13: {  	[smem:$0x3FB1] =	sst s0;
	s0 =	simm.s32 @!p1 $0x0  }
0x14: {  	s2 =	sld [smem:$0x3F95];
	s0 =	simm.s32 @p1 $0x1  }
0x15: {  	[smem:$0x3FB2] =	sst s0;
	s0 =	simm.s32 @!p2 $0x0  }
0x16: {  	s3 =	sld [smem:$0x3FDB];
	s0 =	simm.s32 @p2 $0x1  }
0x17: {  	s4 =	simm.s32 $0x1BF5;
	[smem:$0x3FB4] =	sst s0  }
0x18: {  	s0 =	sld [smem:$0x3F97];
	_ =	swait.ge [sflag:s4], $0x0  }
0x19: {  	s7 =	sld [smem:$0x3F98]  }
0x1a: {  	s8 =	sadd.s32 $0xFFFFE003, lr  }
0x1b: {  	s9 =	sadd.s32 $0xFFFFFEF7, lr;
	s5 =	simm.s32 $0xFFFFFFFF;
	p2 =	slt.u32 s8, $0xFFFFF086  }
0x1c: {  	p1 =	slt.u32 s9, $0xF7A;
	s5 =	simm.s32 @!p2 $0x0  }
0x1d: {  	s5 =	simm.s32 @p1 $0x1;
	p0 =	seq.s32 s7, s2  }
0x1e: {  	s7 =	smul.u32 @!p0 $0xF7A, s2;
	p2 =	seq.s32 @!p0 s5, $0x0  }
0x1f: {  	s9 =	smul.u32 $0xF7A, s1;
	s8 =	simm.s32 @!p0 $0x1BF5;
	p2 =	por !p2, p0  }
0x20: {  	[sflag:s8] =	ssyncset.s32 @!p0 $0xFFFFF086;
	s6 =	sadd.s32 @!p0 s3, s7;
	s7 =	simm.s32 @!p0 $0x108  }
0x21: {  	s3 =	sadd.s32 s3, s9;
	s6 =	sadd.s32 @!p0 $0x88, s6;
	s7 =	simm.s32 @p2 $0x1082  }
0x22: {  	[simem:s7], [sflag:s8] =	dma.local @!p0 [hbm:s6], $0xF7A  }
0x23: {  	s9 =	sor.u32 $0xD0000000, s2;
	s6 =	simm.s32 $0x108;
	_ =	swait.ge @!p0 [sflag:s8], $0x0  }
0x24: {  	s3 =	sadd.s32 $0x88, s3;
	s6 =	simm.s32 @!p1 $0x1082;
	[sflag:s4] =	ssyncset.s32 $0xFFFFF086  }
0x25: {  	[simem:s6], [sflag:s4] =	dma.local [hbm:s3], $0xF7A  }
0x26: {  	[smem:$0x3F98] =	sst s1;
	(tag) =	ssettag s2;
	_ =	strace s9  }
0x27: {  	s1 =	sld [smem:$0x3FA8]  }
0x28: {  	s2 =	sld [smem:$0x3FA9]  }
0x29: {  	s4 =	sld [smem:$0x3FAB]  }
0x2a: {  	p0 =	seq.s32 s5, $0x0;
	s5 =	sld [smem:$0x3FAC]  }
0x2b: {  	s6 =	sld [smem:$0x3FAD]  }
0x2c: {  	s7 =	sld [smem:$0x3FAE]  }
0x2d: {  	s3 =	simm.s32 $0x108;
	s8 =	sld [smem:$0x3FAF]  }
0x2e: {  	s3 =	simm.s32 @!p0 $0x1082;
	s9 =	sld [smem:$0x3FB0]  }
0x2f: {  	lr =	sadd.s32 s0, s3;
	s0 =	sld [smem:$0x3FA7]  }
0x30: {  	s3 =	sld [smem:$0x3FAA]  }
0x31: {  	[smem:$0x3FB3] =	sst s10  }
0x32: {  	s10 =	sld [smem:$0x3FB1];
	_ =	sdelay $0x3  }
0x33: {  	p0 =	seq.s32 s10, $0x1;
	s10 =	sld [smem:$0x3FB3];
	_ =	sdelay $0x3  }
0x34: {  	[smem:$0x3FB3] =	sst s10  }
0x35: {  	s10 =	sld [smem:$0x3FB2];
	_ =	sdelay $0x3  }
0x36: {  	p1 =	seq.s32 s10, $0x1;
	s10 =	sld [smem:$0x3FB3];
	_ =	sdelay $0x3  }
0x37: {  	[smem:$0x3FB3] =	sst s10  }
0x38: {  	s10 =	sld [smem:$0x3FB4]  }
0x39: {  	_ = 	snop;
	(pc) =	sbr.ind lr, $3  }
0x3a: {  	_ = 	snop  }
0x3b: {  	_ = 	snop  }
0x3c: {  	p2 =	seq.s32 s10, $0x1;
	s10 =	sld [smem:$0x3FB3]  }
0x3d: {  	_ =	shalt  }
0x3e: {  	_ =	shalt  }
0x3f: {  	_ =	shalt  }
0x40: {  	_ =	shalt  }
0x41: {  	_ =	shalt  }
0x42: {  	_ =	shalt  }
0x43: {  	_ =	shalt  }
0x44: {  	_ =	shalt  }
0x45: {  	_ =	shalt  }
0x46: {  	_ =	shalt  }
0x47: {  	_ =	shalt  }
0x48: {  	_ =	shalt  }
0x49: {  	_ =	shalt  }
0x4a: {  	_ =	shalt  }
0x4b: {  	_ =	shalt  }
0x4c: {  	_ =	shalt  }
0x4d: {  	_ =	shalt  }
0x4e: {  	_ =	shalt  }
0x4f: {  	_ =	shalt  }
0x50: {  	_ =	shalt  }
0x51: {  	_ =	shalt  }
0x52: {  	_ =	shalt  }
0x53: {  	_ =	shalt  }
0x54: {  	_ =	shalt  }
0x55: {  	_ =	shalt  }
0x56: {  	_ =	shalt  }
0x57: {  	_ =	shalt  }
0x58: {  	_ =	shalt  }
0x59: {  	_ =	shalt  }
0x5a: {  	_ =	shalt  }
0x5b: {  	_ =	shalt  }
0x5c: {  	_ =	shalt  }
0x5d: {  	_ =	shalt  }
0x5e: {  	_ =	shalt  }
0x5f: {  	_ =	shalt  }
0x60: {  	_ =	shalt  }
0x61: {  	_ =	shalt  }
0x62: {  	_ =	shalt  }
0x63: {  	_ =	shalt  }
0x64: {  	_ =	shalt  }
0x65: {  	_ =	shalt  }
0x66: {  	_ =	shalt  }
0x67: {  	_ =	shalt  }
0x68: {  	_ =	shalt  }
0x69: {  	_ =	shalt  }
0x6a: {  	_ =	shalt  }
0x6b: {  	_ =	shalt  }
0x6c: {  	_ =	shalt  }
0x6d: {  	_ =	shalt  }
0x6e: {  	_ =	shalt  }
0x6f: {  	_ =	shalt  }
0x70: {  	_ =	shalt  }
0x71: {  	_ =	shalt  }
0x72: {  	_ =	shalt  }
0x73: {  	_ =	shalt  }
0x74: {  	_ =	shalt  }
0x75: {  	_ =	shalt  }
0x76: {  	_ =	shalt  }
0x77: {  	_ =	shalt  }
0x78: {  	_ =	shalt  }
0x79: {  	_ =	shalt  }
0x7a: {  	_ =	shalt  }
0x7b: {  	_ =	shalt  }
0x7c: {  	_ =	shalt  }
0x7d: {  	_ =	shalt  }
0x7e: {  	_ =	shalt  }
0x7f: {  	_ =	shalt  }
0x80: {  	_ =	shalt  }
0x81: {  	_ =	shalt  }
0x82: {  	_ =	shalt  }
0x83: {  	_ =	shalt  }
0x84: {  	_ =	shalt  }
0x85: {  	_ =	shalt  }
0x86: {  	_ =	shalt  }
0x87: {  	_ =	shalt  }
.Lfunc_end0:
.L_simem_size_0:
called_computation.1_lowered:
.L_overlay_start_0:
0x88: {  	s2 =	sld [smem:$0x3FD9]  }
0x89: {  	s3 =	sld [smem:$0x3FFE];
	_ =	sdelay $0x1  }
0x8a: {  	s1 =	srdreg.scid  }
0x8b: {  	s0 =	sand.u32 $0x1, s1  }
0x8c: {  	s16 =	sshll.u32 s0, $0xA;
	s2 =	sadd.s32 s3, s2  }
0x8d: {  	s2 =	sadd.s32 s2, s16  }
0x8e: {  	[smem:$0x3FBF] =	sst s2  }
0x8f: {  	_ = 	snop  }
0x90: {  	(tm) =	ssettm $0x1  }
0x91: {  	s17 =	sld [smem:$0x3FFB];
	_ =	sdelay $0x3  }
0x92: {  	_ =	strace s17  }
0x93: {  	s2 =	sld [smem:$0x3FFC];
	_ =	sdelay $0x3  }
0x94: {  	_ =	strace s2  }
0x95: {  	s2 =	sld [smem:$0x3FFD];
	_ =	sdelay $0x3  }
0x96: {  	_ =	strace s2  }
0x97: {  	_ =	strace $0x8FFFFFFF  }
0x98: {  	s18 =	sld [smem:$0x3FDB];
	_ =	sdelay $0x1  }
0x99: {  	s19 =	simm.s32 $_scs_section_size  }
0x9a: {  	s4 =	simm.s32 $_size__tile_overlayer_lowered;
	s5 =	simm.s32 $_tile_overlayer_lowered  }
0x9b: {  	s22 =	simm.s32 $0x1BFF;
	s21 =	sshll.u32 s5, $0x1;
	s2 =	sadd.s32 s19, s18  }
0x9c: {  	s6 =	simm.s32 $0x0;
	s20 =	sshll.u32 s4, $0x1;
	s4 =	sadd.s32 s21, s2  }
0x9d: {  	[timem:s6], [sflag:s22] =	dma.local [hbm:s4], s20  }
0x9e: {  	_ =	swait.ge [sflag:s22], s20  }
0x9f: {  	s3 =	ssub.s32 $0x0, s20;
	[sflag:s22] =	ssyncset.done $0x0  }
0xa0: {  	[sflag:s22] =	ssyncadd.s32 s3;
	_ =	sdelay $0x1  }
0xa1: {  	s23 =	simm.s32 $0x1B8B  }
0xa2: {  	_ =	swait.ge [sflag:s23], $0x1  }
0xa3: {  	[sflag:s23] =	ssyncset.done $0x0  }
0xa4: {  	s25 =	simm.s32 $0x1B8E;
	s24 =	sld [smem:$0x3FFE];
	[sflag:s23] =	ssyncadd.s32 $0xFFFFFFFF  }
0xa5: {  	s26 =	simm.s32 $execute0_lowered;
	[smem:$0x3FD2] =	sst s25  }
0xa6: {  	s4 =	sshll.u32 s26, $0x1;
	_ =	strace $0x80000049;
	[dreg:$0x1] =	wrdreg $0xFFFFFFFF  }
0xa7: {  	s28 =	simm.s32 $_size_execute0_lowered;
	s2 =	sadd.s32 s2, s4;
	[dreg:$0x0] =	wrdreg $0x0  }
0xa8: {  	s4 =	sshll.u32 s28, $0x1;
	[dreg:$0x2] =	wrdreg s2  }
0xa9: {  	[dreg:$0x3] =	wrdreg s4  }
0xaa: {  	[dreg:$0x4] =	wrdreg $0xC0  }
0xab: {  	_ =	task [dreg:s6], $0x5FFFF  }
0xac: {  	[dreg:$0x1] =	wrdreg $0xFFFFFFFF  }
0xad: {  	[dreg:$0x0] =	wrdreg $0x60  }
0xae: {  	[dreg:$0x2] =	wrdreg s24  }
0xaf: {  	[dreg:$0x3] =	wrdreg $0xAF000  }
0xb0: {  	[dreg:$0x4] =	wrdreg $0x14D000  }
0xb1: {  	[dreg:$0x5] =	wrdreg $0x9  }
0xb2: {  	_ =	task.clear_ibuf [dreg:s6], $0x6FFFF;
	_ =	strace $0x90000049  }
0xb3: {  	s29 =	simm.s32 $0x9;
	_ =	strace $0x8000004B  }
0xb4: {  	_ =	swait.ge [sflag:s29], $0x1  }
0xb5: {  	[sflag:s29] =	ssyncadd.s32 $0xFFFFFFFF  }
0xb6: {  	_ =	strace $0x9000004B  }
0xb7: {  	_ =	sfence  }
0xb8: {  	s30 =	sld [smem:$0x0];
	_ =	sdelay $0x2  }
0xb9: {  	s31 =	sshll.u32 s1, $0xD;
	s1 =	sshrl.u32 s1, $0x2  }
0xba: {  	s3 =	sand.u32 $0x4000, s31;
	s1 =	sadd.s32 s1, s30  }
0xbb: {  	s0 =	sor.u32 s3, s0;
	s1 =	sshll.u32 s1, $0x11  }
0xbc: {  	s0 =	sor.u32 s1, s0  }
0xbd: {  	s0 =	sadd.s32 $0x8F2B, s0  }
0xbe: {  	[sflag:s0] =	ssyncadd.remote.s32 $0x1  }
0xbf: {  	_ =	sfence.sel $0xFFFF  }
0xc0: {  	[dreg:$0x0] =	wrdreg $0xFFFFFFFF;
	(pc) =	sbr.abs _section_cstart, $3  }
0xc1: {  	[dreg:$0x1] =	wrdreg $0xFFFFFFFF  }
0xc2: {  	_ =	task.clear_ibuf [dreg:s6], $0x2FFFF;
	_ =	strace $0x9FFFFFFF  }
0xc3: {  	(tm) =	ssettm $0x7FFFFFFF  }
tec
execute0_lowered:
.L_overlay_start_1:
0x0: {  	(tag) =	ssettag $0x1  }
0x1: {  	s0 =	rddreg [dreg:$0x0]  }
0x2: {  	s2 =	rddreg [dreg:$0x1]  }
0x3: {  	s18 =	stileid.u32;
	s3 =	rddreg [dreg:$0x2];
	s4 =	simm.s32 $0x0  }
0x4: {  	s5 =	srdreg.scid;
	s19 =	simm.s32 $0x4F00;
	s20 =	simm.s32 $0x6F00  }
0x5: {  	s21 =	simm.s32 $0x1;
	s23 =	simm.s32 $0x8F00;
	s24 =	simm.s32 $0x2  }
0x6: {  	s29 =	simm.s32 $0x3;
	s31 =	simm.s32 $0x5;
	s22 =	simm.s32 $0x6  }
0x7: {  	s28 =	simm.s32 $0x2980;
	s30 =	simm.s32 $0x0;
	s1 =	smul.u32 $0x9E00, s18  }
0x8: {  	[smem:$0x7FF] =	sst s4;
	s8 =	sand.u32 $0x1, s5;
	s9 =	sadd.s32 $0x3600, s0  }
0x9: {  	s5 =	sadd.s32 $0x2AC00, s0;
	s12 =	sadd.s32 $0x3FC00, s0;
	s13 =	sshll.u32 s18, $0x1  }
0xa: {  	s14 =	sadd.s32 $0x2C000, s0;
	s26 =	sshll.u32 s18, $0x6;
	_ =	strace $0x8000004A  }
0xb: {  	s7 =	ssub.s32 $0x2, s8;
	s13 =	sor.u32 s8, s13;
	p0 =	seq.s32 s8, $0x0  }
0xc: {  	s11 =	sshrl.u32 s1, $0x3;
	s10 =	sshrl.u32 s7, $0x1;
	s15 =	sadd.s32 s1, s2  }
0xd: {  	s16 =	smul.u32 $0x4E0, s13;
	s13 =	sshll.u32 s13, $0x4;
	s1 =	sadd.s32 s1, s3  }
0xe: {  	s14 =	smov.u32 @p0 s12;
	s6 =	sadd.s32 s11, s0;
	s10 =	ssub.s32 s7, s10  }
0xf: {  	s7 =	sor.u32 $0x1C07, s26;
	s17 =	sor.u32 $0x9C00, s13;
	s0 =	sadd.s32 $0xD240, s0  }
0x10: {  	s11 =	sadd.s32 s14, s11;
	s12 =	sshrl.u32 s15, $0x3;
	s13 =	simm.s32 $0x7  }
0x11: {  	s14 =	sshrl.u32 s1, $0x3;
	s26 =	simm.s32 $0x4;
	s6 =	sadd.s32 $0x17000, s6  }
0x12: {  	s8 =	sadd.s32 s9, s16;
	s9 =	sadd.s32 s9, s17;
	s10 =	smax.u32 s10, $0x1  }
0x13: {  	s15 =	sadd.s32 s16, s0;
	s5 =	smov.u32 @p0 s6;
	p0 =	sgt.u32 s18, $0x1  }
0x14: {  	s16 =	simm.s32 $0x2780;
	s18 =	simm.s32 $0x80;
	s17 =	sadd.s32 @!p0 s17, s0  }
.LBB2_1:
0x15: {  	[spmem:s12], [sflag:s7] =	dma.local [hbm:s6], $0x13C0  }
0x16: {  	_ =	swait.ge [sflag:s13], $0x13C0  }
0x17: {  	[sflag:s13] =	ssyncset.done $0x0  }
0x18: {  	[sflag:s13] =	ssyncadd.s32 $0xFFFFEC40  }
0x19: {  	[spmem:s14], [sflag:s7] =	dma.local [hbm:s5], $0x13C0  }
0x1a: {  	_ =	swait.ge [sflag:s13], $0x13C0  }
0x1b: {  	[sflag:s13] =	ssyncset.done $0x0  }
0x1c: {  	[sflag:s13] =	ssyncadd.s32 $0xFFFFEC40  }
0x1d: {  	[tilespmem:s4], [sflag:$0x7] =	stream.linear.gather [hbm4b:s8+s4], $0x2700, $0x38;
	[tilespmem:$0x1EB00] =	vst v63  }
0x1e: {  	_ =	swait.ge [sflag:s13], $0x2700  }
0x1f: {  	[sflag:s13] =	ssyncset.done $0x0  }
0x20: {  	[sflag:s13] =	ssyncadd.s32 $0xFFFFD900  }
0x21: {  	[tilespmem:s16], [sflag:$0x7] =	stream.linear.gather [hbm4b:s15+s4], $0x2700, $0x38;
	[tilespmem:$0x1EB00] =	vst v63  }
0x22: {  	_ =	swait.ge [sflag:s13], $0x2700  }
0x23: {  	[sflag:s13] =	ssyncset.done $0x0  }
0x24: {  	s0 =	simm.s32 @!p0 $0x0;
	s1 =	simm.s32 @!p0 $0x2700;
	[sflag:s13] =	ssyncadd.s32 $0xFFFFD900  }
0x25: {  	[tilespmem:s1], [sflag:$0x7] =	stream.linear.gather @!p0 [hbm4b:s9+s0], $0x80, $0x38;
	[tilespmem:$0x1EB00] =	vst v63  }
0x26: {  	s1 =	simm.s32 @!p0 $0x7  }
0x27: {  	_ =	swait.ge @!p0 [sflag:s1], $0x80  }
0x28: {  	[sflag:s1] =	ssyncset.done @!p0 $0x0  }
0x29: {  	s25 =	simm.s32 @!p0 $0x4E80;
	[sflag:s1] =	ssyncadd.s32 @!p0 $0xFFFFFF80  }
0x2a: {  	[tilespmem:s25], [sflag:$0x7] =	stream.linear.gather @!p0 [hbm4b:s17+s0], $0x80, $0x38;
	[tilespmem:$0x1EB00] =	vst v63  }
0x2b: {  	_ =	swait.ge @!p0 [sflag:s1], $0x80  }
0x2c: {  	[sflag:s1] =	ssyncset.done @!p0 $0x0  }
0x2d: {  	[sflag:s1] =	ssyncadd.s32 @!p0 $0xFFFFFF80  }
0x2e: {  	[bflag:$0x0] =	sbarrier.arrive $0xFFFF  }
0x2f: {  	[tilespmem:s19], [sflag:$0x1] =	stream.indirect.gather [spmem:s2], $0x40, s4, s18, $0xb8;
	[tilespmem:$0x1EB00] =	vst v63  }
0x30: {  	_ = 	snop  }
0x31: {  	[tilespmem:s20], [sflag:$0x2] =	stream.indirect.gather [spmem:s2], $0x40, s18, s18, $0xb8;
	[tilespmem:$0x1EB00] =	vst v63  }
0x32: {  	_ =	swait.ge [sflag:s21], $0x2000  }
0x33: {  	[sflag:s21] =	ssyncset.done $0x0  }
0x34: {  	[sflag:s21] =	ssyncadd.s32 $0xFFFFE000  }
0x35: {  	[spmem:s3] =	stream.indirect.scatter.add.f32 [tilespmem:s19], [sflag:$0x4], $0x40, s16, s18, $0xb8;
	[tilespmem:$0x1EB00] =	vst v63  }
0x36: {  	s1 =	simm.s32 $0x100  }
0x37: {  	[tilespmem:s23], [sflag:$0x3] =	stream.indirect.gather [spmem:s2], $0x40, s1, s18, $0xb8;
	[tilespmem:$0x1EB00] =	vst v63  }
0x38: {  	_ =	swait.ge [sflag:s24], $0x2000  }
0x39: {  	[sflag:s24] =	ssyncset.done $0x0  }
0x3a: {  	s25 =	simm.s32 $0x2800;
	[sflag:s24] =	ssyncadd.s32 $0xFFFFE000  }
0x3b: {  	[spmem:s3] =	stream.indirect.scatter.add.f32 [tilespmem:s20], [sflag:$0x5], $0x40, s25, s18, $0xb8;
	[tilespmem:$0x1EB00] =	vst v63  }
0x3c: {  	_ =	swait.ge [sflag:s26], $0x2000  }
0x3d: {  	[sflag:s26] =	ssyncset.done $0x0  }
0x3e: {  	s1 =	simm.s32 $0x180;
	[sflag:s26] =	ssyncadd.s32 $0xFFFFE000  }
0x3f: {  	[tilespmem:s19], [sflag:$0x1] =	stream.indirect.gather [spmem:s2], $0x40, s1, s18, $0xb8;
	[tilespmem:$0x1EB00] =	vst v63  }
0x40: {  	_ =	swait.ge [sflag:s29], $0x2000  }
0x41: {  	[sflag:s29] =	ssyncset.done $0x0  }
0x42: {  	s25 =	simm.s32 $0x2880;
	[sflag:s29] =	ssyncadd.s32 $0xFFFFE000  }
0x43: {  	[spmem:s3] =	stream.indirect.scatter.add.f32 [tilespmem:s23], [sflag:$0x6], $0x40, s25, s18, $0xb8;
	[tilespmem:$0x1EB00] =	vst v63  }
0x44: {  	_ =	swait.ge [sflag:s31], $0x2000  }
0x45: {  	[sflag:s31] =	ssyncset.done $0x0  }
0x46: {  	s1 =	simm.s32 $0x200;
	[sflag:s31] =	ssyncadd.s32 $0xFFFFE000  }
0x47: {  	[tilespmem:s20], [sflag:$0x2] =	stream.indirect.gather [spmem:s2], $0x40, s1, s18, $0xb8;
	[tilespmem:$0x1EB00] =	vst v63  }
0x48: {  	_ =	swait.ge [sflag:s21], $0x2000  }
0x49: {  	[sflag:s21] =	ssyncset.done $0x0  }
0x4a: {  	s25 =	simm.s32 $0x2900;
	[sflag:s21] =	ssyncadd.s32 $0xFFFFE000  }
0x4b: {  	[spmem:s3] =	stream.indirect.scatter.add.f32 [tilespmem:s19], [sflag:$0x4], $0x40, s25, s18, $0xb8;
	[tilespmem:$0x1EB00] =	vst v63  }
0x4c: {  	_ =	swait.ge [sflag:s22], $0x2000  }
0x4d: {  	[sflag:s22] =	ssyncset.done $0x0  }
0x4e: {  	s1 =	simm.s32 $0x280;
	[sflag:s22] =	ssyncadd.s32 $0xFFFFE000  }
0x4f: {  	[tilespmem:s23], [sflag:$0x3] =	stream.indirect.gather [spmem:s2], $0x40, s1, s18, $0xb8;
	[tilespmem:$0x1EB00] =	vst v63  }
0x50: {  	_ =	swait.ge [sflag:s24], $0x2000  }
0x51: {  	[sflag:s24] =	ssyncset.done $0x0  }
0x52: {  	[sflag:s24] =	ssyncadd.s32 $0xFFFFE000  }
0x53: {  	[spmem:s3] =	stream.indirect.scatter.add.f32 [tilespmem:s20], [sflag:$0x5], $0x40, s28, s18, $0xb8;
	[tilespmem:$0x1EB00] =	vst v63  }
0x54: {  	_ =	swait.ge [sflag:s26], $0x2000  }
0x55: {  	[sflag:s26] =	ssyncset.done $0x0  }
0x56: {  	s25 =	simm.s32 $0x300;
	[sflag:s26] =	ssyncadd.s32 $0xFFFFE000  }
0x57: {  	[tilespmem:s19], [sflag:$0x1] =	stream.indirect.gather [spmem:s2], $0x40, s25, s18, $0xb8;
	[tilespmem:$0x1EB00] =	vst v63  }
0x58: {  	_ =	swait.ge [sflag:s29], $0x2000  }
0x59: {  	[sflag:s29] =	ssyncset.done $0x0  }
0x5a: {  	s1 =	simm.s32 $0x2A00;
	[sflag:s29] =	ssyncadd.s32 $0xFFFFE000  }
0x5b: {  	[spmem:s3] =	stream.indirect.scatter.add.f32 [tilespmem:s23], [sflag:$0x6], $0x40, s1, s18, $0xb8;
	[tilespmem:$0x1EB00] =	vst v63  }
0x5c: {  	_ =	swait.ge [sflag:s31], $0x2000  }
0x5d: {  	[sflag:s31] =	ssyncset.done $0x0  }
0x5e: {  	s25 =	simm.s32 $0x380;
	[sflag:s31] =	ssyncadd.s32 $0xFFFFE000  }
0x5f: {  	[tilespmem:s20], [sflag:$0x2] =	stream.indirect.gather [spmem:s2], $0x40, s25, s18, $0xb8;
	[tilespmem:$0x1EB00] =	vst v63  }
0x60: {  	_ =	swait.ge [sflag:s21], $0x2000  }
0x61: {  	[sflag:s21] =	ssyncset.done $0x0  }
0x62: {  	s1 =	simm.s32 $0x2A80;
	[sflag:s21] =	ssyncadd.s32 $0xFFFFE000  }
0x63: {  	[spmem:s3] =	stream.indirect.scatter.add.f32 [tilespmem:s19], [sflag:$0x4], $0x40, s1, s18, $0xb8;
	[tilespmem:$0x1EB00] =	vst v63  }
0x64: {  	_ =	swait.ge [sflag:s22], $0x2000  }
0x65: {  	[sflag:s22] =	ssyncset.done $0x0  }
0x66: {  	s25 =	simm.s32 $0x400;
	[sflag:s22] =	ssyncadd.s32 $0xFFFFE000  }
0x67: {  	[tilespmem:s23], [sflag:$0x3] =	stream.indirect.gather [spmem:s2], $0x40, s25, s18, $0xb8;
	[tilespmem:$0x1EB00] =	vst v63  }
0x68: {  	_ =	swait.ge [sflag:s24], $0x2000  }
0x69: {  	[sflag:s24] =	ssyncset.done $0x0  }
0x6a: {  	s0 =	simm.s32 $0x2B00;
	s1 =	simm.s32 $0x600;
	[sflag:s24] =	ssyncadd.s32 $0xFFFFE000  }
.LBB2_2:
0x6b: {  	[spmem:s3] =	stream.indirect.scatter.add.f32 [tilespmem:s20], [sflag:$0x5], $0x40, s0, s18, $0xb8;
	[tilespmem:$0x1EB00] =	vst v63  }
0x6c: {  	s0 =	smov.u32 s1;
	s1 =	sadd.s32 $0x600, s1;
	_ =	swait.ge [sflag:s26], $0x2000  }
0x6d: {  	s0 =	sshra.s32 s0, $0x2;
	p1 =	sne.s32 s1, $0x9000;
	[sflag:s26] =	ssyncset.done $0x0  }
0x6e: {  	s25 =	sadd.s32 $0x300, s0;
	[sflag:s26] =	ssyncadd.s32 $0xFFFFE000  }
0x6f: {  	[tilespmem:s19], [sflag:$0x1] =	stream.indirect.gather [spmem:s2], $0x40, s25, s18, $0xb8;
	[tilespmem:$0x1EB00] =	vst v63  }
0x70: {  	_ =	swait.ge [sflag:s29], $0x2000  }
0x71: {  	[sflag:s29] =	ssyncset.done $0x0  }
0x72: {  	s25 =	sadd.s32 $0x2A00, s0;
	[sflag:s29] =	ssyncadd.s32 $0xFFFFE000  }
0x73: {  	[spmem:s3] =	stream.indirect.scatter.add.f32 [tilespmem:s23], [sflag:$0x6], $0x40, s25, s18, $0xb8;
	[tilespmem:$0x1EB00] =	vst v63  }
0x74: {  	_ =	swait.ge [sflag:s31], $0x2000  }
0x75: {  	[sflag:s31] =	ssyncset.done $0x0  }
0x76: {  	s25 =	sadd.s32 $0x380, s0;
	[sflag:s31] =	ssyncadd.s32 $0xFFFFE000  }
0x77: {  	[tilespmem:s20], [sflag:$0x2] =	stream.indirect.gather [spmem:s2], $0x40, s25, s18, $0xb8;
	[tilespmem:$0x1EB00] =	vst v63  }
0x78: {  	_ =	swait.ge [sflag:s21], $0x2000  }
0x79: {  	[sflag:s21] =	ssyncset.done $0x0  }
0x7a: {  	s25 =	sadd.s32 $0x2A80, s0;
	[sflag:s21] =	ssyncadd.s32 $0xFFFFE000  }
0x7b: {  	[spmem:s3] =	stream.indirect.scatter.add.f32 [tilespmem:s19], [sflag:$0x4], $0x40, s25, s18, $0xb8;
	[tilespmem:$0x1EB00] =	vst v63  }
0x7c: {  	_ =	swait.ge [sflag:s22], $0x2000  }
0x7d: {  	[sflag:s22] =	ssyncset.done $0x0  }
.Ltmp0:
0x7e: {  	s25 =	sadd.s32 $0x400, s0;
	[sflag:s22] =	ssyncadd.s32 $0xFFFFE000;
	(pc) =	sbr.rel @p1 .LBB2_2-.Ltmp0, $4  }
0x7f: {  	[tilespmem:s23], [sflag:$0x3] =	stream.indirect.gather [spmem:s2], $0x40, s25, s18, $0xb8;
	[tilespmem:$0x1EB00] =	vst v63  }
0x80: {  	_ =	swait.ge [sflag:s24], $0x2000  }
0x81: {  	[sflag:s24] =	ssyncset.done $0x0  }
0x82: {  	s0 =	sadd.s32 $0x2B00, s0;
	[sflag:s24] =	ssyncadd.s32 $0xFFFFE000  }
0x83: {  	[spmem:s3] =	stream.indirect.scatter.add.f32 [tilespmem:s20], [sflag:$0x5], $0x40, s0, s18, $0xb8;
	[tilespmem:$0x1EB00] =	vst v63  }
0x84: {  	_ =	swait.ge [sflag:s29], $0x2000  }
0x85: {  	s25 =	sshra.s32 s1, $0x2;
	[sflag:s29] =	ssyncset.done $0x0  }
0x86: {  	s0 =	sadd.s32 $0x2A00, s25;
	[sflag:s29] =	ssyncadd.s32 $0xFFFFE000  }
0x87: {  	[spmem:s3] =	stream.indirect.scatter.add.f32 [tilespmem:s23], [sflag:$0x6], $0x40, s0, s18, $0xb8;
	[tilespmem:$0x1EB00] =	vst v63  }
0x88: {  	_ =	swait.ge [sflag:s26], $0x2000  }
0x89: {  	[sflag:s26] =	ssyncset.done $0x0  }
0x8a: {  	[sflag:s26] =	ssyncadd.s32 $0xFFFFE000  }
0x8b: {  	_ =	swait.ge [sflag:s31], $0x2000  }
0x8c: {  	[sflag:s31] =	ssyncset.done $0x0  }
0x8d: {  	[sflag:s31] =	ssyncadd.s32 $0xFFFFE000  }
0x8e: {  	_ =	swait.ge [sflag:s22], $0x2000  }
0x8f: {  	s1 =	simm.s32 @!p0 $0x2700;
	[sflag:s22] =	ssyncset.done $0x0  }
0x90: {  	s25 =	simm.s32 @!p0 $0x4F00;
	s0 =	simm.s32 @!p0 $0x80;
	[sflag:s22] =	ssyncadd.s32 $0xFFFFE000  }
0x91: {  	[tilespmem:s25], [sflag:$0x1] =	stream.indirect.gather @!p0 [spmem:s2], $0x40, s1, s0, $0xb8;
	[tilespmem:$0x1EB00] =	vst v63  }
0x92: {  	s1 =	simm.s32 @!p0 $0x1  }
0x93: {  	_ =	swait.ge @!p0 [sflag:s1], $0x2000  }
0x94: {  	[sflag:s1] =	ssyncset.done @!p0 $0x0  }
0x95: {  	[sflag:s1] =	ssyncadd.s32 @!p0 $0xFFFFE000;
	s1 =	simm.s32 @!p0 $0x4E80  }
0x96: {  	[spmem:s3] =	stream.indirect.scatter.add.f32 @!p0 [tilespmem:s25], [sflag:$0x7], $0x40, s1, s0, $0xb8;
	[tilespmem:$0x1EB00] =	vst v63  }
0x97: {  	s0 =	simm.s32 @!p0 $0x7  }
0x98: {  	_ =	swait.ge @!p0 [sflag:s0], $0x2000  }
0x99: {  	s30 =	sadd.s32 $0x1, s30;
	[sflag:s0] =	ssyncset.done @!p0 $0x0  }
0x9a: {  	p1 =	sne.s32 s30, s10;
	[sflag:s0] =	ssyncadd.s32 @!p0 $0xFFFFE000  }
.Ltmp1:
0x9b: {  	[bflag:$0x0] =	sbarrier.arrive $0xFFFF;
	(pc) =	sbr.rel @p1 .LBB2_1-.Ltmp1, $4  }
0x9c: {  	[hbm:s11], [sflag:s7] =	dma.local [spmem:s14], $0x13C0  }
0x9d: {  	_ =	swait.ge [sflag:s13], $0x13C0  }
0x9e: {  	[sflag:s13] =	ssyncset.done $0x0  }
0x9f: {  	[sflag:s13] =	ssyncadd.s32 $0xFFFFEC40  }
0xa0: {  	_ =	sfence.sel $0x180000  }
0xa1: {  	[bflag:$0x0] =	sbarrier.arrive $0xFFFF  }
0xa2: {  	_ =	strace $0x9000004A  }
0xa3: {  	s0 =	stileid.u32;
	[bflag:$0x2] =	sbarrier.arrive $0xFFFF  }
0xa4: {  	p0 =	sne.s32 s0, $0x0;
	s0 =	rddreg [dreg:$0x3]  }
0xa5: {  	s0 =	sadd.s32 @!p0 $0x100000, s0  }
0xa6: {  	[sflag:s0] =	ssyncadd.tile.s32 @!p0 $0x1;
	_ =	shalt  }
.Lfunc_end2:
_tile_overlayer_lowered:
.L_overlay_start_2:
0xa7: {  	(tag) =	ssettag $0x2  }
0xa8: {  	s0 =	rddreg [dreg:$0x0];
	s2 =	stileid.u32  }
0xa9: {  	s1 =	rddreg [dreg:$0x1];
	p0 =	sne.s32 s2, $0x0  }
0xaa: {  	s3 =	rddreg [dreg:$0x2];
	[bflag:$0x3] =	sbarrier.arrive $0xFFFF;
	s2 =	simm.s32 @!p0 $0x1C07  }
0xab: {  	[timem:s3], [sflag:s2] =	dma.local @!p0 [hbm:s0], s1  }
0xac: {  	s0 =	simm.s32 @!p0 $0x7  }
0xad: {  	_ =	swait.ge @!p0 [sflag:s0], s1  }
0xae: {  	s1 =	ssub.s32 @!p0 $0x0, s1;
	[sflag:s0] =	ssyncset.done @!p0 $0x0  }
0xaf: {  	[sflag:s0] =	ssyncadd.s32 @!p0 s1  }
0xb0: {  	[bflag:$0x3] =	sbarrier.arrive $0xFFFF  }
0xb1: {  	_ =	shalt  }

// kernel: kernel.14.cloned.1.call-start
scs
__scs_entry_jumppad:
0x0: {  	(pc) =	sbr.rel $0x88, $3  }
0x1: {  	(tag) =	ssettag $0x0;
	lr =	simm.s32 $0x1  }
0x2: {  	[smem:$0x3F98] =	sst lr;
	_ =	strace $0xD0000000  }
0x3: {  	_ = 	snop  }
0x4: {  	_ = 	snop  }
0x5: {  	_ = 	snop  }
0x6: {  	_ = 	snop  }
0x7: {  	_ = 	snop  }
__scs_overlays_trampoline_lowered:
0x8: {  	[smem:$0x3FA7] =	sst s0  }
0x9: {  	[smem:$0x3FA8] =	sst s1  }
0xa: {  	[smem:$0x3FA9] =	sst s2  }
0xb: {  	[smem:$0x3FAA] =	sst s3  }
0xc: {  	[smem:$0x3FAB] =	sst s4  }
0xd: {  	[smem:$0x3FAC] =	sst s5  }
0xe: {  	[smem:$0x3FAD] =	sst s6  }
0xf: {  	[smem:$0x3FAE] =	sst s7  }
0x10: {  	[smem:$0x3FAF] =	sst s8  }
0x11: {  	[smem:$0x3FB0] =	sst s9;
	s0 =	simm.s32 @!p0 $0x0  }
0x12: {  	s1 =	sld [smem:$0x3F96];
	s0 =	simm.s32 @p0 $0x1  }
0x13: {  	[smem:$0x3FB1] =	sst s0;
	s0 =	simm.s32 @!p1 $0x0  }
0x14: {  	s2 =	sld [smem:$0x3F95];
	s0 =	simm.s32 @p1 $0x1  }
0x15: {  	[smem:$0x3FB2] =	sst s0;
	s0 =	simm.s32 @!p2 $0x0  }
0x16: {  	s3 =	sld [smem:$0x3FDB];
	s0 =	simm.s32 @p2 $0x1  }
0x17: {  	s4 =	simm.s32 $0x1BF5;
	[smem:$0x3FB4] =	sst s0  }
0x18: {  	s0 =	sld [smem:$0x3F97];
	_ =	swait.ge [sflag:s4], $0x0  }
0x19: {  	s7 =	sld [smem:$0x3F98]  }
0x1a: {  	s8 =	sadd.s32 $0xFFFFE003, lr  }
0x1b: {  	s9 =	sadd.s32 $0xFFFFFEF7, lr;
	s5 =	simm.s32 $0xFFFFFFFF;
	p2 =	slt.u32 s8, $0xFFFFF086  }
0x1c: {  	p1 =	slt.u32 s9, $0xF7A;
	s5 =	simm.s32 @!p2 $0x0  }
0x1d: {  	s5 =	simm.s32 @p1 $0x1;
	p0 =	seq.s32 s7, s2  }
0x1e: {  	s7 =	smul.u32 @!p0 $0xF7A, s2;
	p2 =	seq.s32 @!p0 s5, $0x0  }
0x1f: {  	s9 =	smul.u32 $0xF7A, s1;
	s8 =	simm.s32 @!p0 $0x1BF5;
	p2 =	por !p2, p0  }
0x20: {  	[sflag:s8] =	ssyncset.s32 @!p0 $0xFFFFF086;
	s6 =	sadd.s32 @!p0 s3, s7;
	s7 =	simm.s32 @!p0 $0x108  }
0x21: {  	s3 =	sadd.s32 s3, s9;
	s6 =	sadd.s32 @!p0 $0x88, s6;
	s7 =	simm.s32 @p2 $0x1082  }
0x22: {  	[simem:s7], [sflag:s8] =	dma.local @!p0 [hbm:s6], $0xF7A  }
0x23: {  	s9 =	sor.u32 $0xD0000000, s2;
	s6 =	simm.s32 $0x108;
	_ =	swait.ge @!p0 [sflag:s8], $0x0  }
0x24: {  	s3 =	sadd.s32 $0x88, s3;
	s6 =	simm.s32 @!p1 $0x1082;
	[sflag:s4] =	ssyncset.s32 $0xFFFFF086  }
0x25: {  	[simem:s6], [sflag:s4] =	dma.local [hbm:s3], $0xF7A  }
0x26: {  	[smem:$0x3F98] =	sst s1;
	(tag) =	ssettag s2;
	_ =	strace s9  }
0x27: {  	s1 =	sld [smem:$0x3FA8]  }
0x28: {  	s2 =	sld [smem:$0x3FA9]  }
0x29: {  	s4 =	sld [smem:$0x3FAB]  }
0x2a: {  	p0 =	seq.s32 s5, $0x0;
	s5 =	sld [smem:$0x3FAC]  }
0x2b: {  	s6 =	sld [smem:$0x3FAD]  }
0x2c: {  	s7 =	sld [smem:$0x3FAE]  }
0x2d: {  	s3 =	simm.s32 $0x108;
	s8 =	sld [smem:$0x3FAF]  }
0x2e: {  	s3 =	simm.s32 @!p0 $0x1082;
	s9 =	sld [smem:$0x3FB0]  }
0x2f: {  	lr =	sadd.s32 s0, s3;
	s0 =	sld [smem:$0x3FA7]  }
0x30: {  	s3 =	sld [smem:$0x3FAA]  }
0x31: {  	[smem:$0x3FB3] =	sst s10  }
0x32: {  	s10 =	sld [smem:$0x3FB1];
	_ =	sdelay $0x3  }
0x33: {  	p0 =	seq.s32 s10, $0x1;
	s10 =	sld [smem:$0x3FB3];
	_ =	sdelay $0x3  }
0x34: {  	[smem:$0x3FB3] =	sst s10  }
0x35: {  	s10 =	sld [smem:$0x3FB2];
	_ =	sdelay $0x3  }
0x36: {  	p1 =	seq.s32 s10, $0x1;
	s10 =	sld [smem:$0x3FB3];
	_ =	sdelay $0x3  }
0x37: {  	[smem:$0x3FB3] =	sst s10  }
0x38: {  	s10 =	sld [smem:$0x3FB4]  }
0x39: {  	_ = 	snop;
	(pc) =	sbr.ind lr, $3  }
0x3a: {  	_ = 	snop  }
0x3b: {  	_ = 	snop  }
0x3c: {  	p2 =	seq.s32 s10, $0x1;
	s10 =	sld [smem:$0x3FB3]  }
0x3d: {  	_ =	shalt  }
0x3e: {  	_ =	shalt  }
0x3f: {  	_ =	shalt  }
0x40: {  	_ =	shalt  }
0x41: {  	_ =	shalt  }
0x42: {  	_ =	shalt  }
0x43: {  	_ =	shalt  }
0x44: {  	_ =	shalt  }
0x45: {  	_ =	shalt  }
0x46: {  	_ =	shalt  }
0x47: {  	_ =	shalt  }
0x48: {  	_ =	shalt  }
0x49: {  	_ =	shalt  }
0x4a: {  	_ =	shalt  }
0x4b: {  	_ =	shalt  }
0x4c: {  	_ =	shalt  }
0x4d: {  	_ =	shalt  }
0x4e: {  	_ =	shalt  }
0x4f: {  	_ =	shalt  }
0x50: {  	_ =	shalt  }
0x51: {  	_ =	shalt  }
0x52: {  	_ =	shalt  }
0x53: {  	_ =	shalt  }
0x54: {  	_ =	shalt  }
0x55: {  	_ =	shalt  }
0x56: {  	_ =	shalt  }
0x57: {  	_ =	shalt  }
0x58: {  	_ =	shalt  }
0x59: {  	_ =	shalt  }
0x5a: {  	_ =	shalt  }
0x5b: {  	_ =	shalt  }
0x5c: {  	_ =	shalt  }
0x5d: {  	_ =	shalt  }
0x5e: {  	_ =	shalt  }
0x5f: {  	_ =	shalt  }
0x60: {  	_ =	shalt  }
0x61: {  	_ =	shalt  }
0x62: {  	_ =	shalt  }
0x63: {  	_ =	shalt  }
0x64: {  	_ =	shalt  }
0x65: {  	_ =	shalt  }
0x66: {  	_ =	shalt  }
0x67: {  	_ =	shalt  }
0x68: {  	_ =	shalt  }
0x69: {  	_ =	shalt  }
0x6a: {  	_ =	shalt  }
0x6b: {  	_ =	shalt  }
0x6c: {  	_ =	shalt  }
0x6d: {  	_ =	shalt  }
0x6e: {  	_ =	shalt  }
0x6f: {  	_ =	shalt  }
0x70: {  	_ =	shalt  }
0x71: {  	_ =	shalt  }
0x72: {  	_ =	shalt  }
0x73: {  	_ =	shalt  }
0x74: {  	_ =	shalt  }
0x75: {  	_ =	shalt  }
0x76: {  	_ =	shalt  }
0x77: {  	_ =	shalt  }
0x78: {  	_ =	shalt  }
0x79: {  	_ =	shalt  }
0x7a: {  	_ =	shalt  }
0x7b: {  	_ =	shalt  }
0x7c: {  	_ =	shalt  }
0x7d: {  	_ =	shalt  }
0x7e: {  	_ =	shalt  }
0x7f: {  	_ =	shalt  }
0x80: {  	_ =	shalt  }
0x81: {  	_ =	shalt  }
0x82: {  	_ =	shalt  }
0x83: {  	_ =	shalt  }
0x84: {  	_ =	shalt  }
0x85: {  	_ =	shalt  }
0x86: {  	_ =	shalt  }
0x87: {  	_ =	shalt  }
.Lfunc_end0:
.L_simem_size_0:
called_computation.2_lowered:
.L_overlay_start_0:
0x88: {  	s2 =	sld [smem:$0x3FD9]  }
0x89: {  	s3 =	sld [smem:$0x3FFE];
	_ =	sdelay $0x1  }
0x8a: {  	s1 =	srdreg.scid  }
0x8b: {  	s0 =	sand.u32 $0x1, s1  }
0x8c: {  	s16 =	sshll.u32 s0, $0xA;
	s2 =	sadd.s32 s3, s2  }
0x8d: {  	s2 =	sadd.s32 s2, s16  }
0x8e: {  	[smem:$0x3FBF] =	sst s2  }
0x8f: {  	_ = 	snop  }
0x90: {  	(tm) =	ssettm $0x1  }
0x91: {  	s17 =	sld [smem:$0x3FFB];
	_ =	sdelay $0x3  }
0x92: {  	_ =	strace s17  }
0x93: {  	s2 =	sld [smem:$0x3FFC];
	_ =	sdelay $0x3  }
0x94: {  	_ =	strace s2  }
0x95: {  	s2 =	sld [smem:$0x3FFD];
	_ =	sdelay $0x3  }
0x96: {  	_ =	strace s2  }
0x97: {  	_ =	strace $0x8FFFFFFF  }
0x98: {  	s18 =	sld [smem:$0x3FDB];
	_ =	sdelay $0x1  }
0x99: {  	s19 =	simm.s32 $_scs_section_size  }
0x9a: {  	s4 =	simm.s32 $_size__tile_overlayer_lowered;
	s5 =	simm.s32 $_tile_overlayer_lowered  }
0x9b: {  	s22 =	simm.s32 $0x1BFF;
	s21 =	sshll.u32 s5, $0x1;
	s2 =	sadd.s32 s19, s18  }
0x9c: {  	s6 =	simm.s32 $0x0;
	s20 =	sshll.u32 s4, $0x1;
	s4 =	sadd.s32 s21, s2  }
0x9d: {  	[timem:s6], [sflag:s22] =	dma.local [hbm:s4], s20  }
0x9e: {  	_ =	swait.ge [sflag:s22], s20  }
0x9f: {  	s3 =	ssub.s32 $0x0, s20;
	[sflag:s22] =	ssyncset.done $0x0  }
0xa0: {  	[sflag:s22] =	ssyncadd.s32 s3;
	_ =	sdelay $0x1  }
0xa1: {  	s23 =	simm.s32 $0x1B8B  }
0xa2: {  	_ =	swait.ge [sflag:s23], $0x1  }
0xa3: {  	[sflag:s23] =	ssyncset.done $0x0  }
0xa4: {  	s25 =	simm.s32 $0x1B8E;
	s24 =	sld [smem:$0x3FFE];
	[sflag:s23] =	ssyncadd.s32 $0xFFFFFFFF  }
0xa5: {  	s26 =	simm.s32 $execute0_lowered;
	[smem:$0x3FD2] =	sst s25  }
0xa6: {  	s4 =	sshll.u32 s26, $0x1;
	_ =	strace $0x8000004C;
	[dreg:$0x1] =	wrdreg $0xFFFFFFFF  }
0xa7: {  	s28 =	simm.s32 $_size_execute0_lowered;
	s2 =	sadd.s32 s2, s4;
	[dreg:$0x0] =	wrdreg $0x0  }
0xa8: {  	s4 =	sshll.u32 s28, $0x1;
	[dreg:$0x2] =	wrdreg s2  }
0xa9: {  	[dreg:$0x3] =	wrdreg s4  }
0xaa: {  	[dreg:$0x4] =	wrdreg $0xC0  }
0xab: {  	_ =	task [dreg:s6], $0x5FFFF  }
0xac: {  	[dreg:$0x1] =	wrdreg $0xFFFFFFFF  }
0xad: {  	[dreg:$0x0] =	wrdreg $0x60  }
0xae: {  	[dreg:$0x2] =	wrdreg s24  }
0xaf: {  	[dreg:$0x3] =	wrdreg $0xAF000  }
0xb0: {  	[dreg:$0x4] =	wrdreg $0x14D000  }
0xb1: {  	[dreg:$0x5] =	wrdreg $0x9  }
0xb2: {  	_ =	task.clear_ibuf [dreg:s6], $0x6FFFF;
	_ =	strace $0x9000004C  }
0xb3: {  	s29 =	simm.s32 $0x9;
	_ =	strace $0x8000004E  }
0xb4: {  	_ =	swait.ge [sflag:s29], $0x1  }
0xb5: {  	[sflag:s29] =	ssyncadd.s32 $0xFFFFFFFF  }
0xb6: {  	_ =	strace $0x9000004E  }
0xb7: {  	_ =	sfence  }
0xb8: {  	s30 =	sld [smem:$0x0];
	_ =	sdelay $0x2  }
0xb9: {  	s31 =	sshll.u32 s1, $0xD;
	s1 =	sshrl.u32 s1, $0x2  }
0xba: {  	s3 =	sand.u32 $0x4000, s31;
	s1 =	sadd.s32 s1, s30  }
0xbb: {  	s0 =	sor.u32 s3, s0;
	s1 =	sshll.u32 s1, $0x11  }
0xbc: {  	s0 =	sor.u32 s1, s0  }
0xbd: {  	s0 =	sadd.s32 $0x8F2B, s0  }
0xbe: {  	[sflag:s0] =	ssyncadd.remote.s32 $0x1  }
0xbf: {  	_ =	sfence.sel $0xFFFF  }
0xc0: {  	[dreg:$0x0] =	wrdreg $0xFFFFFFFF;
	(pc) =	sbr.abs _section_cstart, $3  }
0xc1: {  	[dreg:$0x1] =	wrdreg $0xFFFFFFFF  }
0xc2: {  	_ =	task.clear_ibuf [dreg:s6], $0x2FFFF;
	_ =	strace $0x9FFFFFFF  }
0xc3: {  	(tm) =	ssettm $0x7FFFFFFF  }
tec
execute0_lowered:
.L_overlay_start_1:
0x0: {  	(tag) =	ssettag $0x1  }
0x1: {  	s0 =	rddreg [dreg:$0x0]  }
0x2: {  	s2 =	rddreg [dreg:$0x1]  }
0x3: {  	s18 =	stileid.u32;
	s3 =	rddreg [dreg:$0x2];
	s4 =	simm.s32 $0x0  }
0x4: {  	s5 =	srdreg.scid;
	s19 =	simm.s32 $0x4F00;
	s20 =	simm.s32 $0x6F00  }
0x5: {  	s21 =	simm.s32 $0x1;
	s23 =	simm.s32 $0x8F00;
	s24 =	simm.s32 $0x2  }
0x6: {  	s29 =	simm.s32 $0x3;
	s31 =	simm.s32 $0x5;
	s22 =	simm.s32 $0x6  }
0x7: {  	s28 =	simm.s32 $0x2980;
	s30 =	simm.s32 $0x0;
	s1 =	smul.u32 $0x9E00, s18  }
0x8: {  	[smem:$0x7FF] =	sst s4;
	s8 =	sand.u32 $0x1, s5;
	s9 =	sadd.s32 $0x3600, s0  }
0x9: {  	s5 =	sadd.s32 $0x2AC00, s0;
	s12 =	sadd.s32 $0x3FC00, s0;
	s13 =	sshll.u32 s18, $0x1  }
0xa: {  	s14 =	sadd.s32 $0x2C000, s0;
	s26 =	sshll.u32 s18, $0x6;
	_ =	strace $0x8000004D  }
0xb: {  	s7 =	ssub.s32 $0x2, s8;
	s13 =	sor.u32 s8, s13;
	p0 =	seq.s32 s8, $0x0  }
0xc: {  	s11 =	sshrl.u32 s1, $0x3;
	s10 =	sshrl.u32 s7, $0x1;
	s15 =	sadd.s32 s1, s2  }
0xd: {  	s16 =	smul.u32 $0x4E0, s13;
	s13 =	sshll.u32 s13, $0x4;
	s1 =	sadd.s32 s1, s3  }
0xe: {  	s14 =	smov.u32 @p0 s12;
	s6 =	sadd.s32 s11, s0;
	s10 =	ssub.s32 s7, s10  }
0xf: {  	s7 =	sor.u32 $0x1C07, s26;
	s17 =	sor.u32 $0x9C00, s13;
	s0 =	sadd.s32 $0xD240, s0  }
0x10: {  	s11 =	sadd.s32 s14, s11;
	s12 =	sshrl.u32 s15, $0x3;
	s13 =	simm.s32 $0x7  }
0x11: {  	s14 =	sshrl.u32 s1, $0x3;
	s26 =	simm.s32 $0x4;
	s6 =	sadd.s32 $0x17000, s6  }
0x12: {  	s8 =	sadd.s32 s9, s16;
	s9 =	sadd.s32 s9, s17;
	s10 =	smax.u32 s10, $0x1  }
0x13: {  	s15 =	sadd.s32 s16, s0;
	s5 =	smov.u32 @p0 s6;
	p0 =	sgt.u32 s18, $0x1  }
0x14: {  	s16 =	simm.s32 $0x2780;
	s18 =	simm.s32 $0x80;
	s17 =	sadd.s32 @!p0 s17, s0  }
.LBB2_1:
0x15: {  	[spmem:s12], [sflag:s7] =	dma.local [hbm:s6], $0x13C0  }
0x16: {  	_ =	swait.ge [sflag:s13], $0x13C0  }
0x17: {  	[sflag:s13] =	ssyncset.done $0x0  }
0x18: {  	[sflag:s13] =	ssyncadd.s32 $0xFFFFEC40  }
0x19: {  	[spmem:s14], [sflag:s7] =	dma.local [hbm:s5], $0x13C0  }
0x1a: {  	_ =	swait.ge [sflag:s13], $0x13C0  }
0x1b: {  	[sflag:s13] =	ssyncset.done $0x0  }
0x1c: {  	[sflag:s13] =	ssyncadd.s32 $0xFFFFEC40  }
0x1d: {  	[tilespmem:s4], [sflag:$0x7] =	stream.linear.gather [hbm4b:s8+s4], $0x2700, $0x38;
	[tilespmem:$0x1EB00] =	vst v63  }
0x1e: {  	_ =	swait.ge [sflag:s13], $0x2700  }
0x1f: {  	[sflag:s13] =	ssyncset.done $0x0  }
0x20: {  	[sflag:s13] =	ssyncadd.s32 $0xFFFFD900  }
0x21: {  	[tilespmem:s16], [sflag:$0x7] =	stream.linear.gather [hbm4b:s15+s4], $0x2700, $0x38;
	[tilespmem:$0x1EB00] =	vst v63  }
0x22: {  	_ =	swait.ge [sflag:s13], $0x2700  }
0x23: {  	[sflag:s13] =	ssyncset.done $0x0  }
0x24: {  	s0 =	simm.s32 @!p0 $0x0;
	s1 =	simm.s32 @!p0 $0x2700;
	[sflag:s13] =	ssyncadd.s32 $0xFFFFD900  }
0x25: {  	[tilespmem:s1], [sflag:$0x7] =	stream.linear.gather @!p0 [hbm4b:s9+s0], $0x80, $0x38;
	[tilespmem:$0x1EB00] =	vst v63  }
0x26: {  	s1 =	simm.s32 @!p0 $0x7  }
0x27: {  	_ =	swait.ge @!p0 [sflag:s1], $0x80  }
0x28: {  	[sflag:s1] =	ssyncset.done @!p0 $0x0  }
0x29: {  	s25 =	simm.s32 @!p0 $0x4E80;
	[sflag:s1] =	ssyncadd.s32 @!p0 $0xFFFFFF80  }
0x2a: {  	[tilespmem:s25], [sflag:$0x7] =	stream.linear.gather @!p0 [hbm4b:s17+s0], $0x80, $0x38;
	[tilespmem:$0x1EB00] =	vst v63  }
0x2b: {  	_ =	swait.ge @!p0 [sflag:s1], $0x80  }
0x2c: {  	[sflag:s1] =	ssyncset.done @!p0 $0x0  }
0x2d: {  	[sflag:s1] =	ssyncadd.s32 @!p0 $0xFFFFFF80  }
0x2e: {  	[bflag:$0x0] =	sbarrier.arrive $0xFFFF  }
0x2f: {  	[tilespmem:s19], [sflag:$0x1] =	stream.indirect.gather [spmem:s2], $0x40, s4, s18, $0xb8;
	[tilespmem:$0x1EB00] =	vst v63  }
0x30: {  	_ = 	snop  }
0x31: {  	[tilespmem:s20], [sflag:$0x2] =	stream.indirect.gather [spmem:s2], $0x40, s18, s18, $0xb8;
	[tilespmem:$0x1EB00] =	vst v63  }
0x32: {  	_ =	swait.ge [sflag:s21], $0x2000  }
0x33: {  	[sflag:s21] =	ssyncset.done $0x0  }
0x34: {  	[sflag:s21] =	ssyncadd.s32 $0xFFFFE000  }
0x35: {  	[spmem:s3] =	stream.indirect.scatter.add.f32 [tilespmem:s19], [sflag:$0x4], $0x40, s16, s18, $0xb8;
	[tilespmem:$0x1EB00] =	vst v63  }
0x36: {  	s1 =	simm.s32 $0x100  }
0x37: {  	[tilespmem:s23], [sflag:$0x3] =	stream.indirect.gather [spmem:s2], $0x40, s1, s18, $0xb8;
	[tilespmem:$0x1EB00] =	vst v63  }
0x38: {  	_ =	swait.ge [sflag:s24], $0x2000  }
0x39: {  	[sflag:s24] =	ssyncset.done $0x0  }
0x3a: {  	s25 =	simm.s32 $0x2800;
	[sflag:s24] =	ssyncadd.s32 $0xFFFFE000  }
0x3b: {  	[spmem:s3] =	stream.indirect.scatter.add.f32 [tilespmem:s20], [sflag:$0x5], $0x40, s25, s18, $0xb8;
	[tilespmem:$0x1EB00] =	vst v63  }
0x3c: {  	_ =	swait.ge [sflag:s26], $0x2000  }
0x3d: {  	[sflag:s26] =	ssyncset.done $0x0  }
0x3e: {  	s1 =	simm.s32 $0x180;
	[sflag:s26] =	ssyncadd.s32 $0xFFFFE000  }
0x3f: {  	[tilespmem:s19], [sflag:$0x1] =	stream.indirect.gather [spmem:s2], $0x40, s1, s18, $0xb8;
	[tilespmem:$0x1EB00] =	vst v63  }
0x40: {  	_ =	swait.ge [sflag:s29], $0x2000  }
0x41: {  	[sflag:s29] =	ssyncset.done $0x0  }
0x42: {  	s25 =	simm.s32 $0x2880;
	[sflag:s29] =	ssyncadd.s32 $0xFFFFE000  }
0x43: {  	[spmem:s3] =	stream.indirect.scatter.add.f32 [tilespmem:s23], [sflag:$0x6], $0x40, s25, s18, $0xb8;
	[tilespmem:$0x1EB00] =	vst v63  }
0x44: {  	_ =	swait.ge [sflag:s31], $0x2000  }
0x45: {  	[sflag:s31] =	ssyncset.done $0x0  }
0x46: {  	s1 =	simm.s32 $0x200;
	[sflag:s31] =	ssyncadd.s32 $0xFFFFE000  }
0x47: {  	[tilespmem:s20], [sflag:$0x2] =	stream.indirect.gather [spmem:s2], $0x40, s1, s18, $0xb8;
	[tilespmem:$0x1EB00] =	vst v63  }
0x48: {  	_ =	swait.ge [sflag:s21], $0x2000  }
0x49: {  	[sflag:s21] =	ssyncset.done $0x0  }
0x4a: {  	s25 =	simm.s32 $0x2900;
	[sflag:s21] =	ssyncadd.s32 $0xFFFFE000  }
0x4b: {  	[spmem:s3] =	stream.indirect.scatter.add.f32 [tilespmem:s19], [sflag:$0x4], $0x40, s25, s18, $0xb8;
	[tilespmem:$0x1EB00] =	vst v63  }
0x4c: {  	_ =	swait.ge [sflag:s22], $0x2000  }
0x4d: {  	[sflag:s22] =	ssyncset.done $0x0  }
0x4e: {  	s1 =	simm.s32 $0x280;
	[sflag:s22] =	ssyncadd.s32 $0xFFFFE000  }
0x4f: {  	[tilespmem:s23], [sflag:$0x3] =	stream.indirect.gather [spmem:s2], $0x40, s1, s18, $0xb8;
	[tilespmem:$0x1EB00] =	vst v63  }
0x50: {  	_ =	swait.ge [sflag:s24], $0x2000  }
0x51: {  	[sflag:s24] =	ssyncset.done $0x0  }
0x52: {  	[sflag:s24] =	ssyncadd.s32 $0xFFFFE000  }
0x53: {  	[spmem:s3] =	stream.indirect.scatter.add.f32 [tilespmem:s20], [sflag:$0x5], $0x40, s28, s18, $0xb8;
	[tilespmem:$0x1EB00] =	vst v63  }
0x54: {  	_ =	swait.ge [sflag:s26], $0x2000  }
0x55: {  	[sflag:s26] =	ssyncset.done $0x0  }
0x56: {  	s25 =	simm.s32 $0x300;
	[sflag:s26] =	ssyncadd.s32 $0xFFFFE000  }
0x57: {  	[tilespmem:s19], [sflag:$0x1] =	stream.indirect.gather [spmem:s2], $0x40, s25, s18, $0xb8;
	[tilespmem:$0x1EB00] =	vst v63  }
0x58: {  	_ =	swait.ge [sflag:s29], $0x2000  }
0x59: {  	[sflag:s29] =	ssyncset.done $0x0  }
0x5a: {  	s1 =	simm.s32 $0x2A00;
	[sflag:s29] =	ssyncadd.s32 $0xFFFFE000  }
0x5b: {  	[spmem:s3] =	stream.indirect.scatter.add.f32 [tilespmem:s23], [sflag:$0x6], $0x40, s1, s18, $0xb8;
	[tilespmem:$0x1EB00] =	vst v63  }
0x5c: {  	_ =	swait.ge [sflag:s31], $0x2000  }
0x5d: {  	[sflag:s31] =	ssyncset.done $0x0  }
0x5e: {  	s25 =	simm.s32 $0x380;
	[sflag:s31] =	ssyncadd.s32 $0xFFFFE000  }
0x5f: {  	[tilespmem:s20], [sflag:$0x2] =	stream.indirect.gather [spmem:s2], $0x40, s25, s18, $0xb8;
	[tilespmem:$0x1EB00] =	vst v63  }
0x60: {  	_ =	swait.ge [sflag:s21], $0x2000  }
0x61: {  	[sflag:s21] =	ssyncset.done $0x0  }
0x62: {  	s1 =	simm.s32 $0x2A80;
	[sflag:s21] =	ssyncadd.s32 $0xFFFFE000  }
0x63: {  	[spmem:s3] =	stream.indirect.scatter.add.f32 [tilespmem:s19], [sflag:$0x4], $0x40, s1, s18, $0xb8;
	[tilespmem:$0x1EB00] =	vst v63  }
0x64: {  	_ =	swait.ge [sflag:s22], $0x2000  }
0x65: {  	[sflag:s22] =	ssyncset.done $0x0  }
0x66: {  	s25 =	simm.s32 $0x400;
	[sflag:s22] =	ssyncadd.s32 $0xFFFFE000  }
0x67: {  	[tilespmem:s23], [sflag:$0x3] =	stream.indirect.gather [spmem:s2], $0x40, s25, s18, $0xb8;
	[tilespmem:$0x1EB00] =	vst v63  }
0x68: {  	_ =	swait.ge [sflag:s24], $0x2000  }
0x69: {  	[sflag:s24] =	ssyncset.done $0x0  }
0x6a: {  	s0 =	simm.s32 $0x2B00;
	s1 =	simm.s32 $0x600;
	[sflag:s24] =	ssyncadd.s32 $0xFFFFE000  }
.LBB2_2:
0x6b: {  	[spmem:s3] =	stream.indirect.scatter.add.f32 [tilespmem:s20], [sflag:$0x5], $0x40, s0, s18, $0xb8;
	[tilespmem:$0x1EB00] =	vst v63  }
0x6c: {  	s0 =	smov.u32 s1;
	s1 =	sadd.s32 $0x600, s1;
	_ =	swait.ge [sflag:s26], $0x2000  }
0x6d: {  	s0 =	sshra.s32 s0, $0x2;
	p1 =	sne.s32 s1, $0x9000;
	[sflag:s26] =	ssyncset.done $0x0  }
0x6e: {  	s25 =	sadd.s32 $0x300, s0;
	[sflag:s26] =	ssyncadd.s32 $0xFFFFE000  }
0x6f: {  	[tilespmem:s19], [sflag:$0x1] =	stream.indirect.gather [spmem:s2], $0x40, s25, s18, $0xb8;
	[tilespmem:$0x1EB00] =	vst v63  }
0x70: {  	_ =	swait.ge [sflag:s29], $0x2000  }
0x71: {  	[sflag:s29] =	ssyncset.done $0x0  }
0x72: {  	s25 =	sadd.s32 $0x2A00, s0;
	[sflag:s29] =	ssyncadd.s32 $0xFFFFE000  }
0x73: {  	[spmem:s3] =	stream.indirect.scatter.add.f32 [tilespmem:s23], [sflag:$0x6], $0x40, s25, s18, $0xb8;
	[tilespmem:$0x1EB00] =	vst v63  }
0x74: {  	_ =	swait.ge [sflag:s31], $0x2000  }
0x75: {  	[sflag:s31] =	ssyncset.done $0x0  }
0x76: {  	s25 =	sadd.s32 $0x380, s0;
	[sflag:s31] =	ssyncadd.s32 $0xFFFFE000  }
0x77: {  	[tilespmem:s20], [sflag:$0x2] =	stream.indirect.gather [spmem:s2], $0x40, s25, s18, $0xb8;
	[tilespmem:$0x1EB00] =	vst v63  }
0x78: {  	_ =	swait.ge [sflag:s21], $0x2000  }
0x79: {  	[sflag:s21] =	ssyncset.done $0x0  }
0x7a: {  	s25 =	sadd.s32 $0x2A80, s0;
	[sflag:s21] =	ssyncadd.s32 $0xFFFFE000  }
0x7b: {  	[spmem:s3] =	stream.indirect.scatter.add.f32 [tilespmem:s19], [sflag:$0x4], $0x40, s25, s18, $0xb8;
	[tilespmem:$0x1EB00] =	vst v63  }
0x7c: {  	_ =	swait.ge [sflag:s22], $0x2000  }
0x7d: {  	[sflag:s22] =	ssyncset.done $0x0  }
.Ltmp0:
0x7e: {  	s25 =	sadd.s32 $0x400, s0;
	[sflag:s22] =	ssyncadd.s32 $0xFFFFE000;
	(pc) =	sbr.rel @p1 .LBB2_2-.Ltmp0, $4  }
0x7f: {  	[tilespmem:s23], [sflag:$0x3] =	stream.indirect.gather [spmem:s2], $0x40, s25, s18, $0xb8;
	[tilespmem:$0x1EB00] =	vst v63  }
0x80: {  	_ =	swait.ge [sflag:s24], $0x2000  }
0x81: {  	[sflag:s24] =	ssyncset.done $0x0  }
0x82: {  	s0 =	sadd.s32 $0x2B00, s0;
	[sflag:s24] =	ssyncadd.s32 $0xFFFFE000  }
0x83: {  	[spmem:s3] =	stream.indirect.scatter.add.f32 [tilespmem:s20], [sflag:$0x5], $0x40, s0, s18, $0xb8;
	[tilespmem:$0x1EB00] =	vst v63  }
0x84: {  	_ =	swait.ge [sflag:s29], $0x2000  }
0x85: {  	s25 =	sshra.s32 s1, $0x2;
	[sflag:s29] =	ssyncset.done $0x0  }
0x86: {  	s0 =	sadd.s32 $0x2A00, s25;
	[sflag:s29] =	ssyncadd.s32 $0xFFFFE000  }
0x87: {  	[spmem:s3] =	stream.indirect.scatter.add.f32 [tilespmem:s23], [sflag:$0x6], $0x40, s0, s18, $0xb8;
	[tilespmem:$0x1EB00] =	vst v63  }
0x88: {  	_ =	swait.ge [sflag:s26], $0x2000  }
0x89: {  	[sflag:s26] =	ssyncset.done $0x0  }
0x8a: {  	[sflag:s26] =	ssyncadd.s32 $0xFFFFE000  }
0x8b: {  	_ =	swait.ge [sflag:s31], $0x2000  }
0x8c: {  	[sflag:s31] =	ssyncset.done $0x0  }
0x8d: {  	[sflag:s31] =	ssyncadd.s32 $0xFFFFE000  }
0x8e: {  	_ =	swait.ge [sflag:s22], $0x2000  }
0x8f: {  	s1 =	simm.s32 @!p0 $0x2700;
	[sflag:s22] =	ssyncset.done $0x0  }
0x90: {  	s25 =	simm.s32 @!p0 $0x4F00;
	s0 =	simm.s32 @!p0 $0x80;
	[sflag:s22] =	ssyncadd.s32 $0xFFFFE000  }
0x91: {  	[tilespmem:s25], [sflag:$0x1] =	stream.indirect.gather @!p0 [spmem:s2], $0x40, s1, s0, $0xb8;
	[tilespmem:$0x1EB00] =	vst v63  }
0x92: {  	s1 =	simm.s32 @!p0 $0x1  }
0x93: {  	_ =	swait.ge @!p0 [sflag:s1], $0x2000  }
0x94: {  	[sflag:s1] =	ssyncset.done @!p0 $0x0  }
0x95: {  	[sflag:s1] =	ssyncadd.s32 @!p0 $0xFFFFE000;
	s1 =	simm.s32 @!p0 $0x4E80  }
0x96: {  	[spmem:s3] =	stream.indirect.scatter.add.f32 @!p0 [tilespmem:s25], [sflag:$0x7], $0x40, s1, s0, $0xb8;
	[tilespmem:$0x1EB00] =	vst v63  }
0x97: {  	s0 =	simm.s32 @!p0 $0x7  }
0x98: {  	_ =	swait.ge @!p0 [sflag:s0], $0x2000  }
0x99: {  	s30 =	sadd.s32 $0x1, s30;
	[sflag:s0] =	ssyncset.done @!p0 $0x0  }
0x9a: {  	p1 =	sne.s32 s30, s10;
	[sflag:s0] =	ssyncadd.s32 @!p0 $0xFFFFE000  }
.Ltmp1:
0x9b: {  	[bflag:$0x0] =	sbarrier.arrive $0xFFFF;
	(pc) =	sbr.rel @p1 .LBB2_1-.Ltmp1, $4  }
0x9c: {  	[hbm:s11], [sflag:s7] =	dma.local [spmem:s14], $0x13C0  }
0x9d: {  	_ =	swait.ge [sflag:s13], $0x13C0  }
0x9e: {  	[sflag:s13] =	ssyncset.done $0x0  }
0x9f: {  	[sflag:s13] =	ssyncadd.s32 $0xFFFFEC40  }
0xa0: {  	_ =	sfence.sel $0x180000  }
0xa1: {  	[bflag:$0x0] =	sbarrier.arrive $0xFFFF  }
0xa2: {  	_ =	strace $0x9000004D  }
0xa3: {  	s0 =	stileid.u32;
	[bflag:$0x2] =	sbarrier.arrive $0xFFFF  }
0xa4: {  	p0 =	sne.s32 s0, $0x0;
	s0 =	rddreg [dreg:$0x3]  }
0xa5: {  	s0 =	sadd.s32 @!p0 $0x100000, s0  }
0xa6: {  	[sflag:s0] =	ssyncadd.tile.s32 @!p0 $0x1;
	_ =	shalt  }
.Lfunc_end2:
_tile_overlayer_lowered:
.L_overlay_start_2:
0xa7: {  	(tag) =	ssettag $0x2  }
0xa8: {  	s0 =	rddreg [dreg:$0x0];
	s2 =	stileid.u32  }
0xa9: {  	s1 =	rddreg [dreg:$0x1];
	p0 =	sne.s32 s2, $0x0  }
0xaa: {  	s3 =	rddreg [dreg:$0x2];
	[bflag:$0x3] =	sbarrier.arrive $0xFFFF;
	s2 =	simm.s32 @!p0 $0x1C07  }
0xab: {  	[timem:s3], [sflag:s2] =	dma.local @!p0 [hbm:s0], s1  }
0xac: {  	s0 =	simm.s32 @!p0 $0x7  }
0xad: {  	_ =	swait.ge @!p0 [sflag:s0], s1  }
0xae: {  	s1 =	ssub.s32 @!p0 $0x0, s1;
	[sflag:s0] =	ssyncset.done @!p0 $0x0  }
0xaf: {  	[sflag:s0] =	ssyncadd.s32 @!p0 s1  }
0xb0: {  	[bflag:$0x3] =	sbarrier.arrive $0xFFFF  }
0xb1: {  	_ =	shalt  }

// kernel: kernel.8.cloned.1.call-start
scs
__scs_entry_jumppad:
0x0: {  	(pc) =	sbr.rel $0x88, $3  }
0x1: {  	(tag) =	ssettag $0x0;
	lr =	simm.s32 $0x1  }
0x2: {  	[smem:$0x3F98] =	sst lr;
	_ =	strace $0xD0000000  }
0x3: {  	_ = 	snop  }
0x4: {  	_ = 	snop  }
0x5: {  	_ = 	snop  }
0x6: {  	_ = 	snop  }
0x7: {  	_ = 	snop  }
__scs_overlays_trampoline_lowered:
0x8: {  	[smem:$0x3FA7] =	sst s0  }
0x9: {  	[smem:$0x3FA8] =	sst s1  }
0xa: {  	[smem:$0x3FA9] =	sst s2  }
0xb: {  	[smem:$0x3FAA] =	sst s3  }
0xc: {  	[smem:$0x3FAB] =	sst s4  }
0xd: {  	[smem:$0x3FAC] =	sst s5  }
0xe: {  	[smem:$0x3FAD] =	sst s6  }
0xf: {  	[smem:$0x3FAE] =	sst s7  }
0x10: {  	[smem:$0x3FAF] =	sst s8  }
0x11: {  	[smem:$0x3FB0] =	sst s9;
	s0 =	simm.s32 @!p0 $0x0  }
0x12: {  	s1 =	sld [smem:$0x3F96];
	s0 =	simm.s32 @p0 $0x1  }
0x13: {  	[smem:$0x3FB1] =	sst s0;
	s0 =	simm.s32 @!p1 $0x0  }
0x14: {  	s2 =	sld [smem:$0x3F95];
	s0 =	simm.s32 @p1 $0x1  }
0x15: {  	[smem:$0x3FB2] =	sst s0;
	s0 =	simm.s32 @!p2 $0x0  }
0x16: {  	s3 =	sld [smem:$0x3FDB];
	s0 =	simm.s32 @p2 $0x1  }
0x17: {  	s4 =	simm.s32 $0x1BF5;
	[smem:$0x3FB4] =	sst s0  }
0x18: {  	s0 =	sld [smem:$0x3F97];
	_ =	swait.ge [sflag:s4], $0x0  }
0x19: {  	s7 =	sld [smem:$0x3F98]  }
0x1a: {  	s8 =	sadd.s32 $0xFFFFE003, lr  }
0x1b: {  	s9 =	sadd.s32 $0xFFFFFEF7, lr;
	s5 =	simm.s32 $0xFFFFFFFF;
	p2 =	slt.u32 s8, $0xFFFFF086  }
0x1c: {  	p1 =	slt.u32 s9, $0xF7A;
	s5 =	simm.s32 @!p2 $0x0  }
0x1d: {  	s5 =	simm.s32 @p1 $0x1;
	p0 =	seq.s32 s7, s2  }
0x1e: {  	s7 =	smul.u32 @!p0 $0xF7A, s2;
	p2 =	seq.s32 @!p0 s5, $0x0  }
0x1f: {  	s9 =	smul.u32 $0xF7A, s1;
	s8 =	simm.s32 @!p0 $0x1BF5;
	p2 =	por !p2, p0  }
0x20: {  	[sflag:s8] =	ssyncset.s32 @!p0 $0xFFFFF086;
	s6 =	sadd.s32 @!p0 s3, s7;
	s7 =	simm.s32 @!p0 $0x108  }
0x21: {  	s3 =	sadd.s32 s3, s9;
	s6 =	sadd.s32 @!p0 $0x88, s6;
	s7 =	simm.s32 @p2 $0x1082  }
0x22: {  	[simem:s7], [sflag:s8] =	dma.local @!p0 [hbm:s6], $0xF7A  }
0x23: {  	s9 =	sor.u32 $0xD0000000, s2;
	s6 =	simm.s32 $0x108;
	_ =	swait.ge @!p0 [sflag:s8], $0x0  }
0x24: {  	s3 =	sadd.s32 $0x88, s3;
	s6 =	simm.s32 @!p1 $0x1082;
	[sflag:s4] =	ssyncset.s32 $0xFFFFF086  }
0x25: {  	[simem:s6], [sflag:s4] =	dma.local [hbm:s3], $0xF7A  }
0x26: {  	[smem:$0x3F98] =	sst s1;
	(tag) =	ssettag s2;
	_ =	strace s9  }
0x27: {  	s1 =	sld [smem:$0x3FA8]  }
0x28: {  	s2 =	sld [smem:$0x3FA9]  }
0x29: {  	s4 =	sld [smem:$0x3FAB]  }
0x2a: {  	p0 =	seq.s32 s5, $0x0;
	s5 =	sld [smem:$0x3FAC]  }
0x2b: {  	s6 =	sld [smem:$0x3FAD]  }
0x2c: {  	s7 =	sld [smem:$0x3FAE]  }
0x2d: {  	s3 =	simm.s32 $0x108;
	s8 =	sld [smem:$0x3FAF]  }
0x2e: {  	s3 =	simm.s32 @!p0 $0x1082;
	s9 =	sld [smem:$0x3FB0]  }
0x2f: {  	lr =	sadd.s32 s0, s3;
	s0 =	sld [smem:$0x3FA7]  }
0x30: {  	s3 =	sld [smem:$0x3FAA]  }
0x31: {  	[smem:$0x3FB3] =	sst s10  }
0x32: {  	s10 =	sld [smem:$0x3FB1];
	_ =	sdelay $0x3  }
0x33: {  	p0 =	seq.s32 s10, $0x1;
	s10 =	sld [smem:$0x3FB3];
	_ =	sdelay $0x3  }
0x34: {  	[smem:$0x3FB3] =	sst s10  }
0x35: {  	s10 =	sld [smem:$0x3FB2];
	_ =	sdelay $0x3  }
0x36: {  	p1 =	seq.s32 s10, $0x1;
	s10 =	sld [smem:$0x3FB3];
	_ =	sdelay $0x3  }
0x37: {  	[smem:$0x3FB3] =	sst s10  }
0x38: {  	s10 =	sld [smem:$0x3FB4]  }
0x39: {  	_ = 	snop;
	(pc) =	sbr.ind lr, $3  }
0x3a: {  	_ = 	snop  }
0x3b: {  	_ = 	snop  }
0x3c: {  	p2 =	seq.s32 s10, $0x1;
	s10 =	sld [smem:$0x3FB3]  }
0x3d: {  	_ =	shalt  }
0x3e: {  	_ =	shalt  }
0x3f: {  	_ =	shalt  }
0x40: {  	_ =	shalt  }
0x41: {  	_ =	shalt  }
0x42: {  	_ =	shalt  }
0x43: {  	_ =	shalt  }
0x44: {  	_ =	shalt  }
0x45: {  	_ =	shalt  }
0x46: {  	_ =	shalt  }
0x47: {  	_ =	shalt  }
0x48: {  	_ =	shalt  }
0x49: {  	_ =	shalt  }
0x4a: {  	_ =	shalt  }
0x4b: {  	_ =	shalt  }
0x4c: {  	_ =	shalt  }
0x4d: {  	_ =	shalt  }
0x4e: {  	_ =	shalt  }
0x4f: {  	_ =	shalt  }
0x50: {  	_ =	shalt  }
0x51: {  	_ =	shalt  }
0x52: {  	_ =	shalt  }
0x53: {  	_ =	shalt  }
0x54: {  	_ =	shalt  }
0x55: {  	_ =	shalt  }
0x56: {  	_ =	shalt  }
0x57: {  	_ =	shalt  }
0x58: {  	_ =	shalt  }
0x59: {  	_ =	shalt  }
0x5a: {  	_ =	shalt  }
0x5b: {  	_ =	shalt  }
0x5c: {  	_ =	shalt  }
0x5d: {  	_ =	shalt  }
0x5e: {  	_ =	shalt  }
0x5f: {  	_ =	shalt  }
0x60: {  	_ =	shalt  }
0x61: {  	_ =	shalt  }
0x62: {  	_ =	shalt  }
0x63: {  	_ =	shalt  }
0x64: {  	_ =	shalt  }
0x65: {  	_ =	shalt  }
0x66: {  	_ =	shalt  }
0x67: {  	_ =	shalt  }
0x68: {  	_ =	shalt  }
0x69: {  	_ =	shalt  }
0x6a: {  	_ =	shalt  }
0x6b: {  	_ =	shalt  }
0x6c: {  	_ =	shalt  }
0x6d: {  	_ =	shalt  }
0x6e: {  	_ =	shalt  }
0x6f: {  	_ =	shalt  }
0x70: {  	_ =	shalt  }
0x71: {  	_ =	shalt  }
0x72: {  	_ =	shalt  }
0x73: {  	_ =	shalt  }
0x74: {  	_ =	shalt  }
0x75: {  	_ =	shalt  }
0x76: {  	_ =	shalt  }
0x77: {  	_ =	shalt  }
0x78: {  	_ =	shalt  }
0x79: {  	_ =	shalt  }
0x7a: {  	_ =	shalt  }
0x7b: {  	_ =	shalt  }
0x7c: {  	_ =	shalt  }
0x7d: {  	_ =	shalt  }
0x7e: {  	_ =	shalt  }
0x7f: {  	_ =	shalt  }
0x80: {  	_ =	shalt  }
0x81: {  	_ =	shalt  }
0x82: {  	_ =	shalt  }
0x83: {  	_ =	shalt  }
0x84: {  	_ =	shalt  }
0x85: {  	_ =	shalt  }
0x86: {  	_ =	shalt  }
0x87: {  	_ =	shalt  }
.Lfunc_end0:
.L_simem_size_0:
called_computation_lowered:
.L_overlay_start_0:
0x88: {  	s2 =	sld [smem:$0x3FD9]  }
0x89: {  	s3 =	sld [smem:$0x3FFE];
	_ =	sdelay $0x1  }
0x8a: {  	s1 =	srdreg.scid  }
0x8b: {  	s0 =	sand.u32 $0x1, s1  }
0x8c: {  	s16 =	sshll.u32 s0, $0xA;
	s2 =	sadd.s32 s3, s2  }
0x8d: {  	s2 =	sadd.s32 s2, s16  }
0x8e: {  	[smem:$0x3FBF] =	sst s2  }
0x8f: {  	_ = 	snop  }
0x90: {  	(tm) =	ssettm $0x1  }
0x91: {  	s17 =	sld [smem:$0x3FFB];
	_ =	sdelay $0x3  }
0x92: {  	_ =	strace s17  }
0x93: {  	s2 =	sld [smem:$0x3FFC];
	_ =	sdelay $0x3  }
0x94: {  	_ =	strace s2  }
0x95: {  	s2 =	sld [smem:$0x3FFD];
	_ =	sdelay $0x3  }
0x96: {  	_ =	strace s2  }
0x97: {  	_ =	strace $0x8FFFFFFF  }
0x98: {  	s18 =	sld [smem:$0x3FDB];
	_ =	sdelay $0x1  }
0x99: {  	s19 =	simm.s32 $_scs_section_size  }
0x9a: {  	s4 =	simm.s32 $_size__tile_overlayer_lowered;
	s5 =	simm.s32 $_tile_overlayer_lowered  }
0x9b: {  	s22 =	simm.s32 $0x1BFF;
	s21 =	sshll.u32 s5, $0x1;
	s2 =	sadd.s32 s19, s18  }
0x9c: {  	s6 =	simm.s32 $0x0;
	s20 =	sshll.u32 s4, $0x1;
	s4 =	sadd.s32 s21, s2  }
0x9d: {  	[timem:s6], [sflag:s22] =	dma.local [hbm:s4], s20  }
0x9e: {  	_ =	swait.ge [sflag:s22], s20  }
0x9f: {  	s3 =	ssub.s32 $0x0, s20;
	[sflag:s22] =	ssyncset.done $0x0  }
0xa0: {  	[sflag:s22] =	ssyncadd.s32 s3;
	_ =	sdelay $0x1  }
0xa1: {  	s23 =	simm.s32 $0x1B8B  }
0xa2: {  	_ =	swait.ge [sflag:s23], $0x1  }
0xa3: {  	[sflag:s23] =	ssyncset.done $0x0  }
0xa4: {  	s25 =	simm.s32 $0x1B8E;
	s24 =	sld [smem:$0x3FFE];
	[sflag:s23] =	ssyncadd.s32 $0xFFFFFFFF  }
0xa5: {  	s26 =	simm.s32 $execute0_lowered;
	[smem:$0x3FD2] =	sst s25  }
0xa6: {  	s4 =	sshll.u32 s26, $0x1;
	_ =	strace $0x80000046;
	[dreg:$0x1] =	wrdreg $0xFFFFFFFF  }
0xa7: {  	s28 =	simm.s32 $_size_execute0_lowered;
	s2 =	sadd.s32 s2, s4;
	[dreg:$0x0] =	wrdreg $0x0  }
0xa8: {  	s4 =	sshll.u32 s28, $0x1;
	[dreg:$0x2] =	wrdreg s2  }
0xa9: {  	[dreg:$0x3] =	wrdreg s4  }
0xaa: {  	[dreg:$0x4] =	wrdreg $0xC0  }
0xab: {  	_ =	task [dreg:s6], $0x5FFFF  }
0xac: {  	[dreg:$0x1] =	wrdreg $0xFFFFFFFF  }
0xad: {  	[dreg:$0x0] =	wrdreg $0x60  }
0xae: {  	[dreg:$0x2] =	wrdreg s24  }
0xaf: {  	[dreg:$0x3] =	wrdreg $0x2F800  }
0xb0: {  	[dreg:$0x4] =	wrdreg $0x9  }
0xb1: {  	_ =	task.clear_ibuf [dreg:s6], $0x5FFFF;
	_ =	strace $0x90000046  }
0xb2: {  	s29 =	simm.s32 $0x9;
	_ =	strace $0x80000048  }
0xb3: {  	_ =	swait.ge [sflag:s29], $0x1  }
0xb4: {  	[sflag:s29] =	ssyncadd.s32 $0xFFFFFFFF  }
0xb5: {  	_ =	strace $0x90000048  }
0xb6: {  	_ =	sfence  }
0xb7: {  	s30 =	sld [smem:$0x0];
	_ =	sdelay $0x2  }
0xb8: {  	s31 =	sshll.u32 s1, $0xD;
	s1 =	sshrl.u32 s1, $0x2  }
0xb9: {  	s3 =	sand.u32 $0x4000, s31;
	s1 =	sadd.s32 s1, s30  }
0xba: {  	s0 =	sor.u32 s3, s0;
	s1 =	sshll.u32 s1, $0x11  }
0xbb: {  	s0 =	sor.u32 s1, s0  }
0xbc: {  	s0 =	sadd.s32 $0x8F2B, s0  }
0xbd: {  	[sflag:s0] =	ssyncadd.remote.s32 $0x1  }
0xbe: {  	_ =	sfence.sel $0xFFFF  }
0xbf: {  	[dreg:$0x0] =	wrdreg $0xFFFFFFFF;
	(pc) =	sbr.abs _section_cstart, $3  }
0xc0: {  	[dreg:$0x1] =	wrdreg $0xFFFFFFFF  }
0xc1: {  	_ =	task.clear_ibuf [dreg:s6], $0x2FFFF;
	_ =	strace $0x9FFFFFFF  }
0xc2: {  	(tm) =	ssettm $0x7FFFFFFF  }
0xc3: {  	_ =	shalt  }
tec
execute0_lowered:
.L_overlay_start_1:
0x0: {  	(tag) =	ssettag $0x1  }
0x1: {  	s7 =	rddreg [dreg:$0x0]  }
0x2: {  	s1 =	rddreg [dreg:$0x1]  }
0x3: {  	s0 =	rddreg [dreg:$0x2];
	s2 =	simm.s32 $0x0  }
0x4: {  	s3 =	srdreg.scid;
	s14 =	simm.s32 $0x17800;
	[smem:$0x7FF] =	sst s2  }
0x5: {  	s6 =	sand.u32 $0x1, s3;
	s3 =	stileid.u32;
	s4 =	sadd.s32 $0x17000, s7  }
0x6: {  	s5 =	sadd.s32 $0x17600, s7;
	s13 =	sadd.s32 $0xD240, s7;
	_ =	strace $0x80000047  }
0x7: {  	s8 =	ssub.s32 $0x2, s6;
	s10 =	smul.u32 $0x2780, s3;
	s29 =	sshll.u32 s3, $0x1  }
0x8: {  	p0 =	seq.s32 s6, $0x1;
	s31 =	sshll.u32 s3, $0x6;
	s9 =	sshrl.u32 s8, $0x1  }
0x9: {  	s14 =	simm.s32 @!p0 $0x1C800;
	p0 =	sgt.u32 s3, $0x1;
	s8 =	ssub.s32 s8, s9  }
0xa: {  	s9 =	sor.u32 s6, s29;
	s11 =	sadd.s32 s10, s1;
	s30 =	sshrl.u32 s10, $0x3  }
0xb: {  	s7 =	sadd.s32 s14, s7;
	s10 =	sor.u32 $0x1C02, s31;
	s14 =	simm.s32 $0x80  }
0xc: {  	s12 =	sshll.u32 s9, $0x4;
	s15 =	smul.u32 $0x4E0, s9;
	s6 =	smax.u32 s8, $0x1  }
0xd: {  	s7 =	sadd.s32 s7, s30;
	s8 =	simm.s32 $0x2780;
	s9 =	simm.s32 $0x2  }
0xe: {  	s11 =	sshrl.u32 s11, $0x3;
	s16 =	sor.u32 $0x9C00, s12;
	s12 =	sadd.s32 s15, s13  }
0xf: {  	s13 =	sadd.s32 @!p0 s13, s16;
	s15 =	simm.s32 $0x1;
	s16 =	simm.s32 $0x0  }
.LBB2_1:
0x10: {  	[tilespmem:s8], [sflag:$0x2] =	stream.linear.gather [hbm4b:s5+s2], $0x800, $0x38;
	[tilespmem:$0x5700] =	vst v63  }
0x11: {  	_ =	swait.ge [sflag:s9], $0x800  }
0x12: {  	[sflag:s9] =	ssyncset.done $0x0  }
0x13: {  	[sflag:s9] =	ssyncadd.s32 $0xFFFFF800  }
0x14: {  	[spmem:s11], [sflag:s10] =	dma.local [hbm:s4], $0x4F0  }
0x15: {  	_ =	swait.ge [sflag:s9], $0x4F0  }
0x16: {  	[sflag:s9] =	ssyncset.done $0x0  }
0x17: {  	[sflag:s9] =	ssyncadd.s32 $0xFFFFFB10  }
0x18: {  	[bflag:$0x0] =	sbarrier.arrive $0xFFFF  }
0x19: {  	[tilespmem:s2], [sflag:$0x2] =	stream.linear.gather [hbm4b:s12+s2], $0x2700, $0x38;
	[tilespmem:$0x5700] =	vst v63  }
0x1a: {  	_ =	swait.ge [sflag:s9], $0x2700  }
0x1b: {  	[sflag:s9] =	ssyncset.done $0x0  }
0x1c: {  	s17 =	simm.s32 @!p0 $0x0;
	s18 =	simm.s32 @!p0 $0x2700;
	[sflag:s9] =	ssyncadd.s32 $0xFFFFD900  }
0x1d: {  	[tilespmem:s18], [sflag:$0x2] =	stream.linear.gather @!p0 [hbm4b:s13+s17], $0x80, $0x38;
	[tilespmem:$0x5700] =	vst v63  }
0x1e: {  	s17 =	simm.s32 @!p0 $0x2  }
0x1f: {  	_ =	swait.ge @!p0 [sflag:s17], $0x80  }
0x20: {  	p1 =	por $0x1, $0x1;
	[sflag:s17] =	ssyncset.done @!p0 $0x0  }
0x21: {  	s19 =	simm.s32 @!p1 $0x1;
	[sflag:s17] =	ssyncadd.s32 @!p0 $0xFFFFFF80  }
0x22: {  	[spmem:s1] =	stream.indirect.scatter.add.f32 [tilespmem:s8], [sflag:$0x1], $0x10, s2, s14, $0xb8;
	[tilespmem:$0x5700] =	vst v63  }
0x23: {  	_ =	swait.ge @!p1 [sflag:s19], $0x800  }
0x24: {  	s18 =	simm.s32 $0x0;
	s17 =	simm.s32 $0x1;
	[sflag:s19] =	ssyncset.done @!p1 $0x0  }
.LBB2_2:
0x25: {  	[sflag:s19] =	ssyncadd.s32 @!p1 $0xFFFFF800  }
0x26: {  	s18 =	sadd.s32 $0x80, s18;
	s19 =	smov.u32 s17;
	s17 =	sadd.s32 $0x1, s17  }
0x27: {  	p2 =	sne.s32 s17, $0x4E  }
0x28: {  	[spmem:s1] =	stream.indirect.scatter.add.f32 [tilespmem:s8], [sflag:$0x1], $0x10, s18, s14, $0xb8;
	[tilespmem:$0x5700] =	vst v63  }
.Ltmp0:
0x29: {  	_ = 	snop;
	(pc) =	sbr.rel @p2 .LBB2_2-.Ltmp0, $4  }
0x2a: {  	p1 =	slt.u32 s19, $0x10  }
0x2b: {  	s19 =	simm.s32 @!p1 $0x1  }
0x2c: {  	_ =	swait.ge @!p1 [sflag:s19], $0x800  }
0x2d: {  	[sflag:s19] =	ssyncset.done @!p1 $0x0  }
0x2e: {  	[sflag:s19] =	ssyncadd.s32 @!p1 $0xFFFFF800  }
0x2f: {  	s17 =	simm.s32 @!p0 $0x80;
	s18 =	simm.s32 @!p0 $0x2700;
	s19 =	simm.s32 @!p0 $0x2780  }
0x30: {  	[spmem:s1] =	stream.indirect.scatter.add.f32 @!p0 [tilespmem:s19], [sflag:$0x1], $0x10, s18, s17, $0xb8;
	[tilespmem:$0x5700] =	vst v63  }
0x31: {  	s17 =	simm.s32 @!p0 $0x1  }
0x32: {  	_ =	swait.ge @!p0 [sflag:s17], $0x800  }
0x33: {  	[sflag:s17] =	ssyncset.done @!p0 $0x0  }
0x34: {  	[sflag:s17] =	ssyncadd.s32 @!p0 $0xFFFFF800  }
0x35: {  	_ =	swait.ge [sflag:s15], $0x800  }
0x36: {  	[sflag:s15] =	ssyncset.done $0x0  }
0x37: {  	[sflag:s15] =	ssyncadd.s32 $0xFFFFF800  }
0x38: {  	_ =	swait.ge [sflag:s15], $0x800  }
0x39: {  	[sflag:s15] =	ssyncset.done $0x0  }
0x3a: {  	[sflag:s15] =	ssyncadd.s32 $0xFFFFF800  }
0x3b: {  	_ =	swait.ge [sflag:s15], $0x800  }
0x3c: {  	[sflag:s15] =	ssyncset.done $0x0  }
0x3d: {  	[sflag:s15] =	ssyncadd.s32 $0xFFFFF800  }
0x3e: {  	_ =	swait.ge [sflag:s15], $0x800  }
0x3f: {  	[sflag:s15] =	ssyncset.done $0x0  }
0x40: {  	[sflag:s15] =	ssyncadd.s32 $0xFFFFF800  }
0x41: {  	_ =	swait.ge [sflag:s15], $0x800  }
0x42: {  	[sflag:s15] =	ssyncset.done $0x0  }
0x43: {  	[sflag:s15] =	ssyncadd.s32 $0xFFFFF800  }
0x44: {  	_ =	swait.ge [sflag:s15], $0x800  }
0x45: {  	[sflag:s15] =	ssyncset.done $0x0  }
0x46: {  	[sflag:s15] =	ssyncadd.s32 $0xFFFFF800  }
0x47: {  	_ =	swait.ge [sflag:s15], $0x800  }
0x48: {  	[sflag:s15] =	ssyncset.done $0x0  }
0x49: {  	[sflag:s15] =	ssyncadd.s32 $0xFFFFF800  }
0x4a: {  	_ =	swait.ge [sflag:s15], $0x800  }
0x4b: {  	[sflag:s15] =	ssyncset.done $0x0  }
0x4c: {  	[sflag:s15] =	ssyncadd.s32 $0xFFFFF800  }
0x4d: {  	_ =	swait.ge [sflag:s15], $0x800  }
0x4e: {  	[sflag:s15] =	ssyncset.done $0x0  }
0x4f: {  	[sflag:s15] =	ssyncadd.s32 $0xFFFFF800  }
0x50: {  	_ =	swait.ge [sflag:s15], $0x800  }
0x51: {  	[sflag:s15] =	ssyncset.done $0x0  }
0x52: {  	[sflag:s15] =	ssyncadd.s32 $0xFFFFF800  }
0x53: {  	_ =	swait.ge [sflag:s15], $0x800  }
0x54: {  	[sflag:s15] =	ssyncset.done $0x0  }
0x55: {  	[sflag:s15] =	ssyncadd.s32 $0xFFFFF800  }
0x56: {  	_ =	swait.ge [sflag:s15], $0x800  }
0x57: {  	[sflag:s15] =	ssyncset.done $0x0  }
0x58: {  	[sflag:s15] =	ssyncadd.s32 $0xFFFFF800  }
0x59: {  	_ =	swait.ge [sflag:s15], $0x800  }
0x5a: {  	[sflag:s15] =	ssyncset.done $0x0  }
0x5b: {  	[sflag:s15] =	ssyncadd.s32 $0xFFFFF800  }
0x5c: {  	_ =	swait.ge [sflag:s15], $0x800  }
0x5d: {  	[sflag:s15] =	ssyncset.done $0x0  }
0x5e: {  	[sflag:s15] =	ssyncadd.s32 $0xFFFFF800  }
0x5f: {  	_ =	swait.ge [sflag:s15], $0x800  }
0x60: {  	[sflag:s15] =	ssyncset.done $0x0  }
0x61: {  	[sflag:s15] =	ssyncadd.s32 $0xFFFFF800  }
0x62: {  	_ =	swait.ge [sflag:s15], $0x800  }
0x63: {  	s16 =	sadd.s32 $0x1, s16;
	[sflag:s15] =	ssyncset.done $0x0  }
0x64: {  	p1 =	sne.s32 s16, s6;
	[sflag:s15] =	ssyncadd.s32 $0xFFFFF800  }
.Ltmp1:
0x65: {  	[bflag:$0x0] =	sbarrier.arrive $0xFFFF;
	(pc) =	sbr.rel @p1 .LBB2_1-.Ltmp1, $4  }
0x66: {  	[hbm:s7], [sflag:s10] =	dma.local [spmem:s11], $0x4F0  }
0x67: {  	_ =	swait.ge [sflag:s9], $0x4F0  }
0x68: {  	[sflag:s9] =	ssyncset.done $0x0  }
0x69: {  	[sflag:s9] =	ssyncadd.s32 $0xFFFFFB10  }
0x6a: {  	_ =	sfence.sel $0x180000  }
0x6b: {  	[bflag:$0x0] =	sbarrier.arrive $0xFFFF  }
0x6c: {  	p0 =	sne.s32 s3, $0x0;
	_ =	strace $0x90000047  }
0x6d: {  	s0 =	sadd.s32 @!p0 $0x100000, s0;
	[bflag:$0x2] =	sbarrier.arrive $0xFFFF  }
0x6e: {  	[sflag:s0] =	ssyncadd.tile.s32 @!p0 $0x1;
	_ =	shalt  }
.Lfunc_end2:
_tile_overlayer_lowered:
.L_overlay_start_2:
0x6f: {  	(tag) =	ssettag $0x2  }
0x70: {  	s0 =	rddreg [dreg:$0x0];
	s2 =	stileid.u32  }
0x71: {  	s1 =	rddreg [dreg:$0x1];
	p0 =	sne.s32 s2, $0x0  }
0x72: {  	s3 =	rddreg [dreg:$0x2];
	[bflag:$0x3] =	sbarrier.arrive $0xFFFF;
	s2 =	simm.s32 @!p0 $0x1C02  }
0x73: {  	[timem:s3], [sflag:s2] =	dma.local @!p0 [hbm:s0], s1  }
0x74: {  	s0 =	simm.s32 @!p0 $0x2  }
0x75: {  	_ =	swait.ge @!p0 [sflag:s0], s1  }
0x76: {  	s1 =	ssub.s32 @!p0 $0x0, s1;
	[sflag:s0] =	ssyncset.done @!p0 $0x0  }
0x77: {  	[sflag:s0] =	ssyncadd.s32 @!p0 s1  }
0x78: {  	[bflag:$0x3] =	sbarrier.arrive $0xFFFF  }
0x79: {  	_ =	shalt  }

</sc_bundles>
